<compile_context>
chip_gen: v7x
topology: tpu7x:2x2x1
jax: 0.10.2.dev20260603
libtpu: 0.0.44.dev20260713+nightly
codegen_flags: <defaults>
</compile_context>

<pallas_src>
import jax
import jax.numpy as jnp
from jax import lax
from jax.experimental import pallas as pl
from jax.experimental.pallas import tpu as pltpu
from jax.experimental.pallas import tpu_sc as plsc

N = 10000
E = 320000
D = 128
NC = 2
NS = 16
NW = NC * NS
EW = E // NW
CH = 100
NCH = EW // CH
ECH = 50
ENCH = EW // ECH
ROWS_T = N // NS

DEGW = 16

R = 1000
GRID = N // R

import functools



def _sc_deg_body(dst_hbm, ones_hbm, zeros_hbm, out_hbm, dst_v, ones_v, acc):
    c = lax.axis_index("c")
    s = lax.axis_index("s")
    wid = c * NS + s
    pltpu.sync_copy(dst_hbm.at[pl.ds(wid * NCH, NCH), :], dst_v)
    pltpu.sync_copy(ones_hbm, ones_v)

    @pl.when(s == 0)
    def _():
        pltpu.sync_copy(zeros_hbm, acc)

    plsc.subcore_barrier()

    def step(j, carry):
        pltpu.sync_copy(ones_v, acc.at[dst_v.at[j]], add=True)
        return carry

    lax.fori_loop(0, NCH, step, 0)
    plsc.subcore_barrier()

    @pl.when(s == 0)
    def _():
        pltpu.sync_copy(acc, out_hbm.at[c])


_SC_PARAMS = pltpu.CompilerParams(use_tc_tiling_on_sc=False,
                                  needs_layout_passes=False)


@functools.cache
def _deg_call_fn():
    mesh = plsc.VectorSubcoreMesh(core_axis_name="c", subcore_axis_name="s",
                                  num_cores=NC, num_subcores=NS)
    return pl.kernel(
        _sc_deg_body,
        out_type=jax.ShapeDtypeStruct((NC, N, DEGW), jnp.float32),
        mesh=mesh,
        compiler_params=_SC_PARAMS,
        scratch_types=[
            pltpu.VMEM((NCH, CH), jnp.int32),
            pltpu.VMEM((CH, DEGW), jnp.float32),
            pltpu.VMEM_SHARED((N, DEGW), jnp.float32),
        ],
    )


NB = 4


def _sc_edge_body(g_hbm, src_hbm, dst_hbm, zeros_hbm, out_hbm,
                  src_v, dst_v, rows0, rows1, rows2, rows3, acc,
                  sem0, sem1, sem2, sem3):
    c = lax.axis_index("c")
    s = lax.axis_index("s")
    wid = c * NS + s
    rows = (rows0, rows1, rows2, rows3)
    sems = (sem0, sem1, sem2, sem3)
    pltpu.sync_copy(src_hbm.at[pl.ds(wid * ENCH, ENCH), :], src_v)
    pltpu.sync_copy(dst_hbm.at[pl.ds(wid * ENCH, ENCH), :], dst_v)
    pltpu.sync_copy(zeros_hbm, acc.at[pl.ds(s * ROWS_T, ROWS_T), :])
    plsc.subcore_barrier()

    for b in range(NB):
        pltpu.async_copy(g_hbm.at[src_v.at[b]], rows[b], sems[b])

    def step(i, carry):
        j0 = i * NB
        for b in range(NB):
            j = j0 + b
            pltpu.make_async_copy(g_hbm.at[src_v.at[j]], rows[b],
                                  sems[b]).wait()
            pltpu.sync_copy(rows[b], acc.at[dst_v.at[j]], add=True)

            @pl.when(j + NB < ENCH)
            def _():
                pltpu.async_copy(g_hbm.at[src_v.at[j + NB]], rows[b],
                                 sems[b])
        return carry

    lax.fori_loop(0, ENCH // NB, step, 0)
    for b in range(ENCH % NB):
        j = (ENCH // NB) * NB + b
        pltpu.make_async_copy(g_hbm.at[src_v.at[j]], rows[b], sems[b]).wait()
        pltpu.sync_copy(rows[b], acc.at[dst_v.at[j]], add=True)
    plsc.subcore_barrier()
    pltpu.sync_copy(acc.at[pl.ds(s * ROWS_T, ROWS_T), :],
                    out_hbm.at[c, pl.ds(s * ROWS_T, ROWS_T), :])


@functools.cache
def _edge_call_fn():
    mesh = plsc.VectorSubcoreMesh(core_axis_name="c", subcore_axis_name="s",
                                  num_cores=NC, num_subcores=NS)
    return pl.kernel(
        _sc_edge_body,
        out_type=jax.ShapeDtypeStruct((NC, N, D), jnp.float32),
        mesh=mesh,
        compiler_params=_SC_PARAMS,
        scratch_types=[
            pltpu.VMEM((ENCH, ECH), jnp.int32),
            pltpu.VMEM((ENCH, ECH), jnp.int32),
            pltpu.VMEM((ECH, D), jnp.float32),
            pltpu.VMEM((ECH, D), jnp.float32),
            pltpu.VMEM((ECH, D), jnp.float32),
            pltpu.VMEM((ECH, D), jnp.float32),
            pltpu.VMEM_SHARED((N, D), jnp.float32),
            pltpu.SemaphoreType.DMA,
            pltpu.SemaphoreType.DMA,
            pltpu.SemaphoreType.DMA,
            pltpu.SemaphoreType.DMA,
        ],
    )



def _tc_in_body(x_ref, degp_ref, Win_ref, bin_ref, Wc0_ref,
                g_ref, dinv_ref):
    deg = degp_ref[0, :, 0:1] + degp_ref[1, :, 0:1] + 1.0
    dinv = lax.rsqrt(deg)
    t = jnp.maximum(
        jnp.dot(x_ref[...], Win_ref[...], preferred_element_type=jnp.float32)
        + bin_ref[...], 0.0)
    g_ref[...] = dinv * jnp.dot(t, Wc0_ref[...],
                                preferred_element_type=jnp.float32)
    dinv_ref[...] = dinv


def _tc_mid_body(sp_ref, g_ref, dinv_ref, b_ref, W_ref, gn_ref):
    dinv = dinv_ref[...]
    h = jnp.maximum(
        dinv * (sp_ref[0] + sp_ref[1] + g_ref[...]) + b_ref[...], 0.0)
    gn_ref[...] = dinv * jnp.dot(h, W_ref[...],
                                 preferred_element_type=jnp.float32)


def _tc_out_body(sp_ref, g_ref, dinv_ref, bc_ref, Wout_ref, bout_ref, o_ref):
    dinv = dinv_ref[...]
    h = jnp.maximum(
        dinv * (sp_ref[0] + sp_ref[1] + g_ref[...]) + bc_ref[...], 0.0)
    o_ref[...] = jnp.maximum(
        jnp.dot(h, Wout_ref[...], preferred_element_type=jnp.float32)
        + bout_ref[...], 0.0)


_W_SPEC = pl.BlockSpec((D, D), lambda i: (0, 0))
_B_SPEC = pl.BlockSpec((1, D), lambda i: (0, 0))
_ROW_SPEC = pl.BlockSpec((R, D), lambda i: (i, 0))
_DINV_SPEC = pl.BlockSpec((R, 1), lambda i: (i, 0))
_SP_SPEC = pl.BlockSpec((2, R, D), lambda i: (0, i, 0))


def _tc_in(x2, degp, W_in, b_in2, Wc0):
    return pl.pallas_call(
        _tc_in_body,
        grid=(GRID,),
        in_specs=[_ROW_SPEC, pl.BlockSpec((2, R, DEGW), lambda i: (0, i, 0)),
                  _W_SPEC, _B_SPEC, _W_SPEC],
        out_specs=[_ROW_SPEC, _DINV_SPEC],
        out_shape=[jax.ShapeDtypeStruct((N, D), jnp.float32),
                   jax.ShapeDtypeStruct((N, 1), jnp.float32)],
    )(x2, degp, W_in, b_in2, Wc0)


def _tc_mid(sp, g, dinv, b2, Wn):
    return pl.pallas_call(
        _tc_mid_body,
        grid=(GRID,),
        in_specs=[_SP_SPEC, _ROW_SPEC, _DINV_SPEC, _B_SPEC, _W_SPEC],
        out_specs=_ROW_SPEC,
        out_shape=jax.ShapeDtypeStruct((N, D), jnp.float32),
    )(sp, g, dinv, b2, Wn)


def _tc_out(sp, g, dinv, bc2, W_out, bout2):
    return pl.pallas_call(
        _tc_out_body,
        grid=(GRID,),
        in_specs=[_SP_SPEC, _ROW_SPEC, _DINV_SPEC, _B_SPEC, _W_SPEC, _B_SPEC],
        out_specs=_ROW_SPEC,
        out_shape=jax.ShapeDtypeStruct((N, D), jnp.float32),
    )(sp, g, dinv, bc2, W_out, bout2)



def kernel(x, edge_index, W_in, b_in, Wc0, bc0, Wc1, bc1, Wc2, bc2,
           W_out, b_out):
    x2 = x.reshape(N, D)
    src2 = edge_index[0].reshape(NW * NCH, CH)
    dst2 = edge_index[1].reshape(NW * NCH, CH)
    esrc2 = edge_index[0].reshape(NW * ENCH, ECH)
    edst2 = edge_index[1].reshape(NW * ENCH, ECH)
    ones_c = jnp.ones((CH, DEGW), jnp.float32)
    zeros_deg = jnp.zeros((N, DEGW), jnp.float32)
    zeros_rows = jnp.zeros((ROWS_T, D), jnp.float32)

    degp = _deg_call_fn()(dst2, ones_c, zeros_deg)
    _edge_call = _edge_call_fn()
    g0, dinv = _tc_in(x2, degp, W_in, b_in.reshape(1, D), Wc0)
    s0 = _edge_call(g0, esrc2, edst2, zeros_rows)
    g1 = _tc_mid(s0, g0, dinv, bc0.reshape(1, D), Wc1)
    s1 = _edge_call(g1, esrc2, edst2, zeros_rows)
    g2 = _tc_mid(s1, g1, dinv, bc1.reshape(1, D), Wc2)
    s2 = _edge_call(g2, esrc2, edst2, zeros_rows)
    out = _tc_out(s2, g2, dinv, bc2.reshape(1, D), W_out, b_out.reshape(1, D))
    return out.reshape(1, N, D)

# --- scband reference (transcript-rebuilt; emitter-appended) ---
"""Pipeline reference for scband-gcnencoder-55508157333634 (READ-ONLY COPY).

The authoritative reference and input builder live on the scoring server;
editing this copy changes nothing except your own understanding.
"""

import jax, jax.numpy as jnp
import numpy as np

N_NODES = 10000
N_EDGES = 320000
D = 128


def gcn_conv(x, edge_index, W, b):
    # PyG GCNConv: add self-loops, symmetric normalization D^-1/2 (A+I) D^-1/2,
    # then aggregate (x @ W) from src -> dst, plus bias.
    n = x.shape[0]
    loop = jnp.arange(n, dtype=edge_index.dtype)
    src = jnp.concatenate([edge_index[0], loop])
    dst = jnp.concatenate([edge_index[1], loop])
    h = x @ W
    deg = jax.ops.segment_sum(jnp.ones(src.shape[0], dtype=x.dtype), dst, num_segments=n)
    dinv = jnp.where(deg > 0, deg ** -0.5, 0.0)
    w = dinv[src] * dinv[dst]
    out = jax.ops.segment_sum(h[src] * w[:, None], dst, num_segments=n)
    return out + b


def setup_inputs(seed: int = 0):
    key = jax.random.key(seed)
    ks = jax.random.split(key, 16)
    x = jax.random.normal(ks[0], (1, N_NODES, D), dtype=jnp.float32)
    edge_index = jax.random.randint(ks[1], (2, N_EDGES), 0, N_NODES, dtype=jnp.int32)
    s = 0.05
    params = {
        'W_in': jax.random.normal(ks[2], (D, D), dtype=jnp.float32) * s,
        'b_in': jnp.zeros((D,), dtype=jnp.float32),
        'Wc0': jax.random.normal(ks[3], (D, D), dtype=jnp.float32) * s,
        'bc0': jnp.zeros((D,), dtype=jnp.float32),
        'Wc1': jax.random.normal(ks[4], (D, D), dtype=jnp.float32) * s,
        'bc1': jnp.zeros((D,), dtype=jnp.float32),
        'Wc2': jax.random.normal(ks[5], (D, D), dtype=jnp.float32) * s,
        'bc2': jnp.zeros((D,), dtype=jnp.float32),
        'W_out': jax.random.normal(ks[6], (D, D), dtype=jnp.float32) * s,
        'b_out': jnp.zeros((D,), dtype=jnp.float32),
    }
    return {'x': x, 'edge_index': edge_index, **params}


def reference(x, edge_index, W_in, b_in, Wc0, bc0, Wc1, bc1, Wc2, bc2, W_out, b_out):
    # dropout omitted (eval mode)
    B = x.shape[0]
    h = x.reshape(B * x.shape[1], x.shape[2])
    h = jax.nn.relu(h @ W_in + b_in)
    for W, b in ((Wc0, bc0), (Wc1, bc1), (Wc2, bc2)):
        h = jax.nn.relu(gcn_conv(h, edge_index, W, b))
    h = jax.nn.relu(h @ W_out + b_out)
    return h.reshape(B, -1, h.shape[-1])

if __name__ == "__main__":
    import jax
    _d = setup_inputs()
    print(jax.jit(kernel)(*tuple(_d.values())))

</pallas_src>

<mosaic_0001>
#map = affine_map<(d0, d1) -> (0, 0)>
#map1 = affine_map<(d0, d1) -> (0, 0, 0)>
module attributes {stable_mosaic.version = 14 : i64} {
  func.func @_sc_edge_body(%arg0: i32, %arg1: i32, %arg2: memref<10000x128xf32, #tpu.memory_space<hbm>>, %arg3: memref<6400x50xi32, #tpu.memory_space<hbm>>, %arg4: memref<6400x50xi32, #tpu.memory_space<hbm>>, %arg5: memref<625x128xf32, #tpu.memory_space<hbm>>, %arg6: memref<2x10000x128xf32, #tpu.memory_space<hbm>>, %arg7: memref<200x50xi32, #tpu.memory_space<vmem>>, %arg8: memref<200x50xi32, #tpu.memory_space<vmem>>, %arg9: memref<50x128xf32, #tpu.memory_space<vmem>>, %arg10: memref<50x128xf32, #tpu.memory_space<vmem>>, %arg11: memref<50x128xf32, #tpu.memory_space<vmem>>, %arg12: memref<50x128xf32, #tpu.memory_space<vmem>>, %arg13: memref<10000x128xf32, #tpu.memory_space<vmem_shared>>, %arg14: memref<!tpu.dma_semaphore, #tpu.memory_space<semaphore_mem>>, %arg15: memref<!tpu.dma_semaphore, #tpu.memory_space<semaphore_mem>>, %arg16: memref<!tpu.dma_semaphore, #tpu.memory_space<semaphore_mem>>, %arg17: memref<!tpu.dma_semaphore, #tpu.memory_space<semaphore_mem>>) attributes {dimension_semantics = [#tpu.dimension_semantics<core_parallel>, #tpu.dimension_semantics<subcore_parallel>], iteration_bounds = array<i64: 2, 16>, scalar_prefetch = 0 : i64, scratch_operands = 11 : i64, tpu.core_type = #tpu.core_type<sc_vector_subcore>, window_params = [{transform_indices = #map}, {transform_indices = #map}, {transform_indices = #map}, {transform_indices = #map}, {transform_indices = #map1}]} {
    %mul3A = arith.constant 16 : i32
    %mul3A_0 = arith.muli %arg0, %mul3A : i32
    %add3A = arith.addi %mul3A_0, %arg1 : i32
    %mul3A_1 = arith.constant 200 : i32
    %mul3A_2 = arith.muli %add3A, %mul3A_1 : i32
    "tpu.region"() ({
      %run_scoped3A = tpu.sem_alloc : memref<!tpu.dma_semaphore, #tpu.memory_space<semaphore_mem>>
      %dma_start3A_44 = arith.constant 0 : i32
      %dma_start3A_45 = tpu.memref_slice %arg3[%mul3A_2, %dma_start3A_44] : memref<6400x50xi32, #tpu.memory_space<hbm>> -> memref<200x50xi32, #tpu.memory_space<hbm>>
      %dma_start3A_46 = arith.constant 0 : i32
      %dma_start3A_47 = tpu.memref_slice %arg3[%mul3A_2, %dma_start3A_46] : memref<6400x50xi32, #tpu.memory_space<hbm>> -> memref<200x50xi32, #tpu.memory_space<hbm>>
      tpu.enqueue_dma source(%dma_start3A_47 : memref<200x50xi32, #tpu.memory_space<hbm>>) target(%arg7 : memref<200x50xi32, #tpu.memory_space<vmem>>) target_semaphore(%run_scoped3A : memref<!tpu.dma_semaphore, #tpu.memory_space<semaphore_mem>>)
      %dma_wait3A = arith.constant 0 : i32
      %dma_wait3A_48 = tpu.memref_slice %arg3[%mul3A_2, %dma_wait3A] : memref<6400x50xi32, #tpu.memory_space<hbm>> -> memref<200x50xi32, #tpu.memory_space<hbm>>
      %dma_wait3A_49 = arith.constant 0 : i32
      %dma_wait3A_50 = tpu.memref_slice %arg3[%mul3A_2, %dma_wait3A_49] : memref<6400x50xi32, #tpu.memory_space<hbm>> -> memref<200x50xi32, #tpu.memory_space<hbm>>
      tpu.wait_dma2 semaphore(%run_scoped3A : memref<!tpu.dma_semaphore, #tpu.memory_space<semaphore_mem>>) src(%dma_wait3A_50 : memref<200x50xi32, #tpu.memory_space<hbm>>) dst(%arg7 : memref<200x50xi32, #tpu.memory_space<vmem>>)
      tpu.yield
    }) : () -> ()
    %mul3A_3 = arith.constant 200 : i32
    %mul3A_4 = arith.muli %add3A, %mul3A_3 : i32
    "tpu.region"() ({
      %run_scoped3A = tpu.sem_alloc : memref<!tpu.dma_semaphore, #tpu.memory_space<semaphore_mem>>
      %dma_start3A_44 = arith.constant 0 : i32
      %dma_start3A_45 = tpu.memref_slice %arg4[%mul3A_4, %dma_start3A_44] : memref<6400x50xi32, #tpu.memory_space<hbm>> -> memref<200x50xi32, #tpu.memory_space<hbm>>
      %dma_start3A_46 = arith.constant 0 : i32
      %dma_start3A_47 = tpu.memref_slice %arg4[%mul3A_4, %dma_start3A_46] : memref<6400x50xi32, #tpu.memory_space<hbm>> -> memref<200x50xi32, #tpu.memory_space<hbm>>
      tpu.enqueue_dma source(%dma_start3A_47 : memref<200x50xi32, #tpu.memory_space<hbm>>) target(%arg8 : memref<200x50xi32, #tpu.memory_space<vmem>>) target_semaphore(%run_scoped3A : memref<!tpu.dma_semaphore, #tpu.memory_space<semaphore_mem>>)
      %dma_wait3A = arith.constant 0 : i32
      %dma_wait3A_48 = tpu.memref_slice %arg4[%mul3A_4, %dma_wait3A] : memref<6400x50xi32, #tpu.memory_space<hbm>> -> memref<200x50xi32, #tpu.memory_space<hbm>>
      %dma_wait3A_49 = arith.constant 0 : i32
      %dma_wait3A_50 = tpu.memref_slice %arg4[%mul3A_4, %dma_wait3A_49] : memref<6400x50xi32, #tpu.memory_space<hbm>> -> memref<200x50xi32, #tpu.memory_space<hbm>>
      tpu.wait_dma2 semaphore(%run_scoped3A : memref<!tpu.dma_semaphore, #tpu.memory_space<semaphore_mem>>) src(%dma_wait3A_50 : memref<200x50xi32, #tpu.memory_space<hbm>>) dst(%arg8 : memref<200x50xi32, #tpu.memory_space<vmem>>)
      tpu.yield
    }) : () -> ()
    %mul3A_5 = arith.constant 625 : i32
    %mul3A_6 = arith.muli %arg1, %mul3A_5 : i32
    "tpu.region"() ({
      %run_scoped3A = tpu.sem_alloc : memref<!tpu.dma_semaphore, #tpu.memory_space<semaphore_mem>>
      %dma_start3A_44 = arith.constant 0 : i32
      %dma_start3A_45 = tpu.memref_slice %arg13[%mul3A_6, %dma_start3A_44] : memref<10000x128xf32, #tpu.memory_space<vmem_shared>> -> memref<625x128xf32, #tpu.memory_space<vmem_shared>>
      tpu.enqueue_dma source(%arg5 : memref<625x128xf32, #tpu.memory_space<hbm>>) target(%dma_start3A_45 : memref<625x128xf32, #tpu.memory_space<vmem_shared>>) target_semaphore(%run_scoped3A : memref<!tpu.dma_semaphore, #tpu.memory_space<semaphore_mem>>)
      %dma_wait3A = arith.constant 0 : i32
      %dma_wait3A_46 = tpu.memref_slice %arg13[%mul3A_6, %dma_wait3A] : memref<10000x128xf32, #tpu.memory_space<vmem_shared>> -> memref<625x128xf32, #tpu.memory_space<vmem_shared>>
      tpu.wait_dma2 semaphore(%run_scoped3A : memref<!tpu.dma_semaphore, #tpu.memory_space<semaphore_mem>>) src(%arg5 : memref<625x128xf32, #tpu.memory_space<hbm>>) dst(%dma_wait3A_46 : memref<625x128xf32, #tpu.memory_space<vmem_shared>>)
      tpu.yield
    }) : () -> ()
    %barrier3A = arith.constant 0 : index
    tpu.barrier barrier_id(%barrier3A)
    %dma_start3A = arith.constant 0 : i32
    %dma_start3A_7 = arith.constant 0 : i32
    %dma_start3A_8 = tpu.memref_slice %arg7[%dma_start3A, %dma_start3A_7] : memref<200x50xi32, #tpu.memory_space<vmem>> -> memref<1x50xi32, #tpu.memory_space<vmem>>
    %dma_start3A_9 = tpu.memref_squeeze %dma_start3A_8 : memref<1x50xi32, #tpu.memory_space<vmem>> -> memref<50xi32, #tpu.memory_space<vmem>>
    %dma_start3A_10 = arith.constant 0 : i32
    %dma_start3A_11 = arith.constant 0 : i32
    %dma_start3A_12 = tpu.memref_slice %arg2[%dma_start3A_10, %dma_start3A_11] : memref<10000x128xf32, #tpu.memory_space<hbm>> -> memref<10000x128xf32, #tpu.memory_space<hbm>>
    tpu.enqueue_indirect_dma source(%dma_start3A_12 : memref<10000x128xf32, #tpu.memory_space<hbm>>) target(%arg9 : memref<50x128xf32, #tpu.memory_space<vmem>>) offsets(%dma_start3A_9 : memref<50xi32, #tpu.memory_space<vmem>>) semaphore(%arg14 : memref<!tpu.dma_semaphore, #tpu.memory_space<semaphore_mem>>)
    %dma_start3A_13 = arith.constant 1 : i32
    %dma_start3A_14 = arith.constant 0 : i32
    %dma_start3A_15 = tpu.memref_slice %arg7[%dma_start3A_13, %dma_start3A_14] : memref<200x50xi32, #tpu.memory_space<vmem>> -> memref<1x50xi32, #tpu.memory_space<vmem>>
    %dma_start3A_16 = tpu.memref_squeeze %dma_start3A_15 : memref<1x50xi32, #tpu.memory_space<vmem>> -> memref<50xi32, #tpu.memory_space<vmem>>
    %dma_start3A_17 = arith.constant 0 : i32
    %dma_start3A_18 = arith.constant 0 : i32
    %dma_start3A_19 = tpu.memref_slice %arg2[%dma_start3A_17, %dma_start3A_18] : memref<10000x128xf32, #tpu.memory_space<hbm>> -> memref<10000x128xf32, #tpu.memory_space<hbm>>
    tpu.enqueue_indirect_dma source(%dma_start3A_19 : memref<10000x128xf32, #tpu.memory_space<hbm>>) target(%arg10 : memref<50x128xf32, #tpu.memory_space<vmem>>) offsets(%dma_start3A_16 : memref<50xi32, #tpu.memory_space<vmem>>) semaphore(%arg15 : memref<!tpu.dma_semaphore, #tpu.memory_space<semaphore_mem>>)
    %dma_start3A_20 = arith.constant 2 : i32
    %dma_start3A_21 = arith.constant 0 : i32
    %dma_start3A_22 = tpu.memref_slice %arg7[%dma_start3A_20, %dma_start3A_21] : memref<200x50xi32, #tpu.memory_space<vmem>> -> memref<1x50xi32, #tpu.memory_space<vmem>>
    %dma_start3A_23 = tpu.memref_squeeze %dma_start3A_22 : memref<1x50xi32, #tpu.memory_space<vmem>> -> memref<50xi32, #tpu.memory_space<vmem>>
    %dma_start3A_24 = arith.constant 0 : i32
    %dma_start3A_25 = arith.constant 0 : i32
    %dma_start3A_26 = tpu.memref_slice %arg2[%dma_start3A_24, %dma_start3A_25] : memref<10000x128xf32, #tpu.memory_space<hbm>> -> memref<10000x128xf32, #tpu.memory_space<hbm>>
    tpu.enqueue_indirect_dma source(%dma_start3A_26 : memref<10000x128xf32, #tpu.memory_space<hbm>>) target(%arg11 : memref<50x128xf32, #tpu.memory_space<vmem>>) offsets(%dma_start3A_23 : memref<50xi32, #tpu.memory_space<vmem>>) semaphore(%arg16 : memref<!tpu.dma_semaphore, #tpu.memory_space<semaphore_mem>>)
    %dma_start3A_27 = arith.constant 3 : i32
    %dma_start3A_28 = arith.constant 0 : i32
    %dma_start3A_29 = tpu.memref_slice %arg7[%dma_start3A_27, %dma_start3A_28] : memref<200x50xi32, #tpu.memory_space<vmem>> -> memref<1x50xi32, #tpu.memory_space<vmem>>
    %dma_start3A_30 = tpu.memref_squeeze %dma_start3A_29 : memref<1x50xi32, #tpu.memory_space<vmem>> -> memref<50xi32, #tpu.memory_space<vmem>>
    %dma_start3A_31 = arith.constant 0 : i32
    %dma_start3A_32 = arith.constant 0 : i32
    %dma_start3A_33 = tpu.memref_slice %arg2[%dma_start3A_31, %dma_start3A_32] : memref<10000x128xf32, #tpu.memory_space<hbm>> -> memref<10000x128xf32, #tpu.memory_space<hbm>>
    tpu.enqueue_indirect_dma source(%dma_start3A_33 : memref<10000x128xf32, #tpu.memory_space<hbm>>) target(%arg12 : memref<50x128xf32, #tpu.memory_space<vmem>>) offsets(%dma_start3A_30 : memref<50xi32, #tpu.memory_space<vmem>>) semaphore(%arg17 : memref<!tpu.dma_semaphore, #tpu.memory_space<semaphore_mem>>)
    %scan3A = arith.constant 0 : i32
    %scan3A_34 = arith.constant 0 : i32
    %scan3A_35 = arith.constant 50 : i32
    %scan3A_36 = arith.addi %scan3A_34, %scan3A_35 : i32
    %scan3A_37 = arith.constant 1 : i32
    scf.for %scan3A_44 = %scan3A_34 to %scan3A_36 step %scan3A_37  : i32 {
      %mul3A_45 = arith.constant 4 : i32
      %mul3A_46 = arith.muli %scan3A_44, %mul3A_45 : i32
      %add3A_47 = arith.constant 0 : i32
      %add3A_48 = arith.addi %mul3A_46, %add3A_47 : i32
      %dma_wait3A = arith.constant 0 : i32
      %dma_wait3A_49 = tpu.memref_slice %arg7[%add3A_48, %dma_wait3A] : memref<200x50xi32, #tpu.memory_space<vmem>> -> memref<1x50xi32, #tpu.memory_space<vmem>>
      %dma_wait3A_50 = tpu.memref_squeeze %dma_wait3A_49 : memref<1x50xi32, #tpu.memory_space<vmem>> -> memref<50xi32, #tpu.memory_space<vmem>>
      %dma_wait3A_51 = arith.constant 0 : i32
      %dma_wait3A_52 = arith.constant 0 : i32
      %dma_wait3A_53 = tpu.memref_slice %arg2[%dma_wait3A_51, %dma_wait3A_52] : memref<10000x128xf32, #tpu.memory_space<hbm>> -> memref<10000x128xf32, #tpu.memory_space<hbm>>
      tpu.wait_indirect_dma semaphore(%arg14 : memref<!tpu.dma_semaphore, #tpu.memory_space<semaphore_mem>>) src(%dma_wait3A_53 : memref<10000x128xf32, #tpu.memory_space<hbm>>) dst(%arg9 : memref<50x128xf32, #tpu.memory_space<vmem>>)
      "tpu.region"() ({
        %run_scoped3A = tpu.sem_alloc : memref<!tpu.dma_semaphore, #tpu.memory_space<semaphore_mem>>
        %dma_start3A_103 = arith.constant 0 : i32
        %dma_start3A_104 = tpu.memref_slice %arg8[%add3A_48, %dma_start3A_103] : memref<200x50xi32, #tpu.memory_space<vmem>> -> memref<1x50xi32, #tpu.memory_space<vmem>>
        %dma_start3A_105 = tpu.memref_squeeze %dma_start3A_104 : memref<1x50xi32, #tpu.memory_space<vmem>> -> memref<50xi32, #tpu.memory_space<vmem>>
        %dma_start3A_106 = arith.constant 0 : i32
        %dma_start3A_107 = arith.constant 0 : i32
        %dma_start3A_108 = tpu.memref_slice %arg13[%dma_start3A_106, %dma_start3A_107] : memref<10000x128xf32, #tpu.memory_space<vmem_shared>> -> memref<10000x128xf32, #tpu.memory_space<vmem_shared>>
        tpu.enqueue_indirect_dma source(%arg9 : memref<50x128xf32, #tpu.memory_space<vmem>>) target(%dma_start3A_108 : memref<10000x128xf32, #tpu.memory_space<vmem_shared>>) offsets(%dma_start3A_105 : memref<50xi32, #tpu.memory_space<vmem>>) semaphore(%run_scoped3A : memref<!tpu.dma_semaphore, #tpu.memory_space<semaphore_mem>>) {add = true}
        %dma_wait3A_109 = arith.constant 0 : i32
        %dma_wait3A_110 = tpu.memref_slice %arg8[%add3A_48, %dma_wait3A_109] : memref<200x50xi32, #tpu.memory_space<vmem>> -> memref<1x50xi32, #tpu.memory_space<vmem>>
        %dma_wait3A_111 = tpu.memref_squeeze %dma_wait3A_110 : memref<1x50xi32, #tpu.memory_space<vmem>> -> memref<50xi32, #tpu.memory_space<vmem>>
        %dma_wait3A_112 = arith.constant 0 : i32
        %dma_wait3A_113 = arith.constant 0 : i32
        %dma_wait3A_114 = tpu.memref_slice %arg13[%dma_wait3A_112, %dma_wait3A_113] : memref<10000x128xf32, #tpu.memory_space<vmem_shared>> -> memref<10000x128xf32, #tpu.memory_space<vmem_shared>>
        tpu.wait_indirect_dma semaphore(%run_scoped3A : memref<!tpu.dma_semaphore, #tpu.memory_space<semaphore_mem>>) src(%arg9 : memref<50x128xf32, #tpu.memory_space<vmem>>) dst(%dma_wait3A_114 : memref<10000x128xf32, #tpu.memory_space<vmem_shared>>)
        tpu.yield
      }) : () -> ()
      %add3A_54 = arith.constant 4 : i32
      %add3A_55 = arith.addi %add3A_48, %add3A_54 : i32
      %lt3A = arith.constant 200 : i32
      %lt3A_56 = arith.cmpi slt, %add3A_55, %lt3A : i32
      %convert_element_type3A = arith.extui %lt3A_56 : i1 to i32
      %cond3A = arith.constant 0 : i32
      %cond3A_57 = arith.cmpi ne, %convert_element_type3A, %cond3A : i32
      scf.if %cond3A_57 {
        %add3A_103 = arith.constant 4 : i32
        %add3A_104 = arith.addi %add3A_48, %add3A_103 : i32
        %dma_start3A_105 = arith.constant 0 : i32
        %dma_start3A_106 = tpu.memref_slice %arg7[%add3A_104, %dma_start3A_105] : memref<200x50xi32, #tpu.memory_space<vmem>> -> memref<1x50xi32, #tpu.memory_space<vmem>>
        %dma_start3A_107 = tpu.memref_squeeze %dma_start3A_106 : memref<1x50xi32, #tpu.memory_space<vmem>> -> memref<50xi32, #tpu.memory_space<vmem>>
        %dma_start3A_108 = arith.constant 0 : i32
        %dma_start3A_109 = arith.constant 0 : i32
        %dma_start3A_110 = tpu.memref_slice %arg2[%dma_start3A_108, %dma_start3A_109] : memref<10000x128xf32, #tpu.memory_space<hbm>> -> memref<10000x128xf32, #tpu.memory_space<hbm>>
        tpu.enqueue_indirect_dma source(%dma_start3A_110 : memref<10000x128xf32, #tpu.memory_space<hbm>>) target(%arg9 : memref<50x128xf32, #tpu.memory_space<vmem>>) offsets(%dma_start3A_107 : memref<50xi32, #tpu.memory_space<vmem>>) semaphore(%arg14 : memref<!tpu.dma_semaphore, #tpu.memory_space<semaphore_mem>>)
      } else {
      }
      %add3A_58 = arith.constant 1 : i32
      %add3A_59 = arith.addi %mul3A_46, %add3A_58 : i32
      %dma_wait3A_60 = arith.constant 0 : i32
      %dma_wait3A_61 = tpu.memref_slice %arg7[%add3A_59, %dma_wait3A_60] : memref<200x50xi32, #tpu.memory_space<vmem>> -> memref<1x50xi32, #tpu.memory_space<vmem>>
      %dma_wait3A_62 = tpu.memref_squeeze %dma_wait3A_61 : memref<1x50xi32, #tpu.memory_space<vmem>> -> memref<50xi32, #tpu.memory_space<vmem>>
      %dma_wait3A_63 = arith.constant 0 : i32
      %dma_wait3A_64 = arith.constant 0 : i32
      %dma_wait3A_65 = tpu.memref_slice %arg2[%dma_wait3A_63, %dma_wait3A_64] : memref<10000x128xf32, #tpu.memory_space<hbm>> -> memref<10000x128xf32, #tpu.memory_space<hbm>>
      tpu.wait_indirect_dma semaphore(%arg15 : memref<!tpu.dma_semaphore, #tpu.memory_space<semaphore_mem>>) src(%dma_wait3A_65 : memref<10000x128xf32, #tpu.memory_space<hbm>>) dst(%arg10 : memref<50x128xf32, #tpu.memory_space<vmem>>)
      "tpu.region"() ({
        %run_scoped3A = tpu.sem_alloc : memref<!tpu.dma_semaphore, #tpu.memory_space<semaphore_mem>>
        %dma_start3A_103 = arith.constant 0 : i32
        %dma_start3A_104 = tpu.memref_slice %arg8[%add3A_59, %dma_start3A_103] : memref<200x50xi32, #tpu.memory_space<vmem>> -> memref<1x50xi32, #tpu.memory_space<vmem>>
        %dma_start3A_105 = tpu.memref_squeeze %dma_start3A_104 : memref<1x50xi32, #tpu.memory_space<vmem>> -> memref<50xi32, #tpu.memory_space<vmem>>
        %dma_start3A_106 = arith.constant 0 : i32
        %dma_start3A_107 = arith.constant 0 : i32
        %dma_start3A_108 = tpu.memref_slice %arg13[%dma_start3A_106, %dma_start3A_107] : memref<10000x128xf32, #tpu.memory_space<vmem_shared>> -> memref<10000x128xf32, #tpu.memory_space<vmem_shared>>
        tpu.enqueue_indirect_dma source(%arg10 : memref<50x128xf32, #tpu.memory_space<vmem>>) target(%dma_start3A_108 : memref<10000x128xf32, #tpu.memory_space<vmem_shared>>) offsets(%dma_start3A_105 : memref<50xi32, #tpu.memory_space<vmem>>) semaphore(%run_scoped3A : memref<!tpu.dma_semaphore, #tpu.memory_space<semaphore_mem>>) {add = true}
        %dma_wait3A_109 = arith.constant 0 : i32
        %dma_wait3A_110 = tpu.memref_slice %arg8[%add3A_59, %dma_wait3A_109] : memref<200x50xi32, #tpu.memory_space<vmem>> -> memref<1x50xi32, #tpu.memory_space<vmem>>
        %dma_wait3A_111 = tpu.memref_squeeze %dma_wait3A_110 : memref<1x50xi32, #tpu.memory_space<vmem>> -> memref<50xi32, #tpu.memory_space<vmem>>
        %dma_wait3A_112 = arith.constant 0 : i32
        %dma_wait3A_113 = arith.constant 0 : i32
        %dma_wait3A_114 = tpu.memref_slice %arg13[%dma_wait3A_112, %dma_wait3A_113] : memref<10000x128xf32, #tpu.memory_space<vmem_shared>> -> memref<10000x128xf32, #tpu.memory_space<vmem_shared>>
        tpu.wait_indirect_dma semaphore(%run_scoped3A : memref<!tpu.dma_semaphore, #tpu.memory_space<semaphore_mem>>) src(%arg10 : memref<50x128xf32, #tpu.memory_space<vmem>>) dst(%dma_wait3A_114 : memref<10000x128xf32, #tpu.memory_space<vmem_shared>>)
        tpu.yield
      }) : () -> ()
      %add3A_66 = arith.constant 4 : i32
      %add3A_67 = arith.addi %add3A_59, %add3A_66 : i32
      %lt3A_68 = arith.constant 200 : i32
      %lt3A_69 = arith.cmpi slt, %add3A_67, %lt3A_68 : i32
      %convert_element_type3A_70 = arith.extui %lt3A_69 : i1 to i32
      %cond3A_71 = arith.constant 0 : i32
      %cond3A_72 = arith.cmpi ne, %convert_element_type3A_70, %cond3A_71 : i32
      scf.if %cond3A_72 {
        %add3A_103 = arith.constant 4 : i32
        %add3A_104 = arith.addi %add3A_59, %add3A_103 : i32
        %dma_start3A_105 = arith.constant 0 : i32
        %dma_start3A_106 = tpu.memref_slice %arg7[%add3A_104, %dma_start3A_105] : memref<200x50xi32, #tpu.memory_space<vmem>> -> memref<1x50xi32, #tpu.memory_space<vmem>>
        %dma_start3A_107 = tpu.memref_squeeze %dma_start3A_106 : memref<1x50xi32, #tpu.memory_space<vmem>> -> memref<50xi32, #tpu.memory_space<vmem>>
        %dma_start3A_108 = arith.constant 0 : i32
        %dma_start3A_109 = arith.constant 0 : i32
        %dma_start3A_110 = tpu.memref_slice %arg2[%dma_start3A_108, %dma_start3A_109] : memref<10000x128xf32, #tpu.memory_space<hbm>> -> memref<10000x128xf32, #tpu.memory_space<hbm>>
        tpu.enqueue_indirect_dma source(%dma_start3A_110 : memref<10000x128xf32, #tpu.memory_space<hbm>>) target(%arg10 : memref<50x128xf32, #tpu.memory_space<vmem>>) offsets(%dma_start3A_107 : memref<50xi32, #tpu.memory_space<vmem>>) semaphore(%arg15 : memref<!tpu.dma_semaphore, #tpu.memory_space<semaphore_mem>>)
      } else {
      }
      %add3A_73 = arith.constant 2 : i32
      %add3A_74 = arith.addi %mul3A_46, %add3A_73 : i32
      %dma_wait3A_75 = arith.constant 0 : i32
      %dma_wait3A_76 = tpu.memref_slice %arg7[%add3A_74, %dma_wait3A_75] : memref<200x50xi32, #tpu.memory_space<vmem>> -> memref<1x50xi32, #tpu.memory_space<vmem>>
      %dma_wait3A_77 = tpu.memref_squeeze %dma_wait3A_76 : memref<1x50xi32, #tpu.memory_space<vmem>> -> memref<50xi32, #tpu.memory_space<vmem>>
      %dma_wait3A_78 = arith.constant 0 : i32
      %dma_wait3A_79 = arith.constant 0 : i32
      %dma_wait3A_80 = tpu.memref_slice %arg2[%dma_wait3A_78, %dma_wait3A_79] : memref<10000x128xf32, #tpu.memory_space<hbm>> -> memref<10000x128xf32, #tpu.memory_space<hbm>>
      tpu.wait_indirect_dma semaphore(%arg16 : memref<!tpu.dma_semaphore, #tpu.memory_space<semaphore_mem>>) src(%dma_wait3A_80 : memref<10000x128xf32, #tpu.memory_space<hbm>>) dst(%arg11 : memref<50x128xf32, #tpu.memory_space<vmem>>)
      "tpu.region"() ({
        %run_scoped3A = tpu.sem_alloc : memref<!tpu.dma_semaphore, #tpu.memory_space<semaphore_mem>>
        %dma_start3A_103 = arith.constant 0 : i32
        %dma_start3A_104 = tpu.memref_slice %arg8[%add3A_74, %dma_start3A_103] : memref<200x50xi32, #tpu.memory_space<vmem>> -> memref<1x50xi32, #tpu.memory_space<vmem>>
        %dma_start3A_105 = tpu.memref_squeeze %dma_start3A_104 : memref<1x50xi32, #tpu.memory_space<vmem>> -> memref<50xi32, #tpu.memory_space<vmem>>
        %dma_start3A_106 = arith.constant 0 : i32
        %dma_start3A_107 = arith.constant 0 : i32
        %dma_start3A_108 = tpu.memref_slice %arg13[%dma_start3A_106, %dma_start3A_107] : memref<10000x128xf32, #tpu.memory_space<vmem_shared>> -> memref<10000x128xf32, #tpu.memory_space<vmem_shared>>
        tpu.enqueue_indirect_dma source(%arg11 : memref<50x128xf32, #tpu.memory_space<vmem>>) target(%dma_start3A_108 : memref<10000x128xf32, #tpu.memory_space<vmem_shared>>) offsets(%dma_start3A_105 : memref<50xi32, #tpu.memory_space<vmem>>) semaphore(%run_scoped3A : memref<!tpu.dma_semaphore, #tpu.memory_space<semaphore_mem>>) {add = true}
        %dma_wait3A_109 = arith.constant 0 : i32
        %dma_wait3A_110 = tpu.memref_slice %arg8[%add3A_74, %dma_wait3A_109] : memref<200x50xi32, #tpu.memory_space<vmem>> -> memref<1x50xi32, #tpu.memory_space<vmem>>
        %dma_wait3A_111 = tpu.memref_squeeze %dma_wait3A_110 : memref<1x50xi32, #tpu.memory_space<vmem>> -> memref<50xi32, #tpu.memory_space<vmem>>
        %dma_wait3A_112 = arith.constant 0 : i32
        %dma_wait3A_113 = arith.constant 0 : i32
        %dma_wait3A_114 = tpu.memref_slice %arg13[%dma_wait3A_112, %dma_wait3A_113] : memref<10000x128xf32, #tpu.memory_space<vmem_shared>> -> memref<10000x128xf32, #tpu.memory_space<vmem_shared>>
        tpu.wait_indirect_dma semaphore(%run_scoped3A : memref<!tpu.dma_semaphore, #tpu.memory_space<semaphore_mem>>) src(%arg11 : memref<50x128xf32, #tpu.memory_space<vmem>>) dst(%dma_wait3A_114 : memref<10000x128xf32, #tpu.memory_space<vmem_shared>>)
        tpu.yield
      }) : () -> ()
      %add3A_81 = arith.constant 4 : i32
      %add3A_82 = arith.addi %add3A_74, %add3A_81 : i32
      %lt3A_83 = arith.constant 200 : i32
      %lt3A_84 = arith.cmpi slt, %add3A_82, %lt3A_83 : i32
      %convert_element_type3A_85 = arith.extui %lt3A_84 : i1 to i32
      %cond3A_86 = arith.constant 0 : i32
      %cond3A_87 = arith.cmpi ne, %convert_element_type3A_85, %cond3A_86 : i32
      scf.if %cond3A_87 {
        %add3A_103 = arith.constant 4 : i32
        %add3A_104 = arith.addi %add3A_74, %add3A_103 : i32
        %dma_start3A_105 = arith.constant 0 : i32
        %dma_start3A_106 = tpu.memref_slice %arg7[%add3A_104, %dma_start3A_105] : memref<200x50xi32, #tpu.memory_space<vmem>> -> memref<1x50xi32, #tpu.memory_space<vmem>>
        %dma_start3A_107 = tpu.memref_squeeze %dma_start3A_106 : memref<1x50xi32, #tpu.memory_space<vmem>> -> memref<50xi32, #tpu.memory_space<vmem>>
        %dma_start3A_108 = arith.constant 0 : i32
        %dma_start3A_109 = arith.constant 0 : i32
        %dma_start3A_110 = tpu.memref_slice %arg2[%dma_start3A_108, %dma_start3A_109] : memref<10000x128xf32, #tpu.memory_space<hbm>> -> memref<10000x128xf32, #tpu.memory_space<hbm>>
        tpu.enqueue_indirect_dma source(%dma_start3A_110 : memref<10000x128xf32, #tpu.memory_space<hbm>>) target(%arg11 : memref<50x128xf32, #tpu.memory_space<vmem>>) offsets(%dma_start3A_107 : memref<50xi32, #tpu.memory_space<vmem>>) semaphore(%arg16 : memref<!tpu.dma_semaphore, #tpu.memory_space<semaphore_mem>>)
      } else {
      }
      %add3A_88 = arith.constant 3 : i32
      %add3A_89 = arith.addi %mul3A_46, %add3A_88 : i32
      %dma_wait3A_90 = arith.constant 0 : i32
      %dma_wait3A_91 = tpu.memref_slice %arg7[%add3A_89, %dma_wait3A_90] : memref<200x50xi32, #tpu.memory_space<vmem>> -> memref<1x50xi32, #tpu.memory_space<vmem>>
      %dma_wait3A_92 = tpu.memref_squeeze %dma_wait3A_91 : memref<1x50xi32, #tpu.memory_space<vmem>> -> memref<50xi32, #tpu.memory_space<vmem>>
      %dma_wait3A_93 = arith.constant 0 : i32
      %dma_wait3A_94 = arith.constant 0 : i32
      %dma_wait3A_95 = tpu.memref_slice %arg2[%dma_wait3A_93, %dma_wait3A_94] : memref<10000x128xf32, #tpu.memory_space<hbm>> -> memref<10000x128xf32, #tpu.memory_space<hbm>>
      tpu.wait_indirect_dma semaphore(%arg17 : memref<!tpu.dma_semaphore, #tpu.memory_space<semaphore_mem>>) src(%dma_wait3A_95 : memref<10000x128xf32, #tpu.memory_space<hbm>>) dst(%arg12 : memref<50x128xf32, #tpu.memory_space<vmem>>)
      "tpu.region"() ({
        %run_scoped3A = tpu.sem_alloc : memref<!tpu.dma_semaphore, #tpu.memory_space<semaphore_mem>>
        %dma_start3A_103 = arith.constant 0 : i32
        %dma_start3A_104 = tpu.memref_slice %arg8[%add3A_89, %dma_start3A_103] : memref<200x50xi32, #tpu.memory_space<vmem>> -> memref<1x50xi32, #tpu.memory_space<vmem>>
        %dma_start3A_105 = tpu.memref_squeeze %dma_start3A_104 : memref<1x50xi32, #tpu.memory_space<vmem>> -> memref<50xi32, #tpu.memory_space<vmem>>
        %dma_start3A_106 = arith.constant 0 : i32
        %dma_start3A_107 = arith.constant 0 : i32
        %dma_start3A_108 = tpu.memref_slice %arg13[%dma_start3A_106, %dma_start3A_107] : memref<10000x128xf32, #tpu.memory_space<vmem_shared>> -> memref<10000x128xf32, #tpu.memory_space<vmem_shared>>
        tpu.enqueue_indirect_dma source(%arg12 : memref<50x128xf32, #tpu.memory_space<vmem>>) target(%dma_start3A_108 : memref<10000x128xf32, #tpu.memory_space<vmem_shared>>) offsets(%dma_start3A_105 : memref<50xi32, #tpu.memory_space<vmem>>) semaphore(%run_scoped3A : memref<!tpu.dma_semaphore, #tpu.memory_space<semaphore_mem>>) {add = true}
        %dma_wait3A_109 = arith.constant 0 : i32
        %dma_wait3A_110 = tpu.memref_slice %arg8[%add3A_89, %dma_wait3A_109] : memref<200x50xi32, #tpu.memory_space<vmem>> -> memref<1x50xi32, #tpu.memory_space<vmem>>
        %dma_wait3A_111 = tpu.memref_squeeze %dma_wait3A_110 : memref<1x50xi32, #tpu.memory_space<vmem>> -> memref<50xi32, #tpu.memory_space<vmem>>
        %dma_wait3A_112 = arith.constant 0 : i32
        %dma_wait3A_113 = arith.constant 0 : i32
        %dma_wait3A_114 = tpu.memref_slice %arg13[%dma_wait3A_112, %dma_wait3A_113] : memref<10000x128xf32, #tpu.memory_space<vmem_shared>> -> memref<10000x128xf32, #tpu.memory_space<vmem_shared>>
        tpu.wait_indirect_dma semaphore(%run_scoped3A : memref<!tpu.dma_semaphore, #tpu.memory_space<semaphore_mem>>) src(%arg12 : memref<50x128xf32, #tpu.memory_space<vmem>>) dst(%dma_wait3A_114 : memref<10000x128xf32, #tpu.memory_space<vmem_shared>>)
        tpu.yield
      }) : () -> ()
      %add3A_96 = arith.constant 4 : i32
      %add3A_97 = arith.addi %add3A_89, %add3A_96 : i32
      %lt3A_98 = arith.constant 200 : i32
      %lt3A_99 = arith.cmpi slt, %add3A_97, %lt3A_98 : i32
      %convert_element_type3A_100 = arith.extui %lt3A_99 : i1 to i32
      %cond3A_101 = arith.constant 0 : i32
      %cond3A_102 = arith.cmpi ne, %convert_element_type3A_100, %cond3A_101 : i32
      scf.if %cond3A_102 {
        %add3A_103 = arith.constant 4 : i32
        %add3A_104 = arith.addi %add3A_89, %add3A_103 : i32
        %dma_start3A_105 = arith.constant 0 : i32
        %dma_start3A_106 = tpu.memref_slice %arg7[%add3A_104, %dma_start3A_105] : memref<200x50xi32, #tpu.memory_space<vmem>> -> memref<1x50xi32, #tpu.memory_space<vmem>>
        %dma_start3A_107 = tpu.memref_squeeze %dma_start3A_106 : memref<1x50xi32, #tpu.memory_space<vmem>> -> memref<50xi32, #tpu.memory_space<vmem>>
        %dma_start3A_108 = arith.constant 0 : i32
        %dma_start3A_109 = arith.constant 0 : i32
        %dma_start3A_110 = tpu.memref_slice %arg2[%dma_start3A_108, %dma_start3A_109] : memref<10000x128xf32, #tpu.memory_space<hbm>> -> memref<10000x128xf32, #tpu.memory_space<hbm>>
        tpu.enqueue_indirect_dma source(%dma_start3A_110 : memref<10000x128xf32, #tpu.memory_space<hbm>>) target(%arg12 : memref<50x128xf32, #tpu.memory_space<vmem>>) offsets(%dma_start3A_107 : memref<50xi32, #tpu.memory_space<vmem>>) semaphore(%arg17 : memref<!tpu.dma_semaphore, #tpu.memory_space<semaphore_mem>>)
      } else {
      }
    }
    %scan3A_38 = arith.constant 50 : i32
    %barrier3A_39 = arith.constant 0 : index
    tpu.barrier barrier_id(%barrier3A_39)
    %mul3A_40 = arith.constant 625 : i32
    %mul3A_41 = arith.muli %arg1, %mul3A_40 : i32
    %mul3A_42 = arith.constant 625 : i32
    %mul3A_43 = arith.muli %arg1, %mul3A_42 : i32
    "tpu.region"() ({
      %run_scoped3A = tpu.sem_alloc : memref<!tpu.dma_semaphore, #tpu.memory_space<semaphore_mem>>
      %dma_start3A_44 = arith.constant 0 : i32
      %dma_start3A_45 = tpu.memref_slice %arg6[%arg0, %mul3A_43, %dma_start3A_44] : memref<2x10000x128xf32, #tpu.memory_space<hbm>> -> memref<1x625x128xf32, #tpu.memory_space<hbm>>
      %dma_start3A_46 = tpu.memref_squeeze %dma_start3A_45 : memref<1x625x128xf32, #tpu.memory_space<hbm>> -> memref<625x128xf32, #tpu.memory_space<hbm>>
      %dma_start3A_47 = arith.constant 0 : i32
      %dma_start3A_48 = tpu.memref_slice %arg13[%mul3A_41, %dma_start3A_47] : memref<10000x128xf32, #tpu.memory_space<vmem_shared>> -> memref<625x128xf32, #tpu.memory_space<vmem_shared>>
      tpu.enqueue_dma source(%dma_start3A_48 : memref<625x128xf32, #tpu.memory_space<vmem_shared>>) target(%dma_start3A_46 : memref<625x128xf32, #tpu.memory_space<hbm>>) target_semaphore(%run_scoped3A : memref<!tpu.dma_semaphore, #tpu.memory_space<semaphore_mem>>)
      %dma_wait3A = arith.constant 0 : i32
      %dma_wait3A_49 = tpu.memref_slice %arg6[%arg0, %mul3A_43, %dma_wait3A] : memref<2x10000x128xf32, #tpu.memory_space<hbm>> -> memref<1x625x128xf32, #tpu.memory_space<hbm>>
      %dma_wait3A_50 = tpu.memref_squeeze %dma_wait3A_49 : memref<1x625x128xf32, #tpu.memory_space<hbm>> -> memref<625x128xf32, #tpu.memory_space<hbm>>
      %dma_wait3A_51 = arith.constant 0 : i32
      %dma_wait3A_52 = tpu.memref_slice %arg13[%mul3A_41, %dma_wait3A_51] : memref<10000x128xf32, #tpu.memory_space<vmem_shared>> -> memref<625x128xf32, #tpu.memory_space<vmem_shared>>
      tpu.wait_dma2 semaphore(%run_scoped3A : memref<!tpu.dma_semaphore, #tpu.memory_space<semaphore_mem>>) src(%dma_wait3A_52 : memref<625x128xf32, #tpu.memory_space<vmem_shared>>) dst(%dma_wait3A_50 : memref<625x128xf32, #tpu.memory_space<hbm>>)
      tpu.yield
    }) : () -> ()
    return
  }
}

#map = affine_map<(d0, d1) -> (0, 0)>
#map1 = affine_map<(d0, d1) -> (0, 0, 0)>
module attributes {stable_mosaic.version = 14 : i64} {
  func.func @_sc_edge_body(%arg0: i32, %arg1: i32, %arg2: memref<10000x128xf32, #tpu.memory_space<hbm>>, %arg3: memref<6400x50xi32, #tpu.memory_space<hbm>>, %arg4: memref<6400x50xi32, #tpu.memory_space<hbm>>, %arg5: memref<625x128xf32, #tpu.memory_space<hbm>>, %arg6: memref<2x10000x128xf32, #tpu.memory_space<hbm>>, %arg7: memref<200x50xi32, #tpu.memory_space<vmem>>, %arg8: memref<200x50xi32, #tpu.memory_space<vmem>>, %arg9: memref<50x128xf32, #tpu.memory_space<vmem>>, %arg10: memref<50x128xf32, #tpu.memory_space<vmem>>, %arg11: memref<50x128xf32, #tpu.memory_space<vmem>>, %arg12: memref<50x128xf32, #tpu.memory_space<vmem>>, %arg13: memref<10000x128xf32, #tpu.memory_space<vmem_shared>>, %arg14: memref<!tpu.dma_semaphore, #tpu.memory_space<semaphore_mem>>, %arg15: memref<!tpu.dma_semaphore, #tpu.memory_space<semaphore_mem>>, %arg16: memref<!tpu.dma_semaphore, #tpu.memory_space<semaphore_mem>>, %arg17: memref<!tpu.dma_semaphore, #tpu.memory_space<semaphore_mem>>) attributes {dimension_semantics = [#tpu.dimension_semantics<core_parallel>, #tpu.dimension_semantics<subcore_parallel>], iteration_bounds = array<i64: 2, 16>, scalar_prefetch = 0 : i64, scratch_operands = 11 : i64, tpu.core_type = #tpu.core_type<sc_vector_subcore>, window_params = [{transform_indices = #map}, {transform_indices = #map}, {transform_indices = #map}, {transform_indices = #map}, {transform_indices = #map1}]} {
    %mul3A = arith.constant 16 : i32
    %mul3A_0 = arith.muli %arg0, %mul3A : i32
    %add3A = arith.addi %mul3A_0, %arg1 : i32
    %mul3A_1 = arith.constant 200 : i32
    %mul3A_2 = arith.muli %add3A, %mul3A_1 : i32
    "tpu.region"() ({
      %run_scoped3A = tpu.sem_alloc : memref<!tpu.dma_semaphore, #tpu.memory_space<semaphore_mem>>
      %dma_start3A_44 = arith.constant 0 : i32
      %dma_start3A_45 = tpu.memref_slice %arg3[%mul3A_2, %dma_start3A_44] : memref<6400x50xi32, #tpu.memory_space<hbm>> -> memref<200x50xi32, #tpu.memory_space<hbm>>
      %dma_start3A_46 = arith.constant 0 : i32
      %dma_start3A_47 = tpu.memref_slice %arg3[%mul3A_2, %dma_start3A_46] : memref<6400x50xi32, #tpu.memory_space<hbm>> -> memref<200x50xi32, #tpu.memory_space<hbm>>
      tpu.enqueue_dma source(%dma_start3A_47 : memref<200x50xi32, #tpu.memory_space<hbm>>) target(%arg7 : memref<200x50xi32, #tpu.memory_space<vmem>>) target_semaphore(%run_scoped3A : memref<!tpu.dma_semaphore, #tpu.memory_space<semaphore_mem>>)
      %dma_wait3A = arith.constant 0 : i32
      %dma_wait3A_48 = tpu.memref_slice %arg3[%mul3A_2, %dma_wait3A] : memref<6400x50xi32, #tpu.memory_space<hbm>> -> memref<200x50xi32, #tpu.memory_space<hbm>>
      %dma_wait3A_49 = arith.constant 0 : i32
      %dma_wait3A_50 = tpu.memref_slice %arg3[%mul3A_2, %dma_wait3A_49] : memref<6400x50xi32, #tpu.memory_space<hbm>> -> memref<200x50xi32, #tpu.memory_space<hbm>>
      tpu.wait_dma2 semaphore(%run_scoped3A : memref<!tpu.dma_semaphore, #tpu.memory_space<semaphore_mem>>) src(%dma_wait3A_50 : memref<200x50xi32, #tpu.memory_space<hbm>>) dst(%arg7 : memref<200x50xi32, #tpu.memory_space<vmem>>)
      tpu.yield
    }) : () -> ()
    %mul3A_3 = arith.constant 200 : i32
    %mul3A_4 = arith.muli %add3A, %mul3A_3 : i32
    "tpu.region"() ({
      %run_scoped3A = tpu.sem_alloc : memref<!tpu.dma_semaphore, #tpu.memory_space<semaphore_mem>>
      %dma_start3A_44 = arith.constant 0 : i32
      %dma_start3A_45 = tpu.memref_slice %arg4[%mul3A_4, %dma_start3A_44] : memref<6400x50xi32, #tpu.memory_space<hbm>> -> memref<200x50xi32, #tpu.memory_space<hbm>>
      %dma_start3A_46 = arith.constant 0 : i32
      %dma_start3A_47 = tpu.memref_slice %arg4[%mul3A_4, %dma_start3A_46] : memref<6400x50xi32, #tpu.memory_space<hbm>> -> memref<200x50xi32, #tpu.memory_space<hbm>>
      tpu.enqueue_dma source(%dma_start3A_47 : memref<200x50xi32, #tpu.memory_space<hbm>>) target(%arg8 : memref<200x50xi32, #tpu.memory_space<vmem>>) target_semaphore(%run_scoped3A : memref<!tpu.dma_semaphore, #tpu.memory_space<semaphore_mem>>)
      %dma_wait3A = arith.constant 0 : i32
      %dma_wait3A_48 = tpu.memref_slice %arg4[%mul3A_4, %dma_wait3A] : memref<6400x50xi32, #tpu.memory_space<hbm>> -> memref<200x50xi32, #tpu.memory_space<hbm>>
      %dma_wait3A_49 = arith.constant 0 : i32
      %dma_wait3A_50 = tpu.memref_slice %arg4[%mul3A_4, %dma_wait3A_49] : memref<6400x50xi32, #tpu.memory_space<hbm>> -> memref<200x50xi32, #tpu.memory_space<hbm>>
      tpu.wait_dma2 semaphore(%run_scoped3A : memref<!tpu.dma_semaphore, #tpu.memory_space<semaphore_mem>>) src(%dma_wait3A_50 : memref<200x50xi32, #tpu.memory_space<hbm>>) dst(%arg8 : memref<200x50xi32, #tpu.memory_space<vmem>>)
      tpu.yield
    }) : () -> ()
    %mul3A_5 = arith.constant 625 : i32
    %mul3A_6 = arith.muli %arg1, %mul3A_5 : i32
    "tpu.region"() ({
      %run_scoped3A = tpu.sem_alloc : memref<!tpu.dma_semaphore, #tpu.memory_space<semaphore_mem>>
      %dma_start3A_44 = arith.constant 0 : i32
      %dma_start3A_45 = tpu.memref_slice %arg13[%mul3A_6, %dma_start3A_44] : memref<10000x128xf32, #tpu.memory_space<vmem_shared>> -> memref<625x128xf32, #tpu.memory_space<vmem_shared>>
      tpu.enqueue_dma source(%arg5 : memref<625x128xf32, #tpu.memory_space<hbm>>) target(%dma_start3A_45 : memref<625x128xf32, #tpu.memory_space<vmem_shared>>) target_semaphore(%run_scoped3A : memref<!tpu.dma_semaphore, #tpu.memory_space<semaphore_mem>>)
      %dma_wait3A = arith.constant 0 : i32
      %dma_wait3A_46 = tpu.memref_slice %arg13[%mul3A_6, %dma_wait3A] : memref<10000x128xf32, #tpu.memory_space<vmem_shared>> -> memref<625x128xf32, #tpu.memory_space<vmem_shared>>
      tpu.wait_dma2 semaphore(%run_scoped3A : memref<!tpu.dma_semaphore, #tpu.memory_space<semaphore_mem>>) src(%arg5 : memref<625x128xf32, #tpu.memory_space<hbm>>) dst(%dma_wait3A_46 : memref<625x128xf32, #tpu.memory_space<vmem_shared>>)
      tpu.yield
    }) : () -> ()
    %barrier3A = arith.constant 0 : index
    tpu.barrier barrier_id(%barrier3A)
    %dma_start3A = arith.constant 0 : i32
    %dma_start3A_7 = arith.constant 0 : i32
    %dma_start3A_8 = tpu.memref_slice %arg7[%dma_start3A, %dma_start3A_7] : memref<200x50xi32, #tpu.memory_space<vmem>> -> memref<1x50xi32, #tpu.memory_space<vmem>>
    %dma_start3A_9 = tpu.memref_squeeze %dma_start3A_8 : memref<1x50xi32, #tpu.memory_space<vmem>> -> memref<50xi32, #tpu.memory_space<vmem>>
    %dma_start3A_10 = arith.constant 0 : i32
    %dma_start3A_11 = arith.constant 0 : i32
    %dma_start3A_12 = tpu.memref_slice %arg2[%dma_start3A_10, %dma_start3A_11] : memref<10000x128xf32, #tpu.memory_space<hbm>> -> memref<10000x128xf32, #tpu.memory_space<hbm>>
    tpu.enqueue_indirect_dma source(%dma_start3A_12 : memref<10000x128xf32, #tpu.memory_space<hbm>>) target(%arg9 : memref<50x128xf32, #tpu.memory_space<vmem>>) offsets(%dma_start3A_9 : memref<50xi32, #tpu.memory_space<vmem>>) semaphore(%arg14 : memref<!tpu.dma_semaphore, #tpu.memory_space<semaphore_mem>>)
    %dma_start3A_13 = arith.constant 1 : i32
    %dma_start3A_14 = arith.constant 0 : i32
    %dma_start3A_15 = tpu.memref_slice %arg7[%dma_start3A_13, %dma_start3A_14] : memref<200x50xi32, #tpu.memory_space<vmem>> -> memref<1x50xi32, #tpu.memory_space<vmem>>
    %dma_start3A_16 = tpu.memref_squeeze %dma_start3A_15 : memref<1x50xi32, #tpu.memory_space<vmem>> -> memref<50xi32, #tpu.memory_space<vmem>>
    %dma_start3A_17 = arith.constant 0 : i32
    %dma_start3A_18 = arith.constant 0 : i32
    %dma_start3A_19 = tpu.memref_slice %arg2[%dma_start3A_17, %dma_start3A_18] : memref<10000x128xf32, #tpu.memory_space<hbm>> -> memref<10000x128xf32, #tpu.memory_space<hbm>>
    tpu.enqueue_indirect_dma source(%dma_start3A_19 : memref<10000x128xf32, #tpu.memory_space<hbm>>) target(%arg10 : memref<50x128xf32, #tpu.memory_space<vmem>>) offsets(%dma_start3A_16 : memref<50xi32, #tpu.memory_space<vmem>>) semaphore(%arg15 : memref<!tpu.dma_semaphore, #tpu.memory_space<semaphore_mem>>)
    %dma_start3A_20 = arith.constant 2 : i32
    %dma_start3A_21 = arith.constant 0 : i32
    %dma_start3A_22 = tpu.memref_slice %arg7[%dma_start3A_20, %dma_start3A_21] : memref<200x50xi32, #tpu.memory_space<vmem>> -> memref<1x50xi32, #tpu.memory_space<vmem>>
    %dma_start3A_23 = tpu.memref_squeeze %dma_start3A_22 : memref<1x50xi32, #tpu.memory_space<vmem>> -> memref<50xi32, #tpu.memory_space<vmem>>
    %dma_start3A_24 = arith.constant 0 : i32
    %dma_start3A_25 = arith.constant 0 : i32
    %dma_start3A_26 = tpu.memref_slice %arg2[%dma_start3A_24, %dma_start3A_25] : memref<10000x128xf32, #tpu.memory_space<hbm>> -> memref<10000x128xf32, #tpu.memory_space<hbm>>
    tpu.enqueue_indirect_dma source(%dma_start3A_26 : memref<10000x128xf32, #tpu.memory_space<hbm>>) target(%arg11 : memref<50x128xf32, #tpu.memory_space<vmem>>) offsets(%dma_start3A_23 : memref<50xi32, #tpu.memory_space<vmem>>) semaphore(%arg16 : memref<!tpu.dma_semaphore, #tpu.memory_space<semaphore_mem>>)
    %dma_start3A_27 = arith.constant 3 : i32
    %dma_start3A_28 = arith.constant 0 : i32
    %dma_start3A_29 = tpu.memref_slice %arg7[%dma_start3A_27, %dma_start3A_28] : memref<200x50xi32, #tpu.memory_space<vmem>> -> memref<1x50xi32, #tpu.memory_space<vmem>>
    %dma_start3A_30 = tpu.memref_squeeze %dma_start3A_29 : memref<1x50xi32, #tpu.memory_space<vmem>> -> memref<50xi32, #tpu.memory_space<vmem>>
    %dma_start3A_31 = arith.constant 0 : i32
    %dma_start3A_32 = arith.constant 0 : i32
    %dma_start3A_33 = tpu.memref_slice %arg2[%dma_start3A_31, %dma_start3A_32] : memref<10000x128xf32, #tpu.memory_space<hbm>> -> memref<10000x128xf32, #tpu.memory_space<hbm>>
    tpu.enqueue_indirect_dma source(%dma_start3A_33 : memref<10000x128xf32, #tpu.memory_space<hbm>>) target(%arg12 : memref<50x128xf32, #tpu.memory_space<vmem>>) offsets(%dma_start3A_30 : memref<50xi32, #tpu.memory_space<vmem>>) semaphore(%arg17 : memref<!tpu.dma_semaphore, #tpu.memory_space<semaphore_mem>>)
    %scan3A = arith.constant 0 : i32
    %scan3A_34 = arith.constant 0 : i32
    %scan3A_35 = arith.constant 50 : i32
    %scan3A_36 = arith.addi %scan3A_34, %scan3A_35 : i32
    %scan3A_37 = arith.constant 1 : i32
    scf.for %scan3A_44 = %scan3A_34 to %scan3A_36 step %scan3A_37  : i32 {
      %mul3A_45 = arith.constant 4 : i32
      %mul3A_46 = arith.muli %scan3A_44, %mul3A_45 : i32
      %add3A_47 = arith.constant 0 : i32
      %add3A_48 = arith.addi %mul3A_46, %add3A_47 : i32
      %dma_wait3A = arith.constant 0 : i32
      %dma_wait3A_49 = tpu.memref_slice %arg7[%add3A_48, %dma_wait3A] : memref<200x50xi32, #tpu.memory_space<vmem>> -> memref<1x50xi32, #tpu.memory_space<vmem>>
      %dma_wait3A_50 = tpu.memref_squeeze %dma_wait3A_49 : memref<1x50xi32, #tpu.memory_space<vmem>> -> memref<50xi32, #tpu.memory_space<vmem>>
      %dma_wait3A_51 = arith.constant 0 : i32
      %dma_wait3A_52 = arith.constant 0 : i32
      %dma_wait3A_53 = tpu.memref_slice %arg2[%dma_wait3A_51, %dma_wait3A_52] : memref<10000x128xf32, #tpu.memory_space<hbm>> -> memref<10000x128xf32, #tpu.memory_space<hbm>>
      tpu.wait_indirect_dma semaphore(%arg14 : memref<!tpu.dma_semaphore, #tpu.memory_space<semaphore_mem>>) src(%dma_wait3A_53 : memref<10000x128xf32, #tpu.memory_space<hbm>>) dst(%arg9 : memref<50x128xf32, #tpu.memory_space<vmem>>)
      "tpu.region"() ({
        %run_scoped3A = tpu.sem_alloc : memref<!tpu.dma_semaphore, #tpu.memory_space<semaphore_mem>>
        %dma_start3A_103 = arith.constant 0 : i32
        %dma_start3A_104 = tpu.memref_slice %arg8[%add3A_48, %dma_start3A_103] : memref<200x50xi32, #tpu.memory_space<vmem>> -> memref<1x50xi32, #tpu.memory_space<vmem>>
        %dma_start3A_105 = tpu.memref_squeeze %dma_start3A_104 : memref<1x50xi32, #tpu.memory_space<vmem>> -> memref<50xi32, #tpu.memory_space<vmem>>
        %dma_start3A_106 = arith.constant 0 : i32
        %dma_start3A_107 = arith.constant 0 : i32
        %dma_start3A_108 = tpu.memref_slice %arg13[%dma_start3A_106, %dma_start3A_107] : memref<10000x128xf32, #tpu.memory_space<vmem_shared>> -> memref<10000x128xf32, #tpu.memory_space<vmem_shared>>
        tpu.enqueue_indirect_dma source(%arg9 : memref<50x128xf32, #tpu.memory_space<vmem>>) target(%dma_start3A_108 : memref<10000x128xf32, #tpu.memory_space<vmem_shared>>) offsets(%dma_start3A_105 : memref<50xi32, #tpu.memory_space<vmem>>) semaphore(%run_scoped3A : memref<!tpu.dma_semaphore, #tpu.memory_space<semaphore_mem>>) {add = true}
        %dma_wait3A_109 = arith.constant 0 : i32
        %dma_wait3A_110 = tpu.memref_slice %arg8[%add3A_48, %dma_wait3A_109] : memref<200x50xi32, #tpu.memory_space<vmem>> -> memref<1x50xi32, #tpu.memory_space<vmem>>
        %dma_wait3A_111 = tpu.memref_squeeze %dma_wait3A_110 : memref<1x50xi32, #tpu.memory_space<vmem>> -> memref<50xi32, #tpu.memory_space<vmem>>
        %dma_wait3A_112 = arith.constant 0 : i32
        %dma_wait3A_113 = arith.constant 0 : i32
        %dma_wait3A_114 = tpu.memref_slice %arg13[%dma_wait3A_112, %dma_wait3A_113] : memref<10000x128xf32, #tpu.memory_space<vmem_shared>> -> memref<10000x128xf32, #tpu.memory_space<vmem_shared>>
        tpu.wait_indirect_dma semaphore(%run_scoped3A : memref<!tpu.dma_semaphore, #tpu.memory_space<semaphore_mem>>) src(%arg9 : memref<50x128xf32, #tpu.memory_space<vmem>>) dst(%dma_wait3A_114 : memref<10000x128xf32, #tpu.memory_space<vmem_shared>>)
        tpu.yield
      }) : () -> ()
      %add3A_54 = arith.constant 4 : i32
      %add3A_55 = arith.addi %add3A_48, %add3A_54 : i32
      %lt3A = arith.constant 200 : i32
      %lt3A_56 = arith.cmpi slt, %add3A_55, %lt3A : i32
      %convert_element_type3A = arith.extui %lt3A_56 : i1 to i32
      %cond3A = arith.constant 0 : i32
      %cond3A_57 = arith.cmpi ne, %convert_element_type3A, %cond3A : i32
      scf.if %cond3A_57 {
        %add3A_103 = arith.constant 4 : i32
        %add3A_104 = arith.addi %add3A_48, %add3A_103 : i32
        %dma_start3A_105 = arith.constant 0 : i32
        %dma_start3A_106 = tpu.memref_slice %arg7[%add3A_104, %dma_start3A_105] : memref<200x50xi32, #tpu.memory_space<vmem>> -> memref<1x50xi32, #tpu.memory_space<vmem>>
        %dma_start3A_107 = tpu.memref_squeeze %dma_start3A_106 : memref<1x50xi32, #tpu.memory_space<vmem>> -> memref<50xi32, #tpu.memory_space<vmem>>
        %dma_start3A_108 = arith.constant 0 : i32
        %dma_start3A_109 = arith.constant 0 : i32
        %dma_start3A_110 = tpu.memref_slice %arg2[%dma_start3A_108, %dma_start3A_109] : memref<10000x128xf32, #tpu.memory_space<hbm>> -> memref<10000x128xf32, #tpu.memory_space<hbm>>
        tpu.enqueue_indirect_dma source(%dma_start3A_110 : memref<10000x128xf32, #tpu.memory_space<hbm>>) target(%arg9 : memref<50x128xf32, #tpu.memory_space<vmem>>) offsets(%dma_start3A_107 : memref<50xi32, #tpu.memory_space<vmem>>) semaphore(%arg14 : memref<!tpu.dma_semaphore, #tpu.memory_space<semaphore_mem>>)
      } else {
      }
      %add3A_58 = arith.constant 1 : i32
      %add3A_59 = arith.addi %mul3A_46, %add3A_58 : i32
      %dma_wait3A_60 = arith.constant 0 : i32
      %dma_wait3A_61 = tpu.memref_slice %arg7[%add3A_59, %dma_wait3A_60] : memref<200x50xi32, #tpu.memory_space<vmem>> -> memref<1x50xi32, #tpu.memory_space<vmem>>
      %dma_wait3A_62 = tpu.memref_squeeze %dma_wait3A_61 : memref<1x50xi32, #tpu.memory_space<vmem>> -> memref<50xi32, #tpu.memory_space<vmem>>
      %dma_wait3A_63 = arith.constant 0 : i32
      %dma_wait3A_64 = arith.constant 0 : i32
      %dma_wait3A_65 = tpu.memref_slice %arg2[%dma_wait3A_63, %dma_wait3A_64] : memref<10000x128xf32, #tpu.memory_space<hbm>> -> memref<10000x128xf32, #tpu.memory_space<hbm>>
      tpu.wait_indirect_dma semaphore(%arg15 : memref<!tpu.dma_semaphore, #tpu.memory_space<semaphore_mem>>) src(%dma_wait3A_65 : memref<10000x128xf32, #tpu.memory_space<hbm>>) dst(%arg10 : memref<50x128xf32, #tpu.memory_space<vmem>>)
      "tpu.region"() ({
        %run_scoped3A = tpu.sem_alloc : memref<!tpu.dma_semaphore, #tpu.memory_space<semaphore_mem>>
        %dma_start3A_103 = arith.constant 0 : i32
        %dma_start3A_104 = tpu.memref_slice %arg8[%add3A_59, %dma_start3A_103] : memref<200x50xi32, #tpu.memory_space<vmem>> -> memref<1x50xi32, #tpu.memory_space<vmem>>
        %dma_start3A_105 = tpu.memref_squeeze %dma_start3A_104 : memref<1x50xi32, #tpu.memory_space<vmem>> -> memref<50xi32, #tpu.memory_space<vmem>>
        %dma_start3A_106 = arith.constant 0 : i32
        %dma_start3A_107 = arith.constant 0 : i32
        %dma_start3A_108 = tpu.memref_slice %arg13[%dma_start3A_106, %dma_start3A_107] : memref<10000x128xf32, #tpu.memory_space<vmem_shared>> -> memref<10000x128xf32, #tpu.memory_space<vmem_shared>>
        tpu.enqueue_indirect_dma source(%arg10 : memref<50x128xf32, #tpu.memory_space<vmem>>) target(%dma_start3A_108 : memref<10000x128xf32, #tpu.memory_space<vmem_shared>>) offsets(%dma_start3A_105 : memref<50xi32, #tpu.memory_space<vmem>>) semaphore(%run_scoped3A : memref<!tpu.dma_semaphore, #tpu.memory_space<semaphore_mem>>) {add = true}
        %dma_wait3A_109 = arith.constant 0 : i32
        %dma_wait3A_110 = tpu.memref_slice %arg8[%add3A_59, %dma_wait3A_109] : memref<200x50xi32, #tpu.memory_space<vmem>> -> memref<1x50xi32, #tpu.memory_space<vmem>>
        %dma_wait3A_111 = tpu.memref_squeeze %dma_wait3A_110 : memref<1x50xi32, #tpu.memory_space<vmem>> -> memref<50xi32, #tpu.memory_space<vmem>>
        %dma_wait3A_112 = arith.constant 0 : i32
        %dma_wait3A_113 = arith.constant 0 : i32
        %dma_wait3A_114 = tpu.memref_slice %arg13[%dma_wait3A_112, %dma_wait3A_113] : memref<10000x128xf32, #tpu.memory_space<vmem_shared>> -> memref<10000x128xf32, #tpu.memory_space<vmem_shared>>
        tpu.wait_indirect_dma semaphore(%run_scoped3A : memref<!tpu.dma_semaphore, #tpu.memory_space<semaphore_mem>>) src(%arg10 : memref<50x128xf32, #tpu.memory_space<vmem>>) dst(%dma_wait3A_114 : memref<10000x128xf32, #tpu.memory_space<vmem_shared>>)
        tpu.yield
      }) : () -> ()
      %add3A_66 = arith.constant 4 : i32
      %add3A_67 = arith.addi %add3A_59, %add3A_66 : i32
      %lt3A_68 = arith.constant 200 : i32
      %lt3A_69 = arith.cmpi slt, %add3A_67, %lt3A_68 : i32
      %convert_element_type3A_70 = arith.extui %lt3A_69 : i1 to i32
      %cond3A_71 = arith.constant 0 : i32
      %cond3A_72 = arith.cmpi ne, %convert_element_type3A_70, %cond3A_71 : i32
      scf.if %cond3A_72 {
        %add3A_103 = arith.constant 4 : i32
        %add3A_104 = arith.addi %add3A_59, %add3A_103 : i32
        %dma_start3A_105 = arith.constant 0 : i32
        %dma_start3A_106 = tpu.memref_slice %arg7[%add3A_104, %dma_start3A_105] : memref<200x50xi32, #tpu.memory_space<vmem>> -> memref<1x50xi32, #tpu.memory_space<vmem>>
        %dma_start3A_107 = tpu.memref_squeeze %dma_start3A_106 : memref<1x50xi32, #tpu.memory_space<vmem>> -> memref<50xi32, #tpu.memory_space<vmem>>
        %dma_start3A_108 = arith.constant 0 : i32
        %dma_start3A_109 = arith.constant 0 : i32
        %dma_start3A_110 = tpu.memref_slice %arg2[%dma_start3A_108, %dma_start3A_109] : memref<10000x128xf32, #tpu.memory_space<hbm>> -> memref<10000x128xf32, #tpu.memory_space<hbm>>
        tpu.enqueue_indirect_dma source(%dma_start3A_110 : memref<10000x128xf32, #tpu.memory_space<hbm>>) target(%arg10 : memref<50x128xf32, #tpu.memory_space<vmem>>) offsets(%dma_start3A_107 : memref<50xi32, #tpu.memory_space<vmem>>) semaphore(%arg15 : memref<!tpu.dma_semaphore, #tpu.memory_space<semaphore_mem>>)
      } else {
      }
      %add3A_73 = arith.constant 2 : i32
      %add3A_74 = arith.addi %mul3A_46, %add3A_73 : i32
      %dma_wait3A_75 = arith.constant 0 : i32
      %dma_wait3A_76 = tpu.memref_slice %arg7[%add3A_74, %dma_wait3A_75] : memref<200x50xi32, #tpu.memory_space<vmem>> -> memref<1x50xi32, #tpu.memory_space<vmem>>
      %dma_wait3A_77 = tpu.memref_squeeze %dma_wait3A_76 : memref<1x50xi32, #tpu.memory_space<vmem>> -> memref<50xi32, #tpu.memory_space<vmem>>
      %dma_wait3A_78 = arith.constant 0 : i32
      %dma_wait3A_79 = arith.constant 0 : i32
      %dma_wait3A_80 = tpu.memref_slice %arg2[%dma_wait3A_78, %dma_wait3A_79] : memref<10000x128xf32, #tpu.memory_space<hbm>> -> memref<10000x128xf32, #tpu.memory_space<hbm>>
      tpu.wait_indirect_dma semaphore(%arg16 : memref<!tpu.dma_semaphore, #tpu.memory_space<semaphore_mem>>) src(%dma_wait3A_80 : memref<10000x128xf32, #tpu.memory_space<hbm>>) dst(%arg11 : memref<50x128xf32, #tpu.memory_space<vmem>>)
      "tpu.region"() ({
        %run_scoped3A = tpu.sem_alloc : memref<!tpu.dma_semaphore, #tpu.memory_space<semaphore_mem>>
        %dma_start3A_103 = arith.constant 0 : i32
        %dma_start3A_104 = tpu.memref_slice %arg8[%add3A_74, %dma_start3A_103] : memref<200x50xi32, #tpu.memory_space<vmem>> -> memref<1x50xi32, #tpu.memory_space<vmem>>
        %dma_start3A_105 = tpu.memref_squeeze %dma_start3A_104 : memref<1x50xi32, #tpu.memory_space<vmem>> -> memref<50xi32, #tpu.memory_space<vmem>>
        %dma_start3A_106 = arith.constant 0 : i32
        %dma_start3A_107 = arith.constant 0 : i32
        %dma_start3A_108 = tpu.memref_slice %arg13[%dma_start3A_106, %dma_start3A_107] : memref<10000x128xf32, #tpu.memory_space<vmem_shared>> -> memref<10000x128xf32, #tpu.memory_space<vmem_shared>>
        tpu.enqueue_indirect_dma source(%arg11 : memref<50x128xf32, #tpu.memory_space<vmem>>) target(%dma_start3A_108 : memref<10000x128xf32, #tpu.memory_space<vmem_shared>>) offsets(%dma_start3A_105 : memref<50xi32, #tpu.memory_space<vmem>>) semaphore(%run_scoped3A : memref<!tpu.dma_semaphore, #tpu.memory_space<semaphore_mem>>) {add = true}
        %dma_wait3A_109 = arith.constant 0 : i32
        %dma_wait3A_110 = tpu.memref_slice %arg8[%add3A_74, %dma_wait3A_109] : memref<200x50xi32, #tpu.memory_space<vmem>> -> memref<1x50xi32, #tpu.memory_space<vmem>>
        %dma_wait3A_111 = tpu.memref_squeeze %dma_wait3A_110 : memref<1x50xi32, #tpu.memory_space<vmem>> -> memref<50xi32, #tpu.memory_space<vmem>>
        %dma_wait3A_112 = arith.constant 0 : i32
        %dma_wait3A_113 = arith.constant 0 : i32
        %dma_wait3A_114 = tpu.memref_slice %arg13[%dma_wait3A_112, %dma_wait3A_113] : memref<10000x128xf32, #tpu.memory_space<vmem_shared>> -> memref<10000x128xf32, #tpu.memory_space<vmem_shared>>
        tpu.wait_indirect_dma semaphore(%run_scoped3A : memref<!tpu.dma_semaphore, #tpu.memory_space<semaphore_mem>>) src(%arg11 : memref<50x128xf32, #tpu.memory_space<vmem>>) dst(%dma_wait3A_114 : memref<10000x128xf32, #tpu.memory_space<vmem_shared>>)
        tpu.yield
      }) : () -> ()
      %add3A_81 = arith.constant 4 : i32
      %add3A_82 = arith.addi %add3A_74, %add3A_81 : i32
      %lt3A_83 = arith.constant 200 : i32
      %lt3A_84 = arith.cmpi slt, %add3A_82, %lt3A_83 : i32
      %convert_element_type3A_85 = arith.extui %lt3A_84 : i1 to i32
      %cond3A_86 = arith.constant 0 : i32
      %cond3A_87 = arith.cmpi ne, %convert_element_type3A_85, %cond3A_86 : i32
      scf.if %cond3A_87 {
        %add3A_103 = arith.constant 4 : i32
        %add3A_104 = arith.addi %add3A_74, %add3A_103 : i32
        %dma_start3A_105 = arith.constant 0 : i32
        %dma_start3A_106 = tpu.memref_slice %arg7[%add3A_104, %dma_start3A_105] : memref<200x50xi32, #tpu.memory_space<vmem>> -> memref<1x50xi32, #tpu.memory_space<vmem>>
        %dma_start3A_107 = tpu.memref_squeeze %dma_start3A_106 : memref<1x50xi32, #tpu.memory_space<vmem>> -> memref<50xi32, #tpu.memory_space<vmem>>
        %dma_start3A_108 = arith.constant 0 : i32
        %dma_start3A_109 = arith.constant 0 : i32
        %dma_start3A_110 = tpu.memref_slice %arg2[%dma_start3A_108, %dma_start3A_109] : memref<10000x128xf32, #tpu.memory_space<hbm>> -> memref<10000x128xf32, #tpu.memory_space<hbm>>
        tpu.enqueue_indirect_dma source(%dma_start3A_110 : memref<10000x128xf32, #tpu.memory_space<hbm>>) target(%arg11 : memref<50x128xf32, #tpu.memory_space<vmem>>) offsets(%dma_start3A_107 : memref<50xi32, #tpu.memory_space<vmem>>) semaphore(%arg16 : memref<!tpu.dma_semaphore, #tpu.memory_space<semaphore_mem>>)
      } else {
      }
      %add3A_88 = arith.constant 3 : i32
      %add3A_89 = arith.addi %mul3A_46, %add3A_88 : i32
      %dma_wait3A_90 = arith.constant 0 : i32
      %dma_wait3A_91 = tpu.memref_slice %arg7[%add3A_89, %dma_wait3A_90] : memref<200x50xi32, #tpu.memory_space<vmem>> -> memref<1x50xi32, #tpu.memory_space<vmem>>
      %dma_wait3A_92 = tpu.memref_squeeze %dma_wait3A_91 : memref<1x50xi32, #tpu.memory_space<vmem>> -> memref<50xi32, #tpu.memory_space<vmem>>
      %dma_wait3A_93 = arith.constant 0 : i32
      %dma_wait3A_94 = arith.constant 0 : i32
      %dma_wait3A_95 = tpu.memref_slice %arg2[%dma_wait3A_93, %dma_wait3A_94] : memref<10000x128xf32, #tpu.memory_space<hbm>> -> memref<10000x128xf32, #tpu.memory_space<hbm>>
      tpu.wait_indirect_dma semaphore(%arg17 : memref<!tpu.dma_semaphore, #tpu.memory_space<semaphore_mem>>) src(%dma_wait3A_95 : memref<10000x128xf32, #tpu.memory_space<hbm>>) dst(%arg12 : memref<50x128xf32, #tpu.memory_space<vmem>>)
      "tpu.region"() ({
        %run_scoped3A = tpu.sem_alloc : memref<!tpu.dma_semaphore, #tpu.memory_space<semaphore_mem>>
        %dma_start3A_103 = arith.constant 0 : i32
        %dma_start3A_104 = tpu.memref_slice %arg8[%add3A_89, %dma_start3A_103] : memref<200x50xi32, #tpu.memory_space<vmem>> -> memref<1x50xi32, #tpu.memory_space<vmem>>
        %dma_start3A_105 = tpu.memref_squeeze %dma_start3A_104 : memref<1x50xi32, #tpu.memory_space<vmem>> -> memref<50xi32, #tpu.memory_space<vmem>>
        %dma_start3A_106 = arith.constant 0 : i32
        %dma_start3A_107 = arith.constant 0 : i32
        %dma_start3A_108 = tpu.memref_slice %arg13[%dma_start3A_106, %dma_start3A_107] : memref<10000x128xf32, #tpu.memory_space<vmem_shared>> -> memref<10000x128xf32, #tpu.memory_space<vmem_shared>>
        tpu.enqueue_indirect_dma source(%arg12 : memref<50x128xf32, #tpu.memory_space<vmem>>) target(%dma_start3A_108 : memref<10000x128xf32, #tpu.memory_space<vmem_shared>>) offsets(%dma_start3A_105 : memref<50xi32, #tpu.memory_space<vmem>>) semaphore(%run_scoped3A : memref<!tpu.dma_semaphore, #tpu.memory_space<semaphore_mem>>) {add = true}
        %dma_wait3A_109 = arith.constant 0 : i32
        %dma_wait3A_110 = tpu.memref_slice %arg8[%add3A_89, %dma_wait3A_109] : memref<200x50xi32, #tpu.memory_space<vmem>> -> memref<1x50xi32, #tpu.memory_space<vmem>>
        %dma_wait3A_111 = tpu.memref_squeeze %dma_wait3A_110 : memref<1x50xi32, #tpu.memory_space<vmem>> -> memref<50xi32, #tpu.memory_space<vmem>>
        %dma_wait3A_112 = arith.constant 0 : i32
        %dma_wait3A_113 = arith.constant 0 : i32
        %dma_wait3A_114 = tpu.memref_slice %arg13[%dma_wait3A_112, %dma_wait3A_113] : memref<10000x128xf32, #tpu.memory_space<vmem_shared>> -> memref<10000x128xf32, #tpu.memory_space<vmem_shared>>
        tpu.wait_indirect_dma semaphore(%run_scoped3A : memref<!tpu.dma_semaphore, #tpu.memory_space<semaphore_mem>>) src(%arg12 : memref<50x128xf32, #tpu.memory_space<vmem>>) dst(%dma_wait3A_114 : memref<10000x128xf32, #tpu.memory_space<vmem_shared>>)
        tpu.yield
      }) : () -> ()
      %add3A_96 = arith.constant 4 : i32
      %add3A_97 = arith.addi %add3A_89, %add3A_96 : i32
      %lt3A_98 = arith.constant 200 : i32
      %lt3A_99 = arith.cmpi slt, %add3A_97, %lt3A_98 : i32
      %convert_element_type3A_100 = arith.extui %lt3A_99 : i1 to i32
      %cond3A_101 = arith.constant 0 : i32
      %cond3A_102 = arith.cmpi ne, %convert_element_type3A_100, %cond3A_101 : i32
      scf.if %cond3A_102 {
        %add3A_103 = arith.constant 4 : i32
        %add3A_104 = arith.addi %add3A_89, %add3A_103 : i32
        %dma_start3A_105 = arith.constant 0 : i32
        %dma_start3A_106 = tpu.memref_slice %arg7[%add3A_104, %dma_start3A_105] : memref<200x50xi32, #tpu.memory_space<vmem>> -> memref<1x50xi32, #tpu.memory_space<vmem>>
        %dma_start3A_107 = tpu.memref_squeeze %dma_start3A_106 : memref<1x50xi32, #tpu.memory_space<vmem>> -> memref<50xi32, #tpu.memory_space<vmem>>
        %dma_start3A_108 = arith.constant 0 : i32
        %dma_start3A_109 = arith.constant 0 : i32
        %dma_start3A_110 = tpu.memref_slice %arg2[%dma_start3A_108, %dma_start3A_109] : memref<10000x128xf32, #tpu.memory_space<hbm>> -> memref<10000x128xf32, #tpu.memory_space<hbm>>
        tpu.enqueue_indirect_dma source(%dma_start3A_110 : memref<10000x128xf32, #tpu.memory_space<hbm>>) target(%arg12 : memref<50x128xf32, #tpu.memory_space<vmem>>) offsets(%dma_start3A_107 : memref<50xi32, #tpu.memory_space<vmem>>) semaphore(%arg17 : memref<!tpu.dma_semaphore, #tpu.memory_space<semaphore_mem>>)
      } else {
      }
    }
    %scan3A_38 = arith.constant 50 : i32
    %barrier3A_39 = arith.constant 0 : index
    tpu.barrier barrier_id(%barrier3A_39)
    %mul3A_40 = arith.constant 625 : i32
    %mul3A_41 = arith.muli %arg1, %mul3A_40 : i32
    %mul3A_42 = arith.constant 625 : i32
    %mul3A_43 = arith.muli %arg1, %mul3A_42 : i32
    "tpu.region"() ({
      %run_scoped3A = tpu.sem_alloc : memref<!tpu.dma_semaphore, #tpu.memory_space<semaphore_mem>>
      %dma_start3A_44 = arith.constant 0 : i32
      %dma_start3A_45 = tpu.memref_slice %arg6[%arg0, %mul3A_43, %dma_start3A_44] : memref<2x10000x128xf32, #tpu.memory_space<hbm>> -> memref<1x625x128xf32, #tpu.memory_space<hbm>>
      %dma_start3A_46 = tpu.memref_squeeze %dma_start3A_45 : memref<1x625x128xf32, #tpu.memory_space<hbm>> -> memref<625x128xf32, #tpu.memory_space<hbm>>
      %dma_start3A_47 = arith.constant 0 : i32
      %dma_start3A_48 = tpu.memref_slice %arg13[%mul3A_41, %dma_start3A_47] : memref<10000x128xf32, #tpu.memory_space<vmem_shared>> -> memref<625x128xf32, #tpu.memory_space<vmem_shared>>
      tpu.enqueue_dma source(%dma_start3A_48 : memref<625x128xf32, #tpu.memory_space<vmem_shared>>) target(%dma_start3A_46 : memref<625x128xf32, #tpu.memory_space<hbm>>) target_semaphore(%run_scoped3A : memref<!tpu.dma_semaphore, #tpu.memory_space<semaphore_mem>>)
      %dma_wait3A = arith.constant 0 : i32
      %dma_wait3A_49 = tpu.memref_slice %arg6[%arg0, %mul3A_43, %dma_wait3A] : memref<2x10000x128xf32, #tpu.memory_space<hbm>> -> memref<1x625x128xf32, #tpu.memory_space<hbm>>
      %dma_wait3A_50 = tpu.memref_squeeze %dma_wait3A_49 : memref<1x625x128xf32, #tpu.memory_space<hbm>> -> memref<625x128xf32, #tpu.memory_space<hbm>>
      %dma_wait3A_51 = arith.constant 0 : i32
      %dma_wait3A_52 = tpu.memref_slice %arg13[%mul3A_41, %dma_wait3A_51] : memref<10000x128xf32, #tpu.memory_space<vmem_shared>> -> memref<625x128xf32, #tpu.memory_space<vmem_shared>>
      tpu.wait_dma2 semaphore(%run_scoped3A : memref<!tpu.dma_semaphore, #tpu.memory_space<semaphore_mem>>) src(%dma_wait3A_52 : memref<625x128xf32, #tpu.memory_space<vmem_shared>>) dst(%dma_wait3A_50 : memref<625x128xf32, #tpu.memory_space<hbm>>)
      tpu.yield
    }) : () -> ()
    return
  }
}

#map = affine_map<(d0, d1) -> (0, 0)>
#map1 = affine_map<(d0, d1) -> (0, 0, 0)>
module attributes {stable_mosaic.version = 14 : i64} {
  func.func @_sc_deg_body(%arg0: i32, %arg1: i32, %arg2: memref<3200x100xi32, #tpu.memory_space<hbm>>, %arg3: memref<100x16xf32, #tpu.memory_space<hbm>>, %arg4: memref<10000x16xf32, #tpu.memory_space<hbm>>, %arg5: memref<2x10000x16xf32, #tpu.memory_space<hbm>>, %arg6: memref<100x100xi32, #tpu.memory_space<vmem>>, %arg7: memref<100x16xf32, #tpu.memory_space<vmem>>, %arg8: memref<10000x16xf32, #tpu.memory_space<vmem_shared>>) attributes {dimension_semantics = [#tpu.dimension_semantics<core_parallel>, #tpu.dimension_semantics<subcore_parallel>], iteration_bounds = array<i64: 2, 16>, scalar_prefetch = 0 : i64, scratch_operands = 3 : i64, tpu.core_type = #tpu.core_type<sc_vector_subcore>, window_params = [{transform_indices = #map}, {transform_indices = #map}, {transform_indices = #map}, {transform_indices = #map1}]} {
    %mul3A = arith.constant 16 : i32
    %mul3A_0 = arith.muli %arg0, %mul3A : i32
    %add3A = arith.addi %mul3A_0, %arg1 : i32
    %mul3A_1 = arith.constant 100 : i32
    %mul3A_2 = arith.muli %add3A, %mul3A_1 : i32
    "tpu.region"() ({
      %run_scoped3A = tpu.sem_alloc : memref<!tpu.dma_semaphore, #tpu.memory_space<semaphore_mem>>
      %dma_start3A = arith.constant 0 : i32
      %dma_start3A_16 = tpu.memref_slice %arg2[%mul3A_2, %dma_start3A] : memref<3200x100xi32, #tpu.memory_space<hbm>> -> memref<100x100xi32, #tpu.memory_space<hbm>>
      %dma_start3A_17 = arith.constant 0 : i32
      %dma_start3A_18 = tpu.memref_slice %arg2[%mul3A_2, %dma_start3A_17] : memref<3200x100xi32, #tpu.memory_space<hbm>> -> memref<100x100xi32, #tpu.memory_space<hbm>>
      tpu.enqueue_dma source(%dma_start3A_18 : memref<100x100xi32, #tpu.memory_space<hbm>>) target(%arg6 : memref<100x100xi32, #tpu.memory_space<vmem>>) target_semaphore(%run_scoped3A : memref<!tpu.dma_semaphore, #tpu.memory_space<semaphore_mem>>)
      %dma_wait3A = arith.constant 0 : i32
      %dma_wait3A_19 = tpu.memref_slice %arg2[%mul3A_2, %dma_wait3A] : memref<3200x100xi32, #tpu.memory_space<hbm>> -> memref<100x100xi32, #tpu.memory_space<hbm>>
      %dma_wait3A_20 = arith.constant 0 : i32
      %dma_wait3A_21 = tpu.memref_slice %arg2[%mul3A_2, %dma_wait3A_20] : memref<3200x100xi32, #tpu.memory_space<hbm>> -> memref<100x100xi32, #tpu.memory_space<hbm>>
      tpu.wait_dma2 semaphore(%run_scoped3A : memref<!tpu.dma_semaphore, #tpu.memory_space<semaphore_mem>>) src(%dma_wait3A_21 : memref<100x100xi32, #tpu.memory_space<hbm>>) dst(%arg6 : memref<100x100xi32, #tpu.memory_space<vmem>>)
      tpu.yield
    }) : () -> ()
    "tpu.region"() ({
      %run_scoped3A = tpu.sem_alloc : memref<!tpu.dma_semaphore, #tpu.memory_space<semaphore_mem>>
      tpu.enqueue_dma source(%arg3 : memref<100x16xf32, #tpu.memory_space<hbm>>) target(%arg7 : memref<100x16xf32, #tpu.memory_space<vmem>>) target_semaphore(%run_scoped3A : memref<!tpu.dma_semaphore, #tpu.memory_space<semaphore_mem>>)
      tpu.wait_dma2 semaphore(%run_scoped3A : memref<!tpu.dma_semaphore, #tpu.memory_space<semaphore_mem>>) src(%arg3 : memref<100x16xf32, #tpu.memory_space<hbm>>) dst(%arg7 : memref<100x16xf32, #tpu.memory_space<vmem>>)
      tpu.yield
    }) : () -> ()
    %eq3A = arith.constant 0 : i32
    %eq3A_3 = arith.cmpi eq, %arg1, %eq3A : i32
    %convert_element_type3A = arith.extui %eq3A_3 : i1 to i32
    %cond3A = arith.constant 0 : i32
    %cond3A_4 = arith.cmpi ne, %convert_element_type3A, %cond3A : i32
    scf.if %cond3A_4 {
      "tpu.region"() ({
        %run_scoped3A = tpu.sem_alloc : memref<!tpu.dma_semaphore, #tpu.memory_space<semaphore_mem>>
        tpu.enqueue_dma source(%arg4 : memref<10000x16xf32, #tpu.memory_space<hbm>>) target(%arg8 : memref<10000x16xf32, #tpu.memory_space<vmem_shared>>) target_semaphore(%run_scoped3A : memref<!tpu.dma_semaphore, #tpu.memory_space<semaphore_mem>>)
        tpu.wait_dma2 semaphore(%run_scoped3A : memref<!tpu.dma_semaphore, #tpu.memory_space<semaphore_mem>>) src(%arg4 : memref<10000x16xf32, #tpu.memory_space<hbm>>) dst(%arg8 : memref<10000x16xf32, #tpu.memory_space<vmem_shared>>)
        tpu.yield
      }) : () -> ()
    } else {
    }
    %barrier3A = arith.constant 0 : index
    tpu.barrier barrier_id(%barrier3A)
    %scan3A = arith.constant 0 : i32
    %scan3A_5 = arith.constant 0 : i32
    %scan3A_6 = arith.constant 100 : i32
    %scan3A_7 = arith.addi %scan3A_5, %scan3A_6 : i32
    %scan3A_8 = arith.constant 1 : i32
    scf.for %scan3A_16 = %scan3A_5 to %scan3A_7 step %scan3A_8  : i32 {
      "tpu.region"() ({
        %run_scoped3A = tpu.sem_alloc : memref<!tpu.dma_semaphore, #tpu.memory_space<semaphore_mem>>
        %dma_start3A = arith.constant 0 : i32
        %dma_start3A_17 = tpu.memref_slice %arg6[%scan3A_16, %dma_start3A] : memref<100x100xi32, #tpu.memory_space<vmem>> -> memref<1x100xi32, #tpu.memory_space<vmem>>
        %dma_start3A_18 = tpu.memref_squeeze %dma_start3A_17 : memref<1x100xi32, #tpu.memory_space<vmem>> -> memref<100xi32, #tpu.memory_space<vmem>>
        %dma_start3A_19 = arith.constant 0 : i32
        %dma_start3A_20 = arith.constant 0 : i32
        %dma_start3A_21 = tpu.memref_slice %arg8[%dma_start3A_19, %dma_start3A_20] : memref<10000x16xf32, #tpu.memory_space<vmem_shared>> -> memref<10000x16xf32, #tpu.memory_space<vmem_shared>>
        tpu.enqueue_indirect_dma source(%arg7 : memref<100x16xf32, #tpu.memory_space<vmem>>) target(%dma_start3A_21 : memref<10000x16xf32, #tpu.memory_space<vmem_shared>>) offsets(%dma_start3A_18 : memref<100xi32, #tpu.memory_space<vmem>>) semaphore(%run_scoped3A : memref<!tpu.dma_semaphore, #tpu.memory_space<semaphore_mem>>) {add = true}
        %dma_wait3A = arith.constant 0 : i32
        %dma_wait3A_22 = tpu.memref_slice %arg6[%scan3A_16, %dma_wait3A] : memref<100x100xi32, #tpu.memory_space<vmem>> -> memref<1x100xi32, #tpu.memory_space<vmem>>
        %dma_wait3A_23 = tpu.memref_squeeze %dma_wait3A_22 : memref<1x100xi32, #tpu.memory_space<vmem>> -> memref<100xi32, #tpu.memory_space<vmem>>
        %dma_wait3A_24 = arith.constant 0 : i32
        %dma_wait3A_25 = arith.constant 0 : i32
        %dma_wait3A_26 = tpu.memref_slice %arg8[%dma_wait3A_24, %dma_wait3A_25] : memref<10000x16xf32, #tpu.memory_space<vmem_shared>> -> memref<10000x16xf32, #tpu.memory_space<vmem_shared>>
        tpu.wait_indirect_dma semaphore(%run_scoped3A : memref<!tpu.dma_semaphore, #tpu.memory_space<semaphore_mem>>) src(%arg7 : memref<100x16xf32, #tpu.memory_space<vmem>>) dst(%dma_wait3A_26 : memref<10000x16xf32, #tpu.memory_space<vmem_shared>>)
        tpu.yield
      }) : () -> ()
    }
    %scan3A_9 = arith.constant 100 : i32
    %barrier3A_10 = arith.constant 0 : index
    tpu.barrier barrier_id(%barrier3A_10)
    %eq3A_11 = arith.constant 0 : i32
    %eq3A_12 = arith.cmpi eq, %arg1, %eq3A_11 : i32
    %convert_element_type3A_13 = arith.extui %eq3A_12 : i1 to i32
    %cond3A_14 = arith.constant 0 : i32
    %cond3A_15 = arith.cmpi ne, %convert_element_type3A_13, %cond3A_14 : i32
    scf.if %cond3A_15 {
      "tpu.region"() ({
        %run_scoped3A = tpu.sem_alloc : memref<!tpu.dma_semaphore, #tpu.memory_space<semaphore_mem>>
        %dma_start3A = arith.constant 0 : i32
        %dma_start3A_16 = arith.constant 0 : i32
        %dma_start3A_17 = tpu.memref_slice %arg5[%arg0, %dma_start3A, %dma_start3A_16] : memref<2x10000x16xf32, #tpu.memory_space<hbm>> -> memref<1x10000x16xf32, #tpu.memory_space<hbm>>
        %dma_start3A_18 = tpu.memref_squeeze %dma_start3A_17 : memref<1x10000x16xf32, #tpu.memory_space<hbm>> -> memref<10000x16xf32, #tpu.memory_space<hbm>>
        tpu.enqueue_dma source(%arg8 : memref<10000x16xf32, #tpu.memory_space<vmem_shared>>) target(%dma_start3A_18 : memref<10000x16xf32, #tpu.memory_space<hbm>>) target_semaphore(%run_scoped3A : memref<!tpu.dma_semaphore, #tpu.memory_space<semaphore_mem>>)
        %dma_wait3A = arith.constant 0 : i32
        %dma_wait3A_19 = arith.constant 0 : i32
        %dma_wait3A_20 = tpu.memref_slice %arg5[%arg0, %dma_wait3A, %dma_wait3A_19] : memref<2x10000x16xf32, #tpu.memory_space<hbm>> -> memref<1x10000x16xf32, #tpu.memory_space<hbm>>
        %dma_wait3A_21 = tpu.memref_squeeze %dma_wait3A_20 : memref<1x10000x16xf32, #tpu.memory_space<hbm>> -> memref<10000x16xf32, #tpu.memory_space<hbm>>
        tpu.wait_dma2 semaphore(%run_scoped3A : memref<!tpu.dma_semaphore, #tpu.memory_space<semaphore_mem>>) src(%arg8 : memref<10000x16xf32, #tpu.memory_space<vmem_shared>>) dst(%dma_wait3A_21 : memref<10000x16xf32, #tpu.memory_space<hbm>>)
        tpu.yield
      }) : () -> ()
    } else {
    }
    return
  }
}

#map = affine_map<(d0, d1) -> (0, 0)>
#map1 = affine_map<(d0, d1) -> (0, 0, 0)>
module attributes {stable_mosaic.version = 14 : i64} {
  func.func @_sc_edge_body(%arg0: i32, %arg1: i32, %arg2: memref<10000x128xf32, #tpu.memory_space<hbm>>, %arg3: memref<6400x50xi32, #tpu.memory_space<hbm>>, %arg4: memref<6400x50xi32, #tpu.memory_space<hbm>>, %arg5: memref<625x128xf32, #tpu.memory_space<hbm>>, %arg6: memref<2x10000x128xf32, #tpu.memory_space<hbm>>, %arg7: memref<200x50xi32, #tpu.memory_space<vmem>>, %arg8: memref<200x50xi32, #tpu.memory_space<vmem>>, %arg9: memref<50x128xf32, #tpu.memory_space<vmem>>, %arg10: memref<50x128xf32, #tpu.memory_space<vmem>>, %arg11: memref<50x128xf32, #tpu.memory_space<vmem>>, %arg12: memref<50x128xf32, #tpu.memory_space<vmem>>, %arg13: memref<10000x128xf32, #tpu.memory_space<vmem_shared>>, %arg14: memref<!tpu.dma_semaphore, #tpu.memory_space<semaphore_mem>>, %arg15: memref<!tpu.dma_semaphore, #tpu.memory_space<semaphore_mem>>, %arg16: memref<!tpu.dma_semaphore, #tpu.memory_space<semaphore_mem>>, %arg17: memref<!tpu.dma_semaphore, #tpu.memory_space<semaphore_mem>>) attributes {dimension_semantics = [#tpu.dimension_semantics<core_parallel>, #tpu.dimension_semantics<subcore_parallel>], iteration_bounds = array<i64: 2, 16>, scalar_prefetch = 0 : i64, scratch_operands = 11 : i64, tpu.core_type = #tpu.core_type<sc_vector_subcore>, window_params = [{transform_indices = #map}, {transform_indices = #map}, {transform_indices = #map}, {transform_indices = #map}, {transform_indices = #map1}]} {
    %mul3A = arith.constant 16 : i32
    %mul3A_0 = arith.muli %arg0, %mul3A : i32
    %add3A = arith.addi %mul3A_0, %arg1 : i32
    %mul3A_1 = arith.constant 200 : i32
    %mul3A_2 = arith.muli %add3A, %mul3A_1 : i32
    "tpu.region"() ({
      %run_scoped3A = tpu.sem_alloc : memref<!tpu.dma_semaphore, #tpu.memory_space<semaphore_mem>>
      %dma_start3A_44 = arith.constant 0 : i32
      %dma_start3A_45 = tpu.memref_slice %arg3[%mul3A_2, %dma_start3A_44] : memref<6400x50xi32, #tpu.memory_space<hbm>> -> memref<200x50xi32, #tpu.memory_space<hbm>>
      %dma_start3A_46 = arith.constant 0 : i32
      %dma_start3A_47 = tpu.memref_slice %arg3[%mul3A_2, %dma_start3A_46] : memref<6400x50xi32, #tpu.memory_space<hbm>> -> memref<200x50xi32, #tpu.memory_space<hbm>>
      tpu.enqueue_dma source(%dma_start3A_47 : memref<200x50xi32, #tpu.memory_space<hbm>>) target(%arg7 : memref<200x50xi32, #tpu.memory_space<vmem>>) target_semaphore(%run_scoped3A : memref<!tpu.dma_semaphore, #tpu.memory_space<semaphore_mem>>)
      %dma_wait3A = arith.constant 0 : i32
      %dma_wait3A_48 = tpu.memref_slice %arg3[%mul3A_2, %dma_wait3A] : memref<6400x50xi32, #tpu.memory_space<hbm>> -> memref<200x50xi32, #tpu.memory_space<hbm>>
      %dma_wait3A_49 = arith.constant 0 : i32
      %dma_wait3A_50 = tpu.memref_slice %arg3[%mul3A_2, %dma_wait3A_49] : memref<6400x50xi32, #tpu.memory_space<hbm>> -> memref<200x50xi32, #tpu.memory_space<hbm>>
      tpu.wait_dma2 semaphore(%run_scoped3A : memref<!tpu.dma_semaphore, #tpu.memory_space<semaphore_mem>>) src(%dma_wait3A_50 : memref<200x50xi32, #tpu.memory_space<hbm>>) dst(%arg7 : memref<200x50xi32, #tpu.memory_space<vmem>>)
      tpu.yield
    }) : () -> ()
    %mul3A_3 = arith.constant 200 : i32
    %mul3A_4 = arith.muli %add3A, %mul3A_3 : i32
    "tpu.region"() ({
      %run_scoped3A = tpu.sem_alloc : memref<!tpu.dma_semaphore, #tpu.memory_space<semaphore_mem>>
      %dma_start3A_44 = arith.constant 0 : i32
      %dma_start3A_45 = tpu.memref_slice %arg4[%mul3A_4, %dma_start3A_44] : memref<6400x50xi32, #tpu.memory_space<hbm>> -> memref<200x50xi32, #tpu.memory_space<hbm>>
      %dma_start3A_46 = arith.constant 0 : i32
      %dma_start3A_47 = tpu.memref_slice %arg4[%mul3A_4, %dma_start3A_46] : memref<6400x50xi32, #tpu.memory_space<hbm>> -> memref<200x50xi32, #tpu.memory_space<hbm>>
      tpu.enqueue_dma source(%dma_start3A_47 : memref<200x50xi32, #tpu.memory_space<hbm>>) target(%arg8 : memref<200x50xi32, #tpu.memory_space<vmem>>) target_semaphore(%run_scoped3A : memref<!tpu.dma_semaphore, #tpu.memory_space<semaphore_mem>>)
      %dma_wait3A = arith.constant 0 : i32
      %dma_wait3A_48 = tpu.memref_slice %arg4[%mul3A_4, %dma_wait3A] : memref<6400x50xi32, #tpu.memory_space<hbm>> -> memref<200x50xi32, #tpu.memory_space<hbm>>
      %dma_wait3A_49 = arith.constant 0 : i32
      %dma_wait3A_50 = tpu.memref_slice %arg4[%mul3A_4, %dma_wait3A_49] : memref<6400x50xi32, #tpu.memory_space<hbm>> -> memref<200x50xi32, #tpu.memory_space<hbm>>
      tpu.wait_dma2 semaphore(%run_scoped3A : memref<!tpu.dma_semaphore, #tpu.memory_space<semaphore_mem>>) src(%dma_wait3A_50 : memref<200x50xi32, #tpu.memory_space<hbm>>) dst(%arg8 : memref<200x50xi32, #tpu.memory_space<vmem>>)
      tpu.yield
    }) : () -> ()
    %mul3A_5 = arith.constant 625 : i32
    %mul3A_6 = arith.muli %arg1, %mul3A_5 : i32
    "tpu.region"() ({
      %run_scoped3A = tpu.sem_alloc : memref<!tpu.dma_semaphore, #tpu.memory_space<semaphore_mem>>
      %dma_start3A_44 = arith.constant 0 : i32
      %dma_start3A_45 = tpu.memref_slice %arg13[%mul3A_6, %dma_start3A_44] : memref<10000x128xf32, #tpu.memory_space<vmem_shared>> -> memref<625x128xf32, #tpu.memory_space<vmem_shared>>
      tpu.enqueue_dma source(%arg5 : memref<625x128xf32, #tpu.memory_space<hbm>>) target(%dma_start3A_45 : memref<625x128xf32, #tpu.memory_space<vmem_shared>>) target_semaphore(%run_scoped3A : memref<!tpu.dma_semaphore, #tpu.memory_space<semaphore_mem>>)
      %dma_wait3A = arith.constant 0 : i32
      %dma_wait3A_46 = tpu.memref_slice %arg13[%mul3A_6, %dma_wait3A] : memref<10000x128xf32, #tpu.memory_space<vmem_shared>> -> memref<625x128xf32, #tpu.memory_space<vmem_shared>>
      tpu.wait_dma2 semaphore(%run_scoped3A : memref<!tpu.dma_semaphore, #tpu.memory_space<semaphore_mem>>) src(%arg5 : memref<625x128xf32, #tpu.memory_space<hbm>>) dst(%dma_wait3A_46 : memref<625x128xf32, #tpu.memory_space<vmem_shared>>)
      tpu.yield
    }) : () -> ()
    %barrier3A = arith.constant 0 : index
    tpu.barrier barrier_id(%barrier3A)
    %dma_start3A = arith.constant 0 : i32
    %dma_start3A_7 = arith.constant 0 : i32
    %dma_start3A_8 = tpu.memref_slice %arg7[%dma_start3A, %dma_start3A_7] : memref<200x50xi32, #tpu.memory_space<vmem>> -> memref<1x50xi32, #tpu.memory_space<vmem>>
    %dma_start3A_9 = tpu.memref_squeeze %dma_start3A_8 : memref<1x50xi32, #tpu.memory_space<vmem>> -> memref<50xi32, #tpu.memory_space<vmem>>
    %dma_start3A_10 = arith.constant 0 : i32
    %dma_start3A_11 = arith.constant 0 : i32
    %dma_start3A_12 = tpu.memref_slice %arg2[%dma_start3A_10, %dma_start3A_11] : memref<10000x128xf32, #tpu.memory_space<hbm>> -> memref<10000x128xf32, #tpu.memory_space<hbm>>
    tpu.enqueue_indirect_dma source(%dma_start3A_12 : memref<10000x128xf32, #tpu.memory_space<hbm>>) target(%arg9 : memref<50x128xf32, #tpu.memory_space<vmem>>) offsets(%dma_start3A_9 : memref<50xi32, #tpu.memory_space<vmem>>) semaphore(%arg14 : memref<!tpu.dma_semaphore, #tpu.memory_space<semaphore_mem>>)
    %dma_start3A_13 = arith.constant 1 : i32
    %dma_start3A_14 = arith.constant 0 : i32
    %dma_start3A_15 = tpu.memref_slice %arg7[%dma_start3A_13, %dma_start3A_14] : memref<200x50xi32, #tpu.memory_space<vmem>> -> memref<1x50xi32, #tpu.memory_space<vmem>>
    %dma_start3A_16 = tpu.memref_squeeze %dma_start3A_15 : memref<1x50xi32, #tpu.memory_space<vmem>> -> memref<50xi32, #tpu.memory_space<vmem>>
    %dma_start3A_17 = arith.constant 0 : i32
    %dma_start3A_18 = arith.constant 0 : i32
    %dma_start3A_19 = tpu.memref_slice %arg2[%dma_start3A_17, %dma_start3A_18] : memref<10000x128xf32, #tpu.memory_space<hbm>> -> memref<10000x128xf32, #tpu.memory_space<hbm>>
    tpu.enqueue_indirect_dma source(%dma_start3A_19 : memref<10000x128xf32, #tpu.memory_space<hbm>>) target(%arg10 : memref<50x128xf32, #tpu.memory_space<vmem>>) offsets(%dma_start3A_16 : memref<50xi32, #tpu.memory_space<vmem>>) semaphore(%arg15 : memref<!tpu.dma_semaphore, #tpu.memory_space<semaphore_mem>>)
    %dma_start3A_20 = arith.constant 2 : i32
    %dma_start3A_21 = arith.constant 0 : i32
    %dma_start3A_22 = tpu.memref_slice %arg7[%dma_start3A_20, %dma_start3A_21] : memref<200x50xi32, #tpu.memory_space<vmem>> -> memref<1x50xi32, #tpu.memory_space<vmem>>
    %dma_start3A_23 = tpu.memref_squeeze %dma_start3A_22 : memref<1x50xi32, #tpu.memory_space<vmem>> -> memref<50xi32, #tpu.memory_space<vmem>>
    %dma_start3A_24 = arith.constant 0 : i32
    %dma_start3A_25 = arith.constant 0 : i32
    %dma_start3A_26 = tpu.memref_slice %arg2[%dma_start3A_24, %dma_start3A_25] : memref<10000x128xf32, #tpu.memory_space<hbm>> -> memref<10000x128xf32, #tpu.memory_space<hbm>>
    tpu.enqueue_indirect_dma source(%dma_start3A_26 : memref<10000x128xf32, #tpu.memory_space<hbm>>) target(%arg11 : memref<50x128xf32, #tpu.memory_space<vmem>>) offsets(%dma_start3A_23 : memref<50xi32, #tpu.memory_space<vmem>>) semaphore(%arg16 : memref<!tpu.dma_semaphore, #tpu.memory_space<semaphore_mem>>)
    %dma_start3A_27 = arith.constant 3 : i32
    %dma_start3A_28 = arith.constant 0 : i32
    %dma_start3A_29 = tpu.memref_slice %arg7[%dma_start3A_27, %dma_start3A_28] : memref<200x50xi32, #tpu.memory_space<vmem>> -> memref<1x50xi32, #tpu.memory_space<vmem>>
    %dma_start3A_30 = tpu.memref_squeeze %dma_start3A_29 : memref<1x50xi32, #tpu.memory_space<vmem>> -> memref<50xi32, #tpu.memory_space<vmem>>
    %dma_start3A_31 = arith.constant 0 : i32
    %dma_start3A_32 = arith.constant 0 : i32
    %dma_start3A_33 = tpu.memref_slice %arg2[%dma_start3A_31, %dma_start3A_32] : memref<10000x128xf32, #tpu.memory_space<hbm>> -> memref<10000x128xf32, #tpu.memory_space<hbm>>
    tpu.enqueue_indirect_dma source(%dma_start3A_33 : memref<10000x128xf32, #tpu.memory_space<hbm>>) target(%arg12 : memref<50x128xf32, #tpu.memory_space<vmem>>) offsets(%dma_start3A_30 : memref<50xi32, #tpu.memory_space<vmem>>) semaphore(%arg17 : memref<!tpu.dma_semaphore, #tpu.memory_space<semaphore_mem>>)
    %scan3A = arith.constant 0 : i32
    %scan3A_34 = arith.constant 0 : i32
    %scan3A_35 = arith.constant 50 : i32
    %scan3A_36 = arith.addi %scan3A_34, %scan3A_35 : i32
    %scan3A_37 = arith.constant 1 : i32
    scf.for %scan3A_44 = %scan3A_34 to %scan3A_36 step %scan3A_37  : i32 {
      %mul3A_45 = arith.constant 4 : i32
      %mul3A_46 = arith.muli %scan3A_44, %mul3A_45 : i32
      %add3A_47 = arith.constant 0 : i32
      %add3A_48 = arith.addi %mul3A_46, %add3A_47 : i32
      %dma_wait3A = arith.constant 0 : i32
      %dma_wait3A_49 = tpu.memref_slice %arg7[%add3A_48, %dma_wait3A] : memref<200x50xi32, #tpu.memory_space<vmem>> -> memref<1x50xi32, #tpu.memory_space<vmem>>
      %dma_wait3A_50 = tpu.memref_squeeze %dma_wait3A_49 : memref<1x50xi32, #tpu.memory_space<vmem>> -> memref<50xi32, #tpu.memory_space<vmem>>
      %dma_wait3A_51 = arith.constant 0 : i32
      %dma_wait3A_52 = arith.constant 0 : i32
      %dma_wait3A_53 = tpu.memref_slice %arg2[%dma_wait3A_51, %dma_wait3A_52] : memref<10000x128xf32, #tpu.memory_space<hbm>> -> memref<10000x128xf32, #tpu.memory_space<hbm>>
      tpu.wait_indirect_dma semaphore(%arg14 : memref<!tpu.dma_semaphore, #tpu.memory_space<semaphore_mem>>) src(%dma_wait3A_53 : memref<10000x128xf32, #tpu.memory_space<hbm>>) dst(%arg9 : memref<50x128xf32, #tpu.memory_space<vmem>>)
      "tpu.region"() ({
        %run_scoped3A = tpu.sem_alloc : memref<!tpu.dma_semaphore, #tpu.memory_space<semaphore_mem>>
        %dma_start3A_103 = arith.constant 0 : i32
        %dma_start3A_104 = tpu.memref_slice %arg8[%add3A_48, %dma_start3A_103] : memref<200x50xi32, #tpu.memory_space<vmem>> -> memref<1x50xi32, #tpu.memory_space<vmem>>
        %dma_start3A_105 = tpu.memref_squeeze %dma_start3A_104 : memref<1x50xi32, #tpu.memory_space<vmem>> -> memref<50xi32, #tpu.memory_space<vmem>>
        %dma_start3A_106 = arith.constant 0 : i32
        %dma_start3A_107 = arith.constant 0 : i32
        %dma_start3A_108 = tpu.memref_slice %arg13[%dma_start3A_106, %dma_start3A_107] : memref<10000x128xf32, #tpu.memory_space<vmem_shared>> -> memref<10000x128xf32, #tpu.memory_space<vmem_shared>>
        tpu.enqueue_indirect_dma source(%arg9 : memref<50x128xf32, #tpu.memory_space<vmem>>) target(%dma_start3A_108 : memref<10000x128xf32, #tpu.memory_space<vmem_shared>>) offsets(%dma_start3A_105 : memref<50xi32, #tpu.memory_space<vmem>>) semaphore(%run_scoped3A : memref<!tpu.dma_semaphore, #tpu.memory_space<semaphore_mem>>) {add = true}
        %dma_wait3A_109 = arith.constant 0 : i32
        %dma_wait3A_110 = tpu.memref_slice %arg8[%add3A_48, %dma_wait3A_109] : memref<200x50xi32, #tpu.memory_space<vmem>> -> memref<1x50xi32, #tpu.memory_space<vmem>>
        %dma_wait3A_111 = tpu.memref_squeeze %dma_wait3A_110 : memref<1x50xi32, #tpu.memory_space<vmem>> -> memref<50xi32, #tpu.memory_space<vmem>>
        %dma_wait3A_112 = arith.constant 0 : i32
        %dma_wait3A_113 = arith.constant 0 : i32
        %dma_wait3A_114 = tpu.memref_slice %arg13[%dma_wait3A_112, %dma_wait3A_113] : memref<10000x128xf32, #tpu.memory_space<vmem_shared>> -> memref<10000x128xf32, #tpu.memory_space<vmem_shared>>
        tpu.wait_indirect_dma semaphore(%run_scoped3A : memref<!tpu.dma_semaphore, #tpu.memory_space<semaphore_mem>>) src(%arg9 : memref<50x128xf32, #tpu.memory_space<vmem>>) dst(%dma_wait3A_114 : memref<10000x128xf32, #tpu.memory_space<vmem_shared>>)
        tpu.yield
      }) : () -> ()
      %add3A_54 = arith.constant 4 : i32
      %add3A_55 = arith.addi %add3A_48, %add3A_54 : i32
      %lt3A = arith.constant 200 : i32
      %lt3A_56 = arith.cmpi slt, %add3A_55, %lt3A : i32
      %convert_element_type3A = arith.extui %lt3A_56 : i1 to i32
      %cond3A = arith.constant 0 : i32
      %cond3A_57 = arith.cmpi ne, %convert_element_type3A, %cond3A : i32
      scf.if %cond3A_57 {
        %add3A_103 = arith.constant 4 : i32
        %add3A_104 = arith.addi %add3A_48, %add3A_103 : i32
        %dma_start3A_105 = arith.constant 0 : i32
        %dma_start3A_106 = tpu.memref_slice %arg7[%add3A_104, %dma_start3A_105] : memref<200x50xi32, #tpu.memory_space<vmem>> -> memref<1x50xi32, #tpu.memory_space<vmem>>
        %dma_start3A_107 = tpu.memref_squeeze %dma_start3A_106 : memref<1x50xi32, #tpu.memory_space<vmem>> -> memref<50xi32, #tpu.memory_space<vmem>>
        %dma_start3A_108 = arith.constant 0 : i32
        %dma_start3A_109 = arith.constant 0 : i32
        %dma_start3A_110 = tpu.memref_slice %arg2[%dma_start3A_108, %dma_start3A_109] : memref<10000x128xf32, #tpu.memory_space<hbm>> -> memref<10000x128xf32, #tpu.memory_space<hbm>>
        tpu.enqueue_indirect_dma source(%dma_start3A_110 : memref<10000x128xf32, #tpu.memory_space<hbm>>) target(%arg9 : memref<50x128xf32, #tpu.memory_space<vmem>>) offsets(%dma_start3A_107 : memref<50xi32, #tpu.memory_space<vmem>>) semaphore(%arg14 : memref<!tpu.dma_semaphore, #tpu.memory_space<semaphore_mem>>)
      } else {
      }
      %add3A_58 = arith.constant 1 : i32
      %add3A_59 = arith.addi %mul3A_46, %add3A_58 : i32
      %dma_wait3A_60 = arith.constant 0 : i32
      %dma_wait3A_61 = tpu.memref_slice %arg7[%add3A_59, %dma_wait3A_60] : memref<200x50xi32, #tpu.memory_space<vmem>> -> memref<1x50xi32, #tpu.memory_space<vmem>>
      %dma_wait3A_62 = tpu.memref_squeeze %dma_wait3A_61 : memref<1x50xi32, #tpu.memory_space<vmem>> -> memref<50xi32, #tpu.memory_space<vmem>>
      %dma_wait3A_63 = arith.constant 0 : i32
      %dma_wait3A_64 = arith.constant 0 : i32
      %dma_wait3A_65 = tpu.memref_slice %arg2[%dma_wait3A_63, %dma_wait3A_64] : memref<10000x128xf32, #tpu.memory_space<hbm>> -> memref<10000x128xf32, #tpu.memory_space<hbm>>
      tpu.wait_indirect_dma semaphore(%arg15 : memref<!tpu.dma_semaphore, #tpu.memory_space<semaphore_mem>>) src(%dma_wait3A_65 : memref<10000x128xf32, #tpu.memory_space<hbm>>) dst(%arg10 : memref<50x128xf32, #tpu.memory_space<vmem>>)
      "tpu.region"() ({
        %run_scoped3A = tpu.sem_alloc : memref<!tpu.dma_semaphore, #tpu.memory_space<semaphore_mem>>
        %dma_start3A_103 = arith.constant 0 : i32
        %dma_start3A_104 = tpu.memref_slice %arg8[%add3A_59, %dma_start3A_103] : memref<200x50xi32, #tpu.memory_space<vmem>> -> memref<1x50xi32, #tpu.memory_space<vmem>>
        %dma_start3A_105 = tpu.memref_squeeze %dma_start3A_104 : memref<1x50xi32, #tpu.memory_space<vmem>> -> memref<50xi32, #tpu.memory_space<vmem>>
        %dma_start3A_106 = arith.constant 0 : i32
        %dma_start3A_107 = arith.constant 0 : i32
        %dma_start3A_108 = tpu.memref_slice %arg13[%dma_start3A_106, %dma_start3A_107] : memref<10000x128xf32, #tpu.memory_space<vmem_shared>> -> memref<10000x128xf32, #tpu.memory_space<vmem_shared>>
        tpu.enqueue_indirect_dma source(%arg10 : memref<50x128xf32, #tpu.memory_space<vmem>>) target(%dma_start3A_108 : memref<10000x128xf32, #tpu.memory_space<vmem_shared>>) offsets(%dma_start3A_105 : memref<50xi32, #tpu.memory_space<vmem>>) semaphore(%run_scoped3A : memref<!tpu.dma_semaphore, #tpu.memory_space<semaphore_mem>>) {add = true}
        %dma_wait3A_109 = arith.constant 0 : i32
        %dma_wait3A_110 = tpu.memref_slice %arg8[%add3A_59, %dma_wait3A_109] : memref<200x50xi32, #tpu.memory_space<vmem>> -> memref<1x50xi32, #tpu.memory_space<vmem>>
        %dma_wait3A_111 = tpu.memref_squeeze %dma_wait3A_110 : memref<1x50xi32, #tpu.memory_space<vmem>> -> memref<50xi32, #tpu.memory_space<vmem>>
        %dma_wait3A_112 = arith.constant 0 : i32
        %dma_wait3A_113 = arith.constant 0 : i32
        %dma_wait3A_114 = tpu.memref_slice %arg13[%dma_wait3A_112, %dma_wait3A_113] : memref<10000x128xf32, #tpu.memory_space<vmem_shared>> -> memref<10000x128xf32, #tpu.memory_space<vmem_shared>>
        tpu.wait_indirect_dma semaphore(%run_scoped3A : memref<!tpu.dma_semaphore, #tpu.memory_space<semaphore_mem>>) src(%arg10 : memref<50x128xf32, #tpu.memory_space<vmem>>) dst(%dma_wait3A_114 : memref<10000x128xf32, #tpu.memory_space<vmem_shared>>)
        tpu.yield
      }) : () -> ()
      %add3A_66 = arith.constant 4 : i32
      %add3A_67 = arith.addi %add3A_59, %add3A_66 : i32
      %lt3A_68 = arith.constant 200 : i32
      %lt3A_69 = arith.cmpi slt, %add3A_67, %lt3A_68 : i32
      %convert_element_type3A_70 = arith.extui %lt3A_69 : i1 to i32
      %cond3A_71 = arith.constant 0 : i32
      %cond3A_72 = arith.cmpi ne, %convert_element_type3A_70, %cond3A_71 : i32
      scf.if %cond3A_72 {
        %add3A_103 = arith.constant 4 : i32
        %add3A_104 = arith.addi %add3A_59, %add3A_103 : i32
        %dma_start3A_105 = arith.constant 0 : i32
        %dma_start3A_106 = tpu.memref_slice %arg7[%add3A_104, %dma_start3A_105] : memref<200x50xi32, #tpu.memory_space<vmem>> -> memref<1x50xi32, #tpu.memory_space<vmem>>
        %dma_start3A_107 = tpu.memref_squeeze %dma_start3A_106 : memref<1x50xi32, #tpu.memory_space<vmem>> -> memref<50xi32, #tpu.memory_space<vmem>>
        %dma_start3A_108 = arith.constant 0 : i32
        %dma_start3A_109 = arith.constant 0 : i32
        %dma_start3A_110 = tpu.memref_slice %arg2[%dma_start3A_108, %dma_start3A_109] : memref<10000x128xf32, #tpu.memory_space<hbm>> -> memref<10000x128xf32, #tpu.memory_space<hbm>>
        tpu.enqueue_indirect_dma source(%dma_start3A_110 : memref<10000x128xf32, #tpu.memory_space<hbm>>) target(%arg10 : memref<50x128xf32, #tpu.memory_space<vmem>>) offsets(%dma_start3A_107 : memref<50xi32, #tpu.memory_space<vmem>>) semaphore(%arg15 : memref<!tpu.dma_semaphore, #tpu.memory_space<semaphore_mem>>)
      } else {
      }
      %add3A_73 = arith.constant 2 : i32
      %add3A_74 = arith.addi %mul3A_46, %add3A_73 : i32
      %dma_wait3A_75 = arith.constant 0 : i32
      %dma_wait3A_76 = tpu.memref_slice %arg7[%add3A_74, %dma_wait3A_75] : memref<200x50xi32, #tpu.memory_space<vmem>> -> memref<1x50xi32, #tpu.memory_space<vmem>>
      %dma_wait3A_77 = tpu.memref_squeeze %dma_wait3A_76 : memref<1x50xi32, #tpu.memory_space<vmem>> -> memref<50xi32, #tpu.memory_space<vmem>>
      %dma_wait3A_78 = arith.constant 0 : i32
      %dma_wait3A_79 = arith.constant 0 : i32
      %dma_wait3A_80 = tpu.memref_slice %arg2[%dma_wait3A_78, %dma_wait3A_79] : memref<10000x128xf32, #tpu.memory_space<hbm>> -> memref<10000x128xf32, #tpu.memory_space<hbm>>
      tpu.wait_indirect_dma semaphore(%arg16 : memref<!tpu.dma_semaphore, #tpu.memory_space<semaphore_mem>>) src(%dma_wait3A_80 : memref<10000x128xf32, #tpu.memory_space<hbm>>) dst(%arg11 : memref<50x128xf32, #tpu.memory_space<vmem>>)
      "tpu.region"() ({
        %run_scoped3A = tpu.sem_alloc : memref<!tpu.dma_semaphore, #tpu.memory_space<semaphore_mem>>
        %dma_start3A_103 = arith.constant 0 : i32
        %dma_start3A_104 = tpu.memref_slice %arg8[%add3A_74, %dma_start3A_103] : memref<200x50xi32, #tpu.memory_space<vmem>> -> memref<1x50xi32, #tpu.memory_space<vmem>>
        %dma_start3A_105 = tpu.memref_squeeze %dma_start3A_104 : memref<1x50xi32, #tpu.memory_space<vmem>> -> memref<50xi32, #tpu.memory_space<vmem>>
        %dma_start3A_106 = arith.constant 0 : i32
        %dma_start3A_107 = arith.constant 0 : i32
        %dma_start3A_108 = tpu.memref_slice %arg13[%dma_start3A_106, %dma_start3A_107] : memref<10000x128xf32, #tpu.memory_space<vmem_shared>> -> memref<10000x128xf32, #tpu.memory_space<vmem_shared>>
        tpu.enqueue_indirect_dma source(%arg11 : memref<50x128xf32, #tpu.memory_space<vmem>>) target(%dma_start3A_108 : memref<10000x128xf32, #tpu.memory_space<vmem_shared>>) offsets(%dma_start3A_105 : memref<50xi32, #tpu.memory_space<vmem>>) semaphore(%run_scoped3A : memref<!tpu.dma_semaphore, #tpu.memory_space<semaphore_mem>>) {add = true}
        %dma_wait3A_109 = arith.constant 0 : i32
        %dma_wait3A_110 = tpu.memref_slice %arg8[%add3A_74, %dma_wait3A_109] : memref<200x50xi32, #tpu.memory_space<vmem>> -> memref<1x50xi32, #tpu.memory_space<vmem>>
        %dma_wait3A_111 = tpu.memref_squeeze %dma_wait3A_110 : memref<1x50xi32, #tpu.memory_space<vmem>> -> memref<50xi32, #tpu.memory_space<vmem>>
        %dma_wait3A_112 = arith.constant 0 : i32
        %dma_wait3A_113 = arith.constant 0 : i32
        %dma_wait3A_114 = tpu.memref_slice %arg13[%dma_wait3A_112, %dma_wait3A_113] : memref<10000x128xf32, #tpu.memory_space<vmem_shared>> -> memref<10000x128xf32, #tpu.memory_space<vmem_shared>>
        tpu.wait_indirect_dma semaphore(%run_scoped3A : memref<!tpu.dma_semaphore, #tpu.memory_space<semaphore_mem>>) src(%arg11 : memref<50x128xf32, #tpu.memory_space<vmem>>) dst(%dma_wait3A_114 : memref<10000x128xf32, #tpu.memory_space<vmem_shared>>)
        tpu.yield
      }) : () -> ()
      %add3A_81 = arith.constant 4 : i32
      %add3A_82 = arith.addi %add3A_74, %add3A_81 : i32
      %lt3A_83 = arith.constant 200 : i32
      %lt3A_84 = arith.cmpi slt, %add3A_82, %lt3A_83 : i32
      %convert_element_type3A_85 = arith.extui %lt3A_84 : i1 to i32
      %cond3A_86 = arith.constant 0 : i32
      %cond3A_87 = arith.cmpi ne, %convert_element_type3A_85, %cond3A_86 : i32
      scf.if %cond3A_87 {
        %add3A_103 = arith.constant 4 : i32
        %add3A_104 = arith.addi %add3A_74, %add3A_103 : i32
        %dma_start3A_105 = arith.constant 0 : i32
        %dma_start3A_106 = tpu.memref_slice %arg7[%add3A_104, %dma_start3A_105] : memref<200x50xi32, #tpu.memory_space<vmem>> -> memref<1x50xi32, #tpu.memory_space<vmem>>
        %dma_start3A_107 = tpu.memref_squeeze %dma_start3A_106 : memref<1x50xi32, #tpu.memory_space<vmem>> -> memref<50xi32, #tpu.memory_space<vmem>>
        %dma_start3A_108 = arith.constant 0 : i32
        %dma_start3A_109 = arith.constant 0 : i32
        %dma_start3A_110 = tpu.memref_slice %arg2[%dma_start3A_108, %dma_start3A_109] : memref<10000x128xf32, #tpu.memory_space<hbm>> -> memref<10000x128xf32, #tpu.memory_space<hbm>>
        tpu.enqueue_indirect_dma source(%dma_start3A_110 : memref<10000x128xf32, #tpu.memory_space<hbm>>) target(%arg11 : memref<50x128xf32, #tpu.memory_space<vmem>>) offsets(%dma_start3A_107 : memref<50xi32, #tpu.memory_space<vmem>>) semaphore(%arg16 : memref<!tpu.dma_semaphore, #tpu.memory_space<semaphore_mem>>)
      } else {
      }
      %add3A_88 = arith.constant 3 : i32
      %add3A_89 = arith.addi %mul3A_46, %add3A_88 : i32
      %dma_wait3A_90 = arith.constant 0 : i32
      %dma_wait3A_91 = tpu.memref_slice %arg7[%add3A_89, %dma_wait3A_90] : memref<200x50xi32, #tpu.memory_space<vmem>> -> memref<1x50xi32, #tpu.memory_space<vmem>>
      %dma_wait3A_92 = tpu.memref_squeeze %dma_wait3A_91 : memref<1x50xi32, #tpu.memory_space<vmem>> -> memref<50xi32, #tpu.memory_space<vmem>>
      %dma_wait3A_93 = arith.constant 0 : i32
      %dma_wait3A_94 = arith.constant 0 : i32
      %dma_wait3A_95 = tpu.memref_slice %arg2[%dma_wait3A_93, %dma_wait3A_94] : memref<10000x128xf32, #tpu.memory_space<hbm>> -> memref<10000x128xf32, #tpu.memory_space<hbm>>
      tpu.wait_indirect_dma semaphore(%arg17 : memref<!tpu.dma_semaphore, #tpu.memory_space<semaphore_mem>>) src(%dma_wait3A_95 : memref<10000x128xf32, #tpu.memory_space<hbm>>) dst(%arg12 : memref<50x128xf32, #tpu.memory_space<vmem>>)
      "tpu.region"() ({
        %run_scoped3A = tpu.sem_alloc : memref<!tpu.dma_semaphore, #tpu.memory_space<semaphore_mem>>
        %dma_start3A_103 = arith.constant 0 : i32
        %dma_start3A_104 = tpu.memref_slice %arg8[%add3A_89, %dma_start3A_103] : memref<200x50xi32, #tpu.memory_space<vmem>> -> memref<1x50xi32, #tpu.memory_space<vmem>>
        %dma_start3A_105 = tpu.memref_squeeze %dma_start3A_104 : memref<1x50xi32, #tpu.memory_space<vmem>> -> memref<50xi32, #tpu.memory_space<vmem>>
        %dma_start3A_106 = arith.constant 0 : i32
        %dma_start3A_107 = arith.constant 0 : i32
        %dma_start3A_108 = tpu.memref_slice %arg13[%dma_start3A_106, %dma_start3A_107] : memref<10000x128xf32, #tpu.memory_space<vmem_shared>> -> memref<10000x128xf32, #tpu.memory_space<vmem_shared>>
        tpu.enqueue_indirect_dma source(%arg12 : memref<50x128xf32, #tpu.memory_space<vmem>>) target(%dma_start3A_108 : memref<10000x128xf32, #tpu.memory_space<vmem_shared>>) offsets(%dma_start3A_105 : memref<50xi32, #tpu.memory_space<vmem>>) semaphore(%run_scoped3A : memref<!tpu.dma_semaphore, #tpu.memory_space<semaphore_mem>>) {add = true}
        %dma_wait3A_109 = arith.constant 0 : i32
        %dma_wait3A_110 = tpu.memref_slice %arg8[%add3A_89, %dma_wait3A_109] : memref<200x50xi32, #tpu.memory_space<vmem>> -> memref<1x50xi32, #tpu.memory_space<vmem>>
        %dma_wait3A_111 = tpu.memref_squeeze %dma_wait3A_110 : memref<1x50xi32, #tpu.memory_space<vmem>> -> memref<50xi32, #tpu.memory_space<vmem>>
        %dma_wait3A_112 = arith.constant 0 : i32
        %dma_wait3A_113 = arith.constant 0 : i32
        %dma_wait3A_114 = tpu.memref_slice %arg13[%dma_wait3A_112, %dma_wait3A_113] : memref<10000x128xf32, #tpu.memory_space<vmem_shared>> -> memref<10000x128xf32, #tpu.memory_space<vmem_shared>>
        tpu.wait_indirect_dma semaphore(%run_scoped3A : memref<!tpu.dma_semaphore, #tpu.memory_space<semaphore_mem>>) src(%arg12 : memref<50x128xf32, #tpu.memory_space<vmem>>) dst(%dma_wait3A_114 : memref<10000x128xf32, #tpu.memory_space<vmem_shared>>)
        tpu.yield
      }) : () -> ()
      %add3A_96 = arith.constant 4 : i32
      %add3A_97 = arith.addi %add3A_89, %add3A_96 : i32
      %lt3A_98 = arith.constant 200 : i32
      %lt3A_99 = arith.cmpi slt, %add3A_97, %lt3A_98 : i32
      %convert_element_type3A_100 = arith.extui %lt3A_99 : i1 to i32
      %cond3A_101 = arith.constant 0 : i32
      %cond3A_102 = arith.cmpi ne, %convert_element_type3A_100, %cond3A_101 : i32
      scf.if %cond3A_102 {
        %add3A_103 = arith.constant 4 : i32
        %add3A_104 = arith.addi %add3A_89, %add3A_103 : i32
        %dma_start3A_105 = arith.constant 0 : i32
        %dma_start3A_106 = tpu.memref_slice %arg7[%add3A_104, %dma_start3A_105] : memref<200x50xi32, #tpu.memory_space<vmem>> -> memref<1x50xi32, #tpu.memory_space<vmem>>
        %dma_start3A_107 = tpu.memref_squeeze %dma_start3A_106 : memref<1x50xi32, #tpu.memory_space<vmem>> -> memref<50xi32, #tpu.memory_space<vmem>>
        %dma_start3A_108 = arith.constant 0 : i32
        %dma_start3A_109 = arith.constant 0 : i32
        %dma_start3A_110 = tpu.memref_slice %arg2[%dma_start3A_108, %dma_start3A_109] : memref<10000x128xf32, #tpu.memory_space<hbm>> -> memref<10000x128xf32, #tpu.memory_space<hbm>>
        tpu.enqueue_indirect_dma source(%dma_start3A_110 : memref<10000x128xf32, #tpu.memory_space<hbm>>) target(%arg12 : memref<50x128xf32, #tpu.memory_space<vmem>>) offsets(%dma_start3A_107 : memref<50xi32, #tpu.memory_space<vmem>>) semaphore(%arg17 : memref<!tpu.dma_semaphore, #tpu.memory_space<semaphore_mem>>)
      } else {
      }
    }
    %scan3A_38 = arith.constant 50 : i32
    %barrier3A_39 = arith.constant 0 : index
    tpu.barrier barrier_id(%barrier3A_39)
    %mul3A_40 = arith.constant 625 : i32
    %mul3A_41 = arith.muli %arg1, %mul3A_40 : i32
    %mul3A_42 = arith.constant 625 : i32
    %mul3A_43 = arith.muli %arg1, %mul3A_42 : i32
    "tpu.region"() ({
      %run_scoped3A = tpu.sem_alloc : memref<!tpu.dma_semaphore, #tpu.memory_space<semaphore_mem>>
      %dma_start3A_44 = arith.constant 0 : i32
      %dma_start3A_45 = tpu.memref_slice %arg6[%arg0, %mul3A_43, %dma_start3A_44] : memref<2x10000x128xf32, #tpu.memory_space<hbm>> -> memref<1x625x128xf32, #tpu.memory_space<hbm>>
      %dma_start3A_46 = tpu.memref_squeeze %dma_start3A_45 : memref<1x625x128xf32, #tpu.memory_space<hbm>> -> memref<625x128xf32, #tpu.memory_space<hbm>>
      %dma_start3A_47 = arith.constant 0 : i32
      %dma_start3A_48 = tpu.memref_slice %arg13[%mul3A_41, %dma_start3A_47] : memref<10000x128xf32, #tpu.memory_space<vmem_shared>> -> memref<625x128xf32, #tpu.memory_space<vmem_shared>>
      tpu.enqueue_dma source(%dma_start3A_48 : memref<625x128xf32, #tpu.memory_space<vmem_shared>>) target(%dma_start3A_46 : memref<625x128xf32, #tpu.memory_space<hbm>>) target_semaphore(%run_scoped3A : memref<!tpu.dma_semaphore, #tpu.memory_space<semaphore_mem>>)
      %dma_wait3A = arith.constant 0 : i32
      %dma_wait3A_49 = tpu.memref_slice %arg6[%arg0, %mul3A_43, %dma_wait3A] : memref<2x10000x128xf32, #tpu.memory_space<hbm>> -> memref<1x625x128xf32, #tpu.memory_space<hbm>>
      %dma_wait3A_50 = tpu.memref_squeeze %dma_wait3A_49 : memref<1x625x128xf32, #tpu.memory_space<hbm>> -> memref<625x128xf32, #tpu.memory_space<hbm>>
      %dma_wait3A_51 = arith.constant 0 : i32
      %dma_wait3A_52 = tpu.memref_slice %arg13[%mul3A_41, %dma_wait3A_51] : memref<10000x128xf32, #tpu.memory_space<vmem_shared>> -> memref<625x128xf32, #tpu.memory_space<vmem_shared>>
      tpu.wait_dma2 semaphore(%run_scoped3A : memref<!tpu.dma_semaphore, #tpu.memory_space<semaphore_mem>>) src(%dma_wait3A_52 : memref<625x128xf32, #tpu.memory_space<vmem_shared>>) dst(%dma_wait3A_50 : memref<625x128xf32, #tpu.memory_space<hbm>>)
      tpu.yield
    }) : () -> ()
    return
  }
}

module attributes {stable_mosaic.version = 14 : i64} {
  func.func @_tc_in_body(%arg0: i32, %arg1: memref<1000x128xf32, #tpu.memory_space<vmem>>, %arg2: memref<2x1000x16xf32, #tpu.memory_space<vmem>>, %arg3: memref<128x128xf32, #tpu.memory_space<vmem>>, %arg4: memref<1x128xf32, #tpu.memory_space<vmem>>, %arg5: memref<128x128xf32, #tpu.memory_space<vmem>>, %arg6: memref<1000x128xf32, #tpu.memory_space<vmem>>, %arg7: memref<1000x1xf32, #tpu.memory_space<vmem>>) attributes {dimension_semantics = [#tpu.dimension_semantics<arbitrary>], iteration_bounds = array<i64: 10>, scalar_prefetch = 0 : i64, scratch_operands = 0 : i64, tpu.core_type = #tpu.core_type<tc>, window_params = [{transform_indices = @transform_0, window_bounds = array<i64: 1000, 128>}, {transform_indices = @transform_1, window_bounds = array<i64: 2, 1000, 16>}, {pipeline_mode = #tpu.pipeline_mode<synchronous>, transform_indices = @transform_2, window_bounds = array<i64: 128, 128>}, {pipeline_mode = #tpu.pipeline_mode<synchronous>, transform_indices = @transform_3, window_bounds = array<i64: 1, 128>}, {pipeline_mode = #tpu.pipeline_mode<synchronous>, transform_indices = @transform_4, window_bounds = array<i64: 128, 128>}, {transform_indices = @transform_5, window_bounds = array<i64: 1000, 128>}, {transform_indices = @transform_6, window_bounds = array<i64: 1000, 1>}]} {
    %get3A = arith.constant 0 : index
    %get3A_0 = arith.constant 0 : index
    %get3A_1 = arith.constant 0 : index
    %get3A_2 = vector.load %arg2[%get3A, %get3A_0, %get3A_1] : memref<2x1000x16xf32, #tpu.memory_space<vmem>>, vector<1x1000x1xf32>
    %get3A_3 = vector.shape_cast %get3A_2 : vector<1x1000x1xf32> to vector<1000x1xf32>
    %get3A_4 = arith.constant 1 : index
    %get3A_5 = arith.constant 0 : index
    %get3A_6 = arith.constant 0 : index
    %get3A_7 = vector.load %arg2[%get3A_4, %get3A_5, %get3A_6] : memref<2x1000x16xf32, #tpu.memory_space<vmem>>, vector<1x1000x1xf32>
    %get3A_8 = vector.shape_cast %get3A_7 : vector<1x1000x1xf32> to vector<1000x1xf32>
    %add3A = arith.addf %get3A_3, %get3A_8 : vector<1000x1xf32>
    %add3A_9 = arith.constant 1.000000e+00 : f32
    %add3A_10 = vector.broadcast %add3A_9 : f32 to vector<1000x1xf32>
    %add3A_11 = arith.addf %add3A, %add3A_10 : vector<1000x1xf32>
    %rsqrt3A = math.rsqrt %add3A_11 : vector<1000x1xf32>
    %get3A_12 = arith.constant 0 : index
    %get3A_13 = arith.constant 0 : index
    %get3A_14 = vector.load %arg1[%get3A_12, %get3A_13] : memref<1000x128xf32, #tpu.memory_space<vmem>>, vector<1000x128xf32>
    %get3A_15 = arith.constant 0 : index
    %get3A_16 = arith.constant 0 : index
    %get3A_17 = vector.load %arg3[%get3A_15, %get3A_16] : memref<128x128xf32, #tpu.memory_space<vmem>>, vector<128x128xf32>
    %dot_general3A = arith.constant dense<0.000000e+00> : vector<1000x128xf32>
    %dot_general3A_18 = tpu.matmul %get3A_14, %get3A_17, %dot_general3A {dimension_numbers = #tpu.dot_dimension_numbers<[1], [0], [0], [1], [0, 0, 1, 1], [], []>, transpose_lhs_hint = false} : vector<1000x128xf32>, vector<128x128xf32>, vector<1000x128xf32> -> vector<1000x128xf32>
    %get3A_19 = arith.constant 0 : index
    %get3A_20 = arith.constant 0 : index
    %get3A_21 = vector.load %arg4[%get3A_19, %get3A_20] : memref<1x128xf32, #tpu.memory_space<vmem>>, vector<1x128xf32>
    %add3A_22 = vector.broadcast %get3A_21 : vector<1x128xf32> to vector<1000x128xf32>
    %add3A_23 = arith.addf %dot_general3A_18, %add3A_22 : vector<1000x128xf32>
    %max3A = arith.constant 0.000000e+00 : f32
    %max3A_24 = vector.broadcast %max3A : f32 to vector<1000x128xf32>
    %max3A_25 = arith.maximumf %add3A_23, %max3A_24 : vector<1000x128xf32>
    %get3A_26 = arith.constant 0 : index
    %get3A_27 = arith.constant 0 : index
    %get3A_28 = vector.load %arg5[%get3A_26, %get3A_27] : memref<128x128xf32, #tpu.memory_space<vmem>>, vector<128x128xf32>
    %dot_general3A_29 = arith.constant dense<0.000000e+00> : vector<1000x128xf32>
    %dot_general3A_30 = tpu.matmul %max3A_25, %get3A_28, %dot_general3A_29 {dimension_numbers = #tpu.dot_dimension_numbers<[1], [0], [0], [1], [0, 0, 1, 1], [], []>, transpose_lhs_hint = false} : vector<1000x128xf32>, vector<128x128xf32>, vector<1000x128xf32> -> vector<1000x128xf32>
    %mul3A = vector.broadcast %rsqrt3A : vector<1000x1xf32> to vector<1000x128xf32>
    %mul3A_31 = arith.mulf %mul3A, %dot_general3A_30 : vector<1000x128xf32>
    %swap3A = arith.constant 0 : index
    %swap3A_32 = arith.constant 0 : index
    %swap3A_33 = vector.load %arg6[%swap3A, %swap3A_32] : memref<1000x128xf32, #tpu.memory_space<vmem>>, vector<1000x128xf32>
    tpu.vector_store %arg6[%swap3A, %swap3A_32], %mul3A_31 {strides = array<i32>} : memref<1000x128xf32, #tpu.memory_space<vmem>>, vector<1000x128xf32>,
    %swap3A_34 = arith.constant 0 : index
    %swap3A_35 = arith.constant 0 : index
    %swap3A_36 = vector.load %arg7[%swap3A_34, %swap3A_35] : memref<1000x1xf32, #tpu.memory_space<vmem>>, vector<1000x1xf32>
    tpu.vector_store %arg7[%swap3A_34, %swap3A_35], %rsqrt3A {strides = array<i32>} : memref<1000x1xf32, #tpu.memory_space<vmem>>, vector<1000x1xf32>,
    return
  }
  func.func @transform_0(%arg0: i32) -> (i32, i32) {
    %c0_i32 = arith.constant 0 : i32
    %c0_i32_0 = arith.constant 0 : i32
    return %arg0, %c0_i32 : i32, i32
  }
  func.func @transform_1(%arg0: i32) -> (i32, i32, i32) {
    %c0_i32 = arith.constant 0 : i32
    %c0_i32_0 = arith.constant 0 : i32
    %c0_i32_1 = arith.constant 0 : i32
    return %c0_i32, %arg0, %c0_i32_0 : i32, i32, i32
  }
  func.func @transform_2(%arg0: i32) -> (i32, i32) {
    %c0_i32 = arith.constant 0 : i32
    %c0_i32_0 = arith.constant 0 : i32
    %c0_i32_1 = arith.constant 0 : i32
    return %c0_i32, %c0_i32_0 : i32, i32
  }
  func.func @transform_3(%arg0: i32) -> (i32, i32) {
    %c0_i32 = arith.constant 0 : i32
    %c0_i32_0 = arith.constant 0 : i32
    %c0_i32_1 = arith.constant 0 : i32
    return %c0_i32, %c0_i32_0 : i32, i32
  }
  func.func @transform_4(%arg0: i32) -> (i32, i32) {
    %c0_i32 = arith.constant 0 : i32
    %c0_i32_0 = arith.constant 0 : i32
    %c0_i32_1 = arith.constant 0 : i32
    return %c0_i32, %c0_i32_0 : i32, i32
  }
  func.func @transform_5(%arg0: i32) -> (i32, i32) {
    %c0_i32 = arith.constant 0 : i32
    %c0_i32_0 = arith.constant 0 : i32
    return %arg0, %c0_i32 : i32, i32
  }
  func.func @transform_6(%arg0: i32) -> (i32, i32) {
    %c0_i32 = arith.constant 0 : i32
    %c0_i32_0 = arith.constant 0 : i32
    return %arg0, %c0_i32 : i32, i32
  }
}

module attributes {stable_mosaic.version = 14 : i64} {
  func.func @_tc_mid_body(%arg0: i32, %arg1: memref<2x1000x128xf32, #tpu.memory_space<vmem>>, %arg2: memref<1000x128xf32, #tpu.memory_space<vmem>>, %arg3: memref<1000x1xf32, #tpu.memory_space<vmem>>, %arg4: memref<1x128xf32, #tpu.memory_space<vmem>>, %arg5: memref<128x128xf32, #tpu.memory_space<vmem>>, %arg6: memref<1000x128xf32, #tpu.memory_space<vmem>>) attributes {dimension_semantics = [#tpu.dimension_semantics<arbitrary>], iteration_bounds = array<i64: 10>, scalar_prefetch = 0 : i64, scratch_operands = 0 : i64, tpu.core_type = #tpu.core_type<tc>, window_params = [{transform_indices = @transform_0, window_bounds = array<i64: 2, 1000, 128>}, {transform_indices = @transform_1, window_bounds = array<i64: 1000, 128>}, {transform_indices = @transform_2, window_bounds = array<i64: 1000, 1>}, {pipeline_mode = #tpu.pipeline_mode<synchronous>, transform_indices = @transform_3, window_bounds = array<i64: 1, 128>}, {pipeline_mode = #tpu.pipeline_mode<synchronous>, transform_indices = @transform_4, window_bounds = array<i64: 128, 128>}, {transform_indices = @transform_5, window_bounds = array<i64: 1000, 128>}]} {
    %get3A = arith.constant 0 : index
    %get3A_0 = arith.constant 0 : index
    %get3A_1 = vector.load %arg3[%get3A, %get3A_0] : memref<1000x1xf32, #tpu.memory_space<vmem>>, vector<1000x1xf32>
    %get3A_2 = arith.constant 0 : index
    %get3A_3 = arith.constant 0 : index
    %get3A_4 = arith.constant 0 : index
    %get3A_5 = vector.load %arg1[%get3A_2, %get3A_3, %get3A_4] : memref<2x1000x128xf32, #tpu.memory_space<vmem>>, vector<1x1000x128xf32>
    %get3A_6 = vector.shape_cast %get3A_5 : vector<1x1000x128xf32> to vector<1000x128xf32>
    %get3A_7 = arith.constant 1 : index
    %get3A_8 = arith.constant 0 : index
    %get3A_9 = arith.constant 0 : index
    %get3A_10 = vector.load %arg1[%get3A_7, %get3A_8, %get3A_9] : memref<2x1000x128xf32, #tpu.memory_space<vmem>>, vector<1x1000x128xf32>
    %get3A_11 = vector.shape_cast %get3A_10 : vector<1x1000x128xf32> to vector<1000x128xf32>
    %add3A = arith.addf %get3A_6, %get3A_11 : vector<1000x128xf32>
    %get3A_12 = arith.constant 0 : index
    %get3A_13 = arith.constant 0 : index
    %get3A_14 = vector.load %arg2[%get3A_12, %get3A_13] : memref<1000x128xf32, #tpu.memory_space<vmem>>, vector<1000x128xf32>
    %add3A_15 = arith.addf %add3A, %get3A_14 : vector<1000x128xf32>
    %mul3A = vector.broadcast %get3A_1 : vector<1000x1xf32> to vector<1000x128xf32>
    %mul3A_16 = arith.mulf %mul3A, %add3A_15 : vector<1000x128xf32>
    %get3A_17 = arith.constant 0 : index
    %get3A_18 = arith.constant 0 : index
    %get3A_19 = vector.load %arg4[%get3A_17, %get3A_18] : memref<1x128xf32, #tpu.memory_space<vmem>>, vector<1x128xf32>
    %add3A_20 = vector.broadcast %get3A_19 : vector<1x128xf32> to vector<1000x128xf32>
    %add3A_21 = arith.addf %mul3A_16, %add3A_20 : vector<1000x128xf32>
    %max3A = arith.constant 0.000000e+00 : f32
    %max3A_22 = vector.broadcast %max3A : f32 to vector<1000x128xf32>
    %max3A_23 = arith.maximumf %add3A_21, %max3A_22 : vector<1000x128xf32>
    %get3A_24 = arith.constant 0 : index
    %get3A_25 = arith.constant 0 : index
    %get3A_26 = vector.load %arg5[%get3A_24, %get3A_25] : memref<128x128xf32, #tpu.memory_space<vmem>>, vector<128x128xf32>
    %dot_general3A = arith.constant dense<0.000000e+00> : vector<1000x128xf32>
    %dot_general3A_27 = tpu.matmul %max3A_23, %get3A_26, %dot_general3A {dimension_numbers = #tpu.dot_dimension_numbers<[1], [0], [0], [1], [0, 0, 1, 1], [], []>, transpose_lhs_hint = false} : vector<1000x128xf32>, vector<128x128xf32>, vector<1000x128xf32> -> vector<1000x128xf32>
    %mul3A_28 = vector.broadcast %get3A_1 : vector<1000x1xf32> to vector<1000x128xf32>
    %mul3A_29 = arith.mulf %mul3A_28, %dot_general3A_27 : vector<1000x128xf32>
    %swap3A = arith.constant 0 : index
    %swap3A_30 = arith.constant 0 : index
    %swap3A_31 = vector.load %arg6[%swap3A, %swap3A_30] : memref<1000x128xf32, #tpu.memory_space<vmem>>, vector<1000x128xf32>
    tpu.vector_store %arg6[%swap3A, %swap3A_30], %mul3A_29 {strides = array<i32>} : memref<1000x128xf32, #tpu.memory_space<vmem>>, vector<1000x128xf32>,
    return
  }
  func.func @transform_0(%arg0: i32) -> (i32, i32, i32) {
    %c0_i32 = arith.constant 0 : i32
    %c0_i32_0 = arith.constant 0 : i32
    %c0_i32_1 = arith.constant 0 : i32
    return %c0_i32, %arg0, %c0_i32_0 : i32, i32, i32
  }
  func.func @transform_1(%arg0: i32) -> (i32, i32) {
    %c0_i32 = arith.constant 0 : i32
    %c0_i32_0 = arith.constant 0 : i32
    return %arg0, %c0_i32 : i32, i32
  }
  func.func @transform_2(%arg0: i32) -> (i32, i32) {
    %c0_i32 = arith.constant 0 : i32
    %c0_i32_0 = arith.constant 0 : i32
    return %arg0, %c0_i32 : i32, i32
  }
  func.func @transform_3(%arg0: i32) -> (i32, i32) {
    %c0_i32 = arith.constant 0 : i32
    %c0_i32_0 = arith.constant 0 : i32
    %c0_i32_1 = arith.constant 0 : i32
    return %c0_i32, %c0_i32_0 : i32, i32
  }
  func.func @transform_4(%arg0: i32) -> (i32, i32) {
    %c0_i32 = arith.constant 0 : i32
    %c0_i32_0 = arith.constant 0 : i32
    %c0_i32_1 = arith.constant 0 : i32
    return %c0_i32, %c0_i32_0 : i32, i32
  }
  func.func @transform_5(%arg0: i32) -> (i32, i32) {
    %c0_i32 = arith.constant 0 : i32
    %c0_i32_0 = arith.constant 0 : i32
    return %arg0, %c0_i32 : i32, i32
  }
}

module attributes {stable_mosaic.version = 14 : i64} {
  func.func @_tc_out_body(%arg0: i32, %arg1: memref<2x1000x128xf32, #tpu.memory_space<vmem>>, %arg2: memref<1000x128xf32, #tpu.memory_space<vmem>>, %arg3: memref<1000x1xf32, #tpu.memory_space<vmem>>, %arg4: memref<1x128xf32, #tpu.memory_space<vmem>>, %arg5: memref<128x128xf32, #tpu.memory_space<vmem>>, %arg6: memref<1x128xf32, #tpu.memory_space<vmem>>, %arg7: memref<1000x128xf32, #tpu.memory_space<vmem>>) attributes {dimension_semantics = [#tpu.dimension_semantics<arbitrary>], iteration_bounds = array<i64: 10>, scalar_prefetch = 0 : i64, scratch_operands = 0 : i64, tpu.core_type = #tpu.core_type<tc>, window_params = [{transform_indices = @transform_0, window_bounds = array<i64: 2, 1000, 128>}, {transform_indices = @transform_1, window_bounds = array<i64: 1000, 128>}, {transform_indices = @transform_2, window_bounds = array<i64: 1000, 1>}, {pipeline_mode = #tpu.pipeline_mode<synchronous>, transform_indices = @transform_3, window_bounds = array<i64: 1, 128>}, {pipeline_mode = #tpu.pipeline_mode<synchronous>, transform_indices = @transform_4, window_bounds = array<i64: 128, 128>}, {pipeline_mode = #tpu.pipeline_mode<synchronous>, transform_indices = @transform_5, window_bounds = array<i64: 1, 128>}, {transform_indices = @transform_6, window_bounds = array<i64: 1000, 128>}]} {
    %get3A = arith.constant 0 : index
    %get3A_0 = arith.constant 0 : index
    %get3A_1 = vector.load %arg3[%get3A, %get3A_0] : memref<1000x1xf32, #tpu.memory_space<vmem>>, vector<1000x1xf32>
    %get3A_2 = arith.constant 0 : index
    %get3A_3 = arith.constant 0 : index
    %get3A_4 = arith.constant 0 : index
    %get3A_5 = vector.load %arg1[%get3A_2, %get3A_3, %get3A_4] : memref<2x1000x128xf32, #tpu.memory_space<vmem>>, vector<1x1000x128xf32>
    %get3A_6 = vector.shape_cast %get3A_5 : vector<1x1000x128xf32> to vector<1000x128xf32>
    %get3A_7 = arith.constant 1 : index
    %get3A_8 = arith.constant 0 : index
    %get3A_9 = arith.constant 0 : index
    %get3A_10 = vector.load %arg1[%get3A_7, %get3A_8, %get3A_9] : memref<2x1000x128xf32, #tpu.memory_space<vmem>>, vector<1x1000x128xf32>
    %get3A_11 = vector.shape_cast %get3A_10 : vector<1x1000x128xf32> to vector<1000x128xf32>
    %add3A = arith.addf %get3A_6, %get3A_11 : vector<1000x128xf32>
    %get3A_12 = arith.constant 0 : index
    %get3A_13 = arith.constant 0 : index
    %get3A_14 = vector.load %arg2[%get3A_12, %get3A_13] : memref<1000x128xf32, #tpu.memory_space<vmem>>, vector<1000x128xf32>
    %add3A_15 = arith.addf %add3A, %get3A_14 : vector<1000x128xf32>
    %mul3A = vector.broadcast %get3A_1 : vector<1000x1xf32> to vector<1000x128xf32>
    %mul3A_16 = arith.mulf %mul3A, %add3A_15 : vector<1000x128xf32>
    %get3A_17 = arith.constant 0 : index
    %get3A_18 = arith.constant 0 : index
    %get3A_19 = vector.load %arg4[%get3A_17, %get3A_18] : memref<1x128xf32, #tpu.memory_space<vmem>>, vector<1x128xf32>
    %add3A_20 = vector.broadcast %get3A_19 : vector<1x128xf32> to vector<1000x128xf32>
    %add3A_21 = arith.addf %mul3A_16, %add3A_20 : vector<1000x128xf32>
    %max3A = arith.constant 0.000000e+00 : f32
    %max3A_22 = vector.broadcast %max3A : f32 to vector<1000x128xf32>
    %max3A_23 = arith.maximumf %add3A_21, %max3A_22 : vector<1000x128xf32>
    %get3A_24 = arith.constant 0 : index
    %get3A_25 = arith.constant 0 : index
    %get3A_26 = vector.load %arg5[%get3A_24, %get3A_25] : memref<128x128xf32, #tpu.memory_space<vmem>>, vector<128x128xf32>
    %dot_general3A = arith.constant dense<0.000000e+00> : vector<1000x128xf32>
    %dot_general3A_27 = tpu.matmul %max3A_23, %get3A_26, %dot_general3A {dimension_numbers = #tpu.dot_dimension_numbers<[1], [0], [0], [1], [0, 0, 1, 1], [], []>, transpose_lhs_hint = false} : vector<1000x128xf32>, vector<128x128xf32>, vector<1000x128xf32> -> vector<1000x128xf32>
    %get3A_28 = arith.constant 0 : index
    %get3A_29 = arith.constant 0 : index
    %get3A_30 = vector.load %arg6[%get3A_28, %get3A_29] : memref<1x128xf32, #tpu.memory_space<vmem>>, vector<1x128xf32>
    %add3A_31 = vector.broadcast %get3A_30 : vector<1x128xf32> to vector<1000x128xf32>
    %add3A_32 = arith.addf %dot_general3A_27, %add3A_31 : vector<1000x128xf32>
    %max3A_33 = arith.constant 0.000000e+00 : f32
    %max3A_34 = vector.broadcast %max3A_33 : f32 to vector<1000x128xf32>
    %max3A_35 = arith.maximumf %add3A_32, %max3A_34 : vector<1000x128xf32>
    %swap3A = arith.constant 0 : index
    %swap3A_36 = arith.constant 0 : index
    %swap3A_37 = vector.load %arg7[%swap3A, %swap3A_36] : memref<1000x128xf32, #tpu.memory_space<vmem>>, vector<1000x128xf32>
    tpu.vector_store %arg7[%swap3A, %swap3A_36], %max3A_35 {strides = array<i32>} : memref<1000x128xf32, #tpu.memory_space<vmem>>, vector<1000x128xf32>,
    return
  }
  func.func @transform_0(%arg0: i32) -> (i32, i32, i32) {
    %c0_i32 = arith.constant 0 : i32
    %c0_i32_0 = arith.constant 0 : i32
    %c0_i32_1 = arith.constant 0 : i32
    return %c0_i32, %arg0, %c0_i32_0 : i32, i32, i32
  }
  func.func @transform_1(%arg0: i32) -> (i32, i32) {
    %c0_i32 = arith.constant 0 : i32
    %c0_i32_0 = arith.constant 0 : i32
    return %arg0, %c0_i32 : i32, i32
  }
  func.func @transform_2(%arg0: i32) -> (i32, i32) {
    %c0_i32 = arith.constant 0 : i32
    %c0_i32_0 = arith.constant 0 : i32
    return %arg0, %c0_i32 : i32, i32
  }
  func.func @transform_3(%arg0: i32) -> (i32, i32) {
    %c0_i32 = arith.constant 0 : i32
    %c0_i32_0 = arith.constant 0 : i32
    %c0_i32_1 = arith.constant 0 : i32
    return %c0_i32, %c0_i32_0 : i32, i32
  }
  func.func @transform_4(%arg0: i32) -> (i32, i32) {
    %c0_i32 = arith.constant 0 : i32
    %c0_i32_0 = arith.constant 0 : i32
    %c0_i32_1 = arith.constant 0 : i32
    return %c0_i32, %c0_i32_0 : i32, i32
  }
  func.func @transform_5(%arg0: i32) -> (i32, i32) {
    %c0_i32 = arith.constant 0 : i32
    %c0_i32_0 = arith.constant 0 : i32
    %c0_i32_1 = arith.constant 0 : i32
    return %c0_i32, %c0_i32_0 : i32, i32
  }
  func.func @transform_6(%arg0: i32) -> (i32, i32) {
    %c0_i32 = arith.constant 0 : i32
    %c0_i32_0 = arith.constant 0 : i32
    return %arg0, %c0_i32 : i32, i32
  }
}

</mosaic_0001>

<sc_bundles>
// kernel: kernel.10.cloned.1.call-start
scs
__scs_entry_jumppad:
0x0: {  	(pc) =	sbr.rel $0x88, $3  }
0x1: {  	(tag) =	ssettag $0x0;
	lr =	simm.s32 $0x1  }
0x2: {  	[smem:$0x3F95] =	sst lr;
	_ =	strace $0xD0000000  }
0x3: {  	_ = 	snop  }
0x4: {  	_ = 	snop  }
0x5: {  	_ = 	snop  }
0x6: {  	_ = 	snop  }
0x7: {  	_ = 	snop  }
__scs_overlays_trampoline_lowered:
0x8: {  	[smem:$0x3FA4] =	sst s0  }
0x9: {  	[smem:$0x3FA5] =	sst s1  }
0xa: {  	[smem:$0x3FA6] =	sst s2  }
0xb: {  	[smem:$0x3FA7] =	sst s3  }
0xc: {  	[smem:$0x3FA8] =	sst s4  }
0xd: {  	[smem:$0x3FA9] =	sst s5  }
0xe: {  	[smem:$0x3FAA] =	sst s6  }
0xf: {  	[smem:$0x3FAB] =	sst s7  }
0x10: {  	[smem:$0x3FAC] =	sst s8  }
0x11: {  	[smem:$0x3FAD] =	sst s9;
	s0 =	simm.s32 @!p0 $0x0  }
0x12: {  	s1 =	sld [smem:$0x3F93];
	s0 =	simm.s32 @p0 $0x1  }
0x13: {  	[smem:$0x3FAE] =	sst s0;
	s0 =	simm.s32 @!p1 $0x0  }
0x14: {  	s2 =	sld [smem:$0x3F92];
	s0 =	simm.s32 @p1 $0x1  }
0x15: {  	[smem:$0x3FAF] =	sst s0;
	s0 =	simm.s32 @!p2 $0x0  }
0x16: {  	s3 =	sld [smem:$0x3FDB];
	s0 =	simm.s32 @p2 $0x1  }
0x17: {  	s4 =	simm.s32 $0x1BF5;
	[smem:$0x3FB1] =	sst s0  }
0x18: {  	s0 =	sld [smem:$0x3F94];
	_ =	swait.ge [sflag:s4], $0x0  }
0x19: {  	s7 =	sld [smem:$0x3F95]  }
0x1a: {  	s8 =	sadd.s32 $0xFFFFE003, lr  }
0x1b: {  	s9 =	sadd.s32 $0xFFFFFEF7, lr;
	s5 =	simm.s32 $0xFFFFFFFF;
	p2 =	slt.u32 s8, $0xFFFFF086  }
0x1c: {  	p1 =	slt.u32 s9, $0xF7A;
	s5 =	simm.s32 @!p2 $0x0  }
0x1d: {  	s5 =	simm.s32 @p1 $0x1;
	p0 =	seq.s32 s7, s2  }
0x1e: {  	s7 =	smul.u32 @!p0 $0xF7A, s2;
	p2 =	seq.s32 @!p0 s5, $0x0  }
0x1f: {  	s9 =	smul.u32 $0xF7A, s1;
	s8 =	simm.s32 @!p0 $0x1BF5;
	p2 =	por !p2, p0  }
0x20: {  	[sflag:s8] =	ssyncset.s32 @!p0 $0xFFFFF086;
	s6 =	sadd.s32 @!p0 s3, s7;
	s7 =	simm.s32 @!p0 $0x108  }
0x21: {  	s3 =	sadd.s32 s3, s9;
	s6 =	sadd.s32 @!p0 $0x88, s6;
	s7 =	simm.s32 @p2 $0x1082  }
0x22: {  	[simem:s7], [sflag:s8] =	dma.local @!p0 [hbm:s6], $0xF7A  }
0x23: {  	s9 =	sor.u32 $0xD0000000, s2;
	s6 =	simm.s32 $0x108;
	_ =	swait.ge @!p0 [sflag:s8], $0x0  }
0x24: {  	s3 =	sadd.s32 $0x88, s3;
	s6 =	simm.s32 @!p1 $0x1082;
	[sflag:s4] =	ssyncset.s32 $0xFFFFF086  }
0x25: {  	[simem:s6], [sflag:s4] =	dma.local [hbm:s3], $0xF7A  }
0x26: {  	[smem:$0x3F95] =	sst s1;
	(tag) =	ssettag s2;
	_ =	strace s9  }
0x27: {  	s1 =	sld [smem:$0x3FA5]  }
0x28: {  	s2 =	sld [smem:$0x3FA6]  }
0x29: {  	s4 =	sld [smem:$0x3FA8]  }
0x2a: {  	p0 =	seq.s32 s5, $0x0;
	s5 =	sld [smem:$0x3FA9]  }
0x2b: {  	s6 =	sld [smem:$0x3FAA]  }
0x2c: {  	s7 =	sld [smem:$0x3FAB]  }
0x2d: {  	s3 =	simm.s32 $0x108;
	s8 =	sld [smem:$0x3FAC]  }
0x2e: {  	s3 =	simm.s32 @!p0 $0x1082;
	s9 =	sld [smem:$0x3FAD]  }
0x2f: {  	lr =	sadd.s32 s0, s3;
	s0 =	sld [smem:$0x3FA4]  }
0x30: {  	s3 =	sld [smem:$0x3FA7]  }
0x31: {  	[smem:$0x3FB0] =	sst s10  }
0x32: {  	s10 =	sld [smem:$0x3FAE];
	_ =	sdelay $0x3  }
0x33: {  	p0 =	seq.s32 s10, $0x1;
	s10 =	sld [smem:$0x3FB0];
	_ =	sdelay $0x3  }
0x34: {  	[smem:$0x3FB0] =	sst s10  }
0x35: {  	s10 =	sld [smem:$0x3FAF];
	_ =	sdelay $0x3  }
0x36: {  	p1 =	seq.s32 s10, $0x1;
	s10 =	sld [smem:$0x3FB0];
	_ =	sdelay $0x3  }
0x37: {  	[smem:$0x3FB0] =	sst s10  }
0x38: {  	s10 =	sld [smem:$0x3FB1]  }
0x39: {  	_ = 	snop;
	(pc) =	sbr.ind lr, $3  }
0x3a: {  	_ = 	snop  }
0x3b: {  	_ = 	snop  }
0x3c: {  	p2 =	seq.s32 s10, $0x1;
	s10 =	sld [smem:$0x3FB0]  }
0x3d: {  	_ =	shalt  }
0x3e: {  	_ =	shalt  }
0x3f: {  	_ =	shalt  }
0x40: {  	_ =	shalt  }
0x41: {  	_ =	shalt  }
0x42: {  	_ =	shalt  }
0x43: {  	_ =	shalt  }
0x44: {  	_ =	shalt  }
0x45: {  	_ =	shalt  }
0x46: {  	_ =	shalt  }
0x47: {  	_ =	shalt  }
0x48: {  	_ =	shalt  }
0x49: {  	_ =	shalt  }
0x4a: {  	_ =	shalt  }
0x4b: {  	_ =	shalt  }
0x4c: {  	_ =	shalt  }
0x4d: {  	_ =	shalt  }
0x4e: {  	_ =	shalt  }
0x4f: {  	_ =	shalt  }
0x50: {  	_ =	shalt  }
0x51: {  	_ =	shalt  }
0x52: {  	_ =	shalt  }
0x53: {  	_ =	shalt  }
0x54: {  	_ =	shalt  }
0x55: {  	_ =	shalt  }
0x56: {  	_ =	shalt  }
0x57: {  	_ =	shalt  }
0x58: {  	_ =	shalt  }
0x59: {  	_ =	shalt  }
0x5a: {  	_ =	shalt  }
0x5b: {  	_ =	shalt  }
0x5c: {  	_ =	shalt  }
0x5d: {  	_ =	shalt  }
0x5e: {  	_ =	shalt  }
0x5f: {  	_ =	shalt  }
0x60: {  	_ =	shalt  }
0x61: {  	_ =	shalt  }
0x62: {  	_ =	shalt  }
0x63: {  	_ =	shalt  }
0x64: {  	_ =	shalt  }
0x65: {  	_ =	shalt  }
0x66: {  	_ =	shalt  }
0x67: {  	_ =	shalt  }
0x68: {  	_ =	shalt  }
0x69: {  	_ =	shalt  }
0x6a: {  	_ =	shalt  }
0x6b: {  	_ =	shalt  }
0x6c: {  	_ =	shalt  }
0x6d: {  	_ =	shalt  }
0x6e: {  	_ =	shalt  }
0x6f: {  	_ =	shalt  }
0x70: {  	_ =	shalt  }
0x71: {  	_ =	shalt  }
0x72: {  	_ =	shalt  }
0x73: {  	_ =	shalt  }
0x74: {  	_ =	shalt  }
0x75: {  	_ =	shalt  }
0x76: {  	_ =	shalt  }
0x77: {  	_ =	shalt  }
0x78: {  	_ =	shalt  }
0x79: {  	_ =	shalt  }
0x7a: {  	_ =	shalt  }
0x7b: {  	_ =	shalt  }
0x7c: {  	_ =	shalt  }
0x7d: {  	_ =	shalt  }
0x7e: {  	_ =	shalt  }
0x7f: {  	_ =	shalt  }
0x80: {  	_ =	shalt  }
0x81: {  	_ =	shalt  }
0x82: {  	_ =	shalt  }
0x83: {  	_ =	shalt  }
0x84: {  	_ =	shalt  }
0x85: {  	_ =	shalt  }
0x86: {  	_ =	shalt  }
0x87: {  	_ =	shalt  }
.Lfunc_end0:
.L_simem_size_0:
called_computation_lowered:
.L_overlay_start_0:
0x88: {  	s2 =	sld [smem:$0x3FD9]  }
0x89: {  	s3 =	sld [smem:$0x3FFE];
	_ =	sdelay $0x1  }
0x8a: {  	s1 =	srdreg.scid  }
0x8b: {  	s0 =	sand.u32 $0x1, s1  }
0x8c: {  	s17 =	sshll.u32 s0, $0xA;
	s2 =	sadd.s32 s3, s2  }
0x8d: {  	s2 =	sadd.s32 s2, s17  }
0x8e: {  	[smem:$0x3FBC] =	sst s2  }
0x8f: {  	_ = 	snop  }
0x90: {  	s2 =	sld [smem:$0x3FD0];
	(tm) =	ssettm $0x1  }
0x91: {  	s18 =	sld [smem:$0x3FFB];
	_ =	sdelay $0x3  }
0x92: {  	_ =	strace s18  }
0x93: {  	s3 =	sld [smem:$0x3FFC];
	_ =	sdelay $0x3  }
0x94: {  	_ =	strace s3  }
0x95: {  	s3 =	sld [smem:$0x3FFD];
	_ =	sdelay $0x3  }
0x96: {  	_ =	strace s3  }
0x97: {  	_ =	strace $0x8FFFFFFF  }
0x98: {  	s19 =	sld [smem:$0x3FDB];
	_ =	sdelay $0x1  }
0x99: {  	s4 =	simm.s32 $_scs_section_size  }
0x9a: {  	s5 =	simm.s32 $_size__tile_overlayer_lowered;
	s6 =	simm.s32 $_tile_overlayer_lowered  }
0x9b: {  	s22 =	simm.s32 $0x1BFF;
	s21 =	sshll.u32 s6, $0x1;
	s3 =	sadd.s32 s4, s19  }
0x9c: {  	s7 =	simm.s32 $0x0;
	s20 =	sshll.u32 s5, $0x1;
	s5 =	sadd.s32 s21, s3  }
0x9d: {  	[timem:s7], [sflag:s22] =	dma.local [hbm:s5], s20  }
0x9e: {  	_ =	swait.ge [sflag:s22], s20  }
0x9f: {  	s4 =	ssub.s32 $0x0, s20;
	[sflag:s22] =	ssyncset.done $0x0  }
0xa0: {  	[sflag:s22] =	ssyncadd.s32 s4;
	_ =	sdelay $0x1  }
0xa1: {  	s23 =	simm.s32 $0x1B8B  }
0xa2: {  	_ =	swait.ge [sflag:s23], $0x1  }
0xa3: {  	[sflag:s23] =	ssyncset.done $0x0  }
0xa4: {  	s25 =	simm.s32 $0x1B8E;
	s24 =	sld [smem:$0x3FFE];
	[sflag:s23] =	ssyncadd.s32 $0xFFFFFFFF  }
0xa5: {  	s26 =	simm.s32 $execute0_lowered;
	[smem:$0x3FD2] =	sst s25  }
0xa6: {  	s5 =	sshll.u32 s26, $0x1;
	_ =	strace $0x80000046;
	[dreg:$0x1] =	wrdreg $0xFFFFFFFF  }
0xa7: {  	s28 =	simm.s32 $_size_execute0_lowered;
	s3 =	sadd.s32 s3, s5;
	[dreg:$0x0] =	wrdreg $0x0  }
0xa8: {  	s5 =	sshll.u32 s28, $0x1;
	[dreg:$0x2] =	wrdreg s3  }
0xa9: {  	[dreg:$0x3] =	wrdreg s5  }
0xaa: {  	[dreg:$0x4] =	wrdreg $0xC0  }
0xab: {  	_ =	task [dreg:s7], $0x5FFFF  }
0xac: {  	[dreg:$0x1] =	wrdreg $0xFFFFFFFF  }
0xad: {  	[dreg:$0x0] =	wrdreg $0x60  }
0xae: {  	[dreg:$0x2] =	wrdreg s2  }
0xaf: {  	[dreg:$0x3] =	wrdreg s24  }
0xb0: {  	[dreg:$0x4] =	wrdreg $0x2EE00  }
0xb1: {  	[dreg:$0x5] =	wrdreg $0x9  }
0xb2: {  	_ =	task.clear_ibuf [dreg:s7], $0x6FFFF;
	_ =	strace $0x90000046  }
0xb3: {  	s29 =	simm.s32 $0x9;
	_ =	strace $0x80000048  }
0xb4: {  	_ =	swait.ge [sflag:s29], $0x1  }
0xb5: {  	[sflag:s29] =	ssyncadd.s32 $0xFFFFFFFF  }
0xb6: {  	_ =	strace $0x90000048  }
0xb7: {  	_ =	sfence  }
0xb8: {  	s30 =	sld [smem:$0x0];
	_ =	sdelay $0x2  }
0xb9: {  	s31 =	sshll.u32 s1, $0xD;
	s1 =	sshrl.u32 s1, $0x2  }
0xba: {  	s3 =	sand.u32 $0x4000, s31;
	s1 =	sadd.s32 s1, s30  }
0xbb: {  	s0 =	sor.u32 s3, s0;
	s1 =	sshll.u32 s1, $0x11  }
0xbc: {  	s0 =	sor.u32 s1, s0  }
0xbd: {  	s0 =	sadd.s32 $0x8F2B, s0  }
0xbe: {  	[sflag:s0] =	ssyncadd.remote.s32 $0x1  }
0xbf: {  	_ =	sfence.sel $0xFFFF  }
0xc0: {  	[dreg:$0x0] =	wrdreg $0xFFFFFFFF;
	(pc) =	sbr.abs _section_cstart, $3  }
0xc1: {  	[dreg:$0x1] =	wrdreg $0xFFFFFFFF  }
0xc2: {  	_ =	task.clear_ibuf [dreg:s7], $0x2FFFF;
	_ =	strace $0x9FFFFFFF  }
0xc3: {  	(tm) =	ssettm $0x7FFFFFFF  }
tec
execute0_lowered:
.L_overlay_start_1:
0x0: {  	(tag) =	ssettag $0x1  }
0x1: {  	s5 =	rddreg [dreg:$0x0]  }
0x2: {  	s6 =	rddreg [dreg:$0x1]  }
0x3: {  	s1 =	rddreg [dreg:$0x2]  }
0x4: {  	s0 =	rddreg [dreg:$0x3];
	s2 =	simm.s32 $0x0  }
0x5: {  	s3 =	srdreg.scid;
	s8 =	stileid.u32;
	s12 =	simm.s32 $0x0  }
0x6: {  	[smem:$0x7FF] =	sst s2;
	s3 =	sand.u32 $0x1, s3;
	p0 =	sne.s32 s8, $0x0  }
0x7: {  	_ =	strace $0x80000047;
	s4 =	sshll.u32 s3, $0x4;
	s7 =	smul.u32 $0x4E20, s3  }
0x8: {  	s9 =	ssub.s32 $0x2, s3;
	s3 =	sadd.s32 $0x4600, s6;
	s4 =	sor.u32 s8, s4  }
0x9: {  	s10 =	sshrl.u32 s9, $0x1;
	s8 =	simm.s32 $0x1;
	s11 =	smul.u32 $0x514, s4  }
0xa: {  	s4 =	sadd.s32 $0x4800, s6;
	s6 =	sadd.s32 s7, s6;
	s31 =	ssub.s32 s9, s10  }
0xb: {  	s9 =	simm.s32 $0x28A0;
	s10 =	sshrl.u32 @!p0 s1, $0x3;
	s6 =	sadd.s32 $0x9800, s6  }
0xc: {  	s7 =	smax.u32 s31, $0x1;
	s5 =	sadd.s32 s5, s11;
	s11 =	simm.s32 $0x64  }
.LBB2_1:
0xd: {  	[tilespmem:s2], [sflag:$0x1] =	stream.linear.gather [hbm4b:s5+s2], $0x28A0, $0x38;
	[tilespmem:$0x55F0] =	vst v63  }
0xe: {  	_ =	swait.ge [sflag:s8], $0x28A0  }
0xf: {  	[sflag:s8] =	ssyncset.done $0x0  }
0x10: {  	[sflag:s8] =	ssyncadd.s32 $0xFFFFD760  }
0x11: {  	[tilespmem:s9], [sflag:$0x1] =	stream.linear.gather [hbm4b:s3+s2], $0x640, $0x38;
	[tilespmem:$0x55F0] =	vst v63  }
0x12: {  	_ =	swait.ge [sflag:s8], $0x640  }
0x13: {  	[sflag:s8] =	ssyncset.done $0x0  }
0x14: {  	s13 =	simm.s32 @!p0 $0x1C01;
	[sflag:s8] =	ssyncadd.s32 $0xFFFFF9C0  }
0x15: {  	[spmem:s10], [sflag:s13] =	dma.local @!p0 [hbm:s4], $0x4E20  }
0x16: {  	s13 =	simm.s32 @!p0 $0x1  }
0x17: {  	_ =	swait.ge @!p0 [sflag:s13], $0x4E20  }
0x18: {  	[sflag:s13] =	ssyncset.done @!p0 $0x0  }
0x19: {  	[sflag:s13] =	ssyncadd.s32 @!p0 $0xFFFFB1E0  }
0x1a: {  	s31 =	simm.s32 $0x0;
	[bflag:$0x0] =	sbarrier.arrive $0xFFFF  }
0x1b: {  	[spmem:s1] =	stream.indirect.scatter.add.f32 [tilespmem:s9], [sflag:$0x1], $0x10, s31, s11, $0xb8;
	[tilespmem:$0x55F0] =	vst v63  }
0x1c: {  	_ =	swait.ge [sflag:s8], $0x640  }
0x1d: {  	s13 =	simm.s32 $0x1A0;
	[sflag:s8] =	ssyncset.done $0x0  }
.LBB2_2:
0x1e: {  	s14 =	sshra.s32 s13, $0x2;
	[sflag:s8] =	ssyncadd.s32 $0xFFFFF9C0;
	p1 =	sne.s32 s13, $0xA0E0  }
0x1f: {  	[spmem:s1] =	stream.indirect.scatter.add.f32 [tilespmem:s9], [sflag:$0x1], $0x10, s14, s11, $0xb8;
	[tilespmem:$0x55F0] =	vst v63  }
.Ltmp0:
0x20: {  	_ = 	snop;
	(pc) =	sbr.rel @p1 .LBB2_2-.Ltmp0, $4  }
0x21: {  	_ = 	snop  }
0x22: {  	s13 =	sadd.s32 $0x1A0, s13  }
0x23: {  	_ =	swait.ge [sflag:s8], $0x640  }
0x24: {  	[sflag:s8] =	ssyncset.done $0x0  }
0x25: {  	[sflag:s8] =	ssyncadd.s32 $0xFFFFF9C0;
	s12 =	sadd.s32 $0x1, s12  }
0x26: {  	s13 =	simm.s32 @!p0 $0x1C01;
	[bflag:$0x0] =	sbarrier.arrive $0xFFFF;
	p1 =	sne.s32 s12, s7  }
0x27: {  	[hbm:s6], [sflag:s13] =	dma.local @!p0 [spmem:s10], $0x4E20  }
.Ltmp1:
0x28: {  	_ = 	snop;
	(pc) =	sbr.rel @p1 .LBB2_1-.Ltmp1, $4  }
0x29: {  	s13 =	simm.s32 @!p0 $0x1  }
0x2a: {  	_ =	swait.ge @!p0 [sflag:s13], $0x4E20  }
0x2b: {  	[sflag:s13] =	ssyncset.done @!p0 $0x0  }
0x2c: {  	[sflag:s13] =	ssyncadd.s32 @!p0 $0xFFFFB1E0  }
0x2d: {  	_ =	sfence.sel $0x180000  }
0x2e: {  	[bflag:$0x0] =	sbarrier.arrive $0xFFFF  }
0x2f: {  	_ =	strace $0x90000047  }
0x30: {  	s0 =	sadd.s32 @!p0 $0x100000, s0;
	[bflag:$0x2] =	sbarrier.arrive $0xFFFF  }
0x31: {  	[sflag:s0] =	ssyncadd.tile.s32 @!p0 $0x1;
	_ =	shalt  }
.Lfunc_end2:
_tile_overlayer_lowered:
.L_overlay_start_2:
0x32: {  	(tag) =	ssettag $0x2  }
0x33: {  	s0 =	rddreg [dreg:$0x0];
	s2 =	stileid.u32  }
0x34: {  	s1 =	rddreg [dreg:$0x1];
	p0 =	sne.s32 s2, $0x0  }
0x35: {  	s3 =	rddreg [dreg:$0x2];
	[bflag:$0x3] =	sbarrier.arrive $0xFFFF;
	s2 =	simm.s32 @!p0 $0x1C01  }
0x36: {  	[timem:s3], [sflag:s2] =	dma.local @!p0 [hbm:s0], s1  }
0x37: {  	s0 =	simm.s32 @!p0 $0x1  }
0x38: {  	_ =	swait.ge @!p0 [sflag:s0], s1  }
0x39: {  	s1 =	ssub.s32 @!p0 $0x0, s1;
	[sflag:s0] =	ssyncset.done @!p0 $0x0  }
0x3a: {  	[sflag:s0] =	ssyncadd.s32 @!p0 s1  }
0x3b: {  	[bflag:$0x3] =	sbarrier.arrive $0xFFFF  }
0x3c: {  	_ =	shalt  }

// kernel: kernel.13.cloned.1.call-start
scs
__scs_entry_jumppad:
0x0: {  	(pc) =	sbr.rel $0x88, $3  }
0x1: {  	(tag) =	ssettag $0x0;
	lr =	simm.s32 $0x1  }
0x2: {  	[smem:$0x3F95] =	sst lr;
	_ =	strace $0xD0000000  }
0x3: {  	_ = 	snop  }
0x4: {  	_ = 	snop  }
0x5: {  	_ = 	snop  }
0x6: {  	_ = 	snop  }
0x7: {  	_ = 	snop  }
__scs_overlays_trampoline_lowered:
0x8: {  	[smem:$0x3FA4] =	sst s0  }
0x9: {  	[smem:$0x3FA5] =	sst s1  }
0xa: {  	[smem:$0x3FA6] =	sst s2  }
0xb: {  	[smem:$0x3FA7] =	sst s3  }
0xc: {  	[smem:$0x3FA8] =	sst s4  }
0xd: {  	[smem:$0x3FA9] =	sst s5  }
0xe: {  	[smem:$0x3FAA] =	sst s6  }
0xf: {  	[smem:$0x3FAB] =	sst s7  }
0x10: {  	[smem:$0x3FAC] =	sst s8  }
0x11: {  	[smem:$0x3FAD] =	sst s9;
	s0 =	simm.s32 @!p0 $0x0  }
0x12: {  	s1 =	sld [smem:$0x3F93];
	s0 =	simm.s32 @p0 $0x1  }
0x13: {  	[smem:$0x3FAE] =	sst s0;
	s0 =	simm.s32 @!p1 $0x0  }
0x14: {  	s2 =	sld [smem:$0x3F92];
	s0 =	simm.s32 @p1 $0x1  }
0x15: {  	[smem:$0x3FAF] =	sst s0;
	s0 =	simm.s32 @!p2 $0x0  }
0x16: {  	s3 =	sld [smem:$0x3FDB];
	s0 =	simm.s32 @p2 $0x1  }
0x17: {  	s4 =	simm.s32 $0x1BF5;
	[smem:$0x3FB1] =	sst s0  }
0x18: {  	s0 =	sld [smem:$0x3F94];
	_ =	swait.ge [sflag:s4], $0x0  }
0x19: {  	s7 =	sld [smem:$0x3F95]  }
0x1a: {  	s8 =	sadd.s32 $0xFFFFE003, lr  }
0x1b: {  	s9 =	sadd.s32 $0xFFFFFEF7, lr;
	s5 =	simm.s32 $0xFFFFFFFF;
	p2 =	slt.u32 s8, $0xFFFFF086  }
0x1c: {  	p1 =	slt.u32 s9, $0xF7A;
	s5 =	simm.s32 @!p2 $0x0  }
0x1d: {  	s5 =	simm.s32 @p1 $0x1;
	p0 =	seq.s32 s7, s2  }
0x1e: {  	s7 =	smul.u32 @!p0 $0xF7A, s2;
	p2 =	seq.s32 @!p0 s5, $0x0  }
0x1f: {  	s9 =	smul.u32 $0xF7A, s1;
	s8 =	simm.s32 @!p0 $0x1BF5;
	p2 =	por !p2, p0  }
0x20: {  	[sflag:s8] =	ssyncset.s32 @!p0 $0xFFFFF086;
	s6 =	sadd.s32 @!p0 s3, s7;
	s7 =	simm.s32 @!p0 $0x108  }
0x21: {  	s3 =	sadd.s32 s3, s9;
	s6 =	sadd.s32 @!p0 $0x88, s6;
	s7 =	simm.s32 @p2 $0x1082  }
0x22: {  	[simem:s7], [sflag:s8] =	dma.local @!p0 [hbm:s6], $0xF7A  }
0x23: {  	s9 =	sor.u32 $0xD0000000, s2;
	s6 =	simm.s32 $0x108;
	_ =	swait.ge @!p0 [sflag:s8], $0x0  }
0x24: {  	s3 =	sadd.s32 $0x88, s3;
	s6 =	simm.s32 @!p1 $0x1082;
	[sflag:s4] =	ssyncset.s32 $0xFFFFF086  }
0x25: {  	[simem:s6], [sflag:s4] =	dma.local [hbm:s3], $0xF7A  }
0x26: {  	[smem:$0x3F95] =	sst s1;
	(tag) =	ssettag s2;
	_ =	strace s9  }
0x27: {  	s1 =	sld [smem:$0x3FA5]  }
0x28: {  	s2 =	sld [smem:$0x3FA6]  }
0x29: {  	s4 =	sld [smem:$0x3FA8]  }
0x2a: {  	p0 =	seq.s32 s5, $0x0;
	s5 =	sld [smem:$0x3FA9]  }
0x2b: {  	s6 =	sld [smem:$0x3FAA]  }
0x2c: {  	s7 =	sld [smem:$0x3FAB]  }
0x2d: {  	s3 =	simm.s32 $0x108;
	s8 =	sld [smem:$0x3FAC]  }
0x2e: {  	s3 =	simm.s32 @!p0 $0x1082;
	s9 =	sld [smem:$0x3FAD]  }
0x2f: {  	lr =	sadd.s32 s0, s3;
	s0 =	sld [smem:$0x3FA4]  }
0x30: {  	s3 =	sld [smem:$0x3FA7]  }
0x31: {  	[smem:$0x3FB0] =	sst s10  }
0x32: {  	s10 =	sld [smem:$0x3FAE];
	_ =	sdelay $0x3  }
0x33: {  	p0 =	seq.s32 s10, $0x1;
	s10 =	sld [smem:$0x3FB0];
	_ =	sdelay $0x3  }
0x34: {  	[smem:$0x3FB0] =	sst s10  }
0x35: {  	s10 =	sld [smem:$0x3FAF];
	_ =	sdelay $0x3  }
0x36: {  	p1 =	seq.s32 s10, $0x1;
	s10 =	sld [smem:$0x3FB0];
	_ =	sdelay $0x3  }
0x37: {  	[smem:$0x3FB0] =	sst s10  }
0x38: {  	s10 =	sld [smem:$0x3FB1]  }
0x39: {  	_ = 	snop;
	(pc) =	sbr.ind lr, $3  }
0x3a: {  	_ = 	snop  }
0x3b: {  	_ = 	snop  }
0x3c: {  	p2 =	seq.s32 s10, $0x1;
	s10 =	sld [smem:$0x3FB0]  }
0x3d: {  	_ =	shalt  }
0x3e: {  	_ =	shalt  }
0x3f: {  	_ =	shalt  }
0x40: {  	_ =	shalt  }
0x41: {  	_ =	shalt  }
0x42: {  	_ =	shalt  }
0x43: {  	_ =	shalt  }
0x44: {  	_ =	shalt  }
0x45: {  	_ =	shalt  }
0x46: {  	_ =	shalt  }
0x47: {  	_ =	shalt  }
0x48: {  	_ =	shalt  }
0x49: {  	_ =	shalt  }
0x4a: {  	_ =	shalt  }
0x4b: {  	_ =	shalt  }
0x4c: {  	_ =	shalt  }
0x4d: {  	_ =	shalt  }
0x4e: {  	_ =	shalt  }
0x4f: {  	_ =	shalt  }
0x50: {  	_ =	shalt  }
0x51: {  	_ =	shalt  }
0x52: {  	_ =	shalt  }
0x53: {  	_ =	shalt  }
0x54: {  	_ =	shalt  }
0x55: {  	_ =	shalt  }
0x56: {  	_ =	shalt  }
0x57: {  	_ =	shalt  }
0x58: {  	_ =	shalt  }
0x59: {  	_ =	shalt  }
0x5a: {  	_ =	shalt  }
0x5b: {  	_ =	shalt  }
0x5c: {  	_ =	shalt  }
0x5d: {  	_ =	shalt  }
0x5e: {  	_ =	shalt  }
0x5f: {  	_ =	shalt  }
0x60: {  	_ =	shalt  }
0x61: {  	_ =	shalt  }
0x62: {  	_ =	shalt  }
0x63: {  	_ =	shalt  }
0x64: {  	_ =	shalt  }
0x65: {  	_ =	shalt  }
0x66: {  	_ =	shalt  }
0x67: {  	_ =	shalt  }
0x68: {  	_ =	shalt  }
0x69: {  	_ =	shalt  }
0x6a: {  	_ =	shalt  }
0x6b: {  	_ =	shalt  }
0x6c: {  	_ =	shalt  }
0x6d: {  	_ =	shalt  }
0x6e: {  	_ =	shalt  }
0x6f: {  	_ =	shalt  }
0x70: {  	_ =	shalt  }
0x71: {  	_ =	shalt  }
0x72: {  	_ =	shalt  }
0x73: {  	_ =	shalt  }
0x74: {  	_ =	shalt  }
0x75: {  	_ =	shalt  }
0x76: {  	_ =	shalt  }
0x77: {  	_ =	shalt  }
0x78: {  	_ =	shalt  }
0x79: {  	_ =	shalt  }
0x7a: {  	_ =	shalt  }
0x7b: {  	_ =	shalt  }
0x7c: {  	_ =	shalt  }
0x7d: {  	_ =	shalt  }
0x7e: {  	_ =	shalt  }
0x7f: {  	_ =	shalt  }
0x80: {  	_ =	shalt  }
0x81: {  	_ =	shalt  }
0x82: {  	_ =	shalt  }
0x83: {  	_ =	shalt  }
0x84: {  	_ =	shalt  }
0x85: {  	_ =	shalt  }
0x86: {  	_ =	shalt  }
0x87: {  	_ =	shalt  }
.Lfunc_end0:
.L_simem_size_0:
called_computation.1_lowered:
.L_overlay_start_0:
0x88: {  	s2 =	sld [smem:$0x3FD9]  }
0x89: {  	s3 =	sld [smem:$0x3FFE];
	_ =	sdelay $0x1  }
0x8a: {  	s1 =	srdreg.scid  }
0x8b: {  	s0 =	sand.u32 $0x1, s1  }
0x8c: {  	s17 =	sshll.u32 s0, $0xA;
	s2 =	sadd.s32 s3, s2  }
0x8d: {  	s2 =	sadd.s32 s2, s17  }
0x8e: {  	[smem:$0x3FBC] =	sst s2  }
0x8f: {  	_ = 	snop  }
0x90: {  	s2 =	sld [smem:$0x3FD0];
	(tm) =	ssettm $0x1  }
0x91: {  	s18 =	sld [smem:$0x3FFB];
	_ =	sdelay $0x3  }
0x92: {  	_ =	strace s18  }
0x93: {  	s3 =	sld [smem:$0x3FFC];
	_ =	sdelay $0x3  }
0x94: {  	_ =	strace s3  }
0x95: {  	s3 =	sld [smem:$0x3FFD];
	_ =	sdelay $0x3  }
0x96: {  	_ =	strace s3  }
0x97: {  	_ =	strace $0x8FFFFFFF  }
0x98: {  	s19 =	sld [smem:$0x3FDB];
	_ =	sdelay $0x1  }
0x99: {  	s4 =	simm.s32 $_scs_section_size  }
0x9a: {  	s5 =	simm.s32 $_size__tile_overlayer_lowered;
	s6 =	simm.s32 $_tile_overlayer_lowered  }
0x9b: {  	s22 =	simm.s32 $0x1BFF;
	s21 =	sshll.u32 s6, $0x1;
	s3 =	sadd.s32 s4, s19  }
0x9c: {  	s7 =	simm.s32 $0x0;
	s20 =	sshll.u32 s5, $0x1;
	s5 =	sadd.s32 s21, s3  }
0x9d: {  	[timem:s7], [sflag:s22] =	dma.local [hbm:s5], s20  }
0x9e: {  	_ =	swait.ge [sflag:s22], s20  }
0x9f: {  	s4 =	ssub.s32 $0x0, s20;
	[sflag:s22] =	ssyncset.done $0x0  }
0xa0: {  	[sflag:s22] =	ssyncadd.s32 s4;
	_ =	sdelay $0x1  }
0xa1: {  	s23 =	simm.s32 $0x1B8B  }
0xa2: {  	_ =	swait.ge [sflag:s23], $0x1  }
0xa3: {  	[sflag:s23] =	ssyncset.done $0x0  }
0xa4: {  	s25 =	simm.s32 $0x1B8E;
	s24 =	sld [smem:$0x3FFE];
	[sflag:s23] =	ssyncadd.s32 $0xFFFFFFFF  }
0xa5: {  	s26 =	simm.s32 $execute0_lowered;
	[smem:$0x3FD2] =	sst s25  }
0xa6: {  	s5 =	sshll.u32 s26, $0x1;
	_ =	strace $0x80000049;
	[dreg:$0x1] =	wrdreg $0xFFFFFFFF  }
0xa7: {  	s28 =	simm.s32 $_size_execute0_lowered;
	s3 =	sadd.s32 s3, s5;
	[dreg:$0x0] =	wrdreg $0x0  }
0xa8: {  	s5 =	sshll.u32 s28, $0x1;
	[dreg:$0x2] =	wrdreg s3  }
0xa9: {  	[dreg:$0x3] =	wrdreg s5  }
0xaa: {  	[dreg:$0x4] =	wrdreg $0xC0  }
0xab: {  	_ =	task [dreg:s7], $0x5FFFF  }
0xac: {  	[dreg:$0x1] =	wrdreg $0xFFFFFFFF  }
0xad: {  	[dreg:$0x0] =	wrdreg $0x60  }
0xae: {  	[dreg:$0x2] =	wrdreg s2  }
0xaf: {  	[dreg:$0x3] =	wrdreg s24  }
0xb0: {  	[dreg:$0x4] =	wrdreg $0xBB800  }
0xb1: {  	[dreg:$0x5] =	wrdreg $0x9  }
0xb2: {  	_ =	task.clear_ibuf [dreg:s7], $0x6FFFF;
	_ =	strace $0x90000049  }
0xb3: {  	s29 =	simm.s32 $0x9;
	_ =	strace $0x8000004B  }
0xb4: {  	_ =	swait.ge [sflag:s29], $0x1  }
0xb5: {  	[sflag:s29] =	ssyncadd.s32 $0xFFFFFFFF  }
0xb6: {  	_ =	strace $0x9000004B  }
0xb7: {  	_ =	sfence  }
0xb8: {  	s30 =	sld [smem:$0x0];
	_ =	sdelay $0x2  }
0xb9: {  	s31 =	sshll.u32 s1, $0xD;
	s1 =	sshrl.u32 s1, $0x2  }
0xba: {  	s3 =	sand.u32 $0x4000, s31;
	s1 =	sadd.s32 s1, s30  }
0xbb: {  	s0 =	sor.u32 s3, s0;
	s1 =	sshll.u32 s1, $0x11  }
0xbc: {  	s0 =	sor.u32 s1, s0  }
0xbd: {  	s0 =	sadd.s32 $0x8F2B, s0  }
0xbe: {  	[sflag:s0] =	ssyncadd.remote.s32 $0x1  }
0xbf: {  	_ =	sfence.sel $0xFFFF  }
0xc0: {  	[dreg:$0x0] =	wrdreg $0xFFFFFFFF;
	(pc) =	sbr.abs _section_cstart, $3  }
0xc1: {  	[dreg:$0x1] =	wrdreg $0xFFFFFFFF  }
0xc2: {  	_ =	task.clear_ibuf [dreg:s7], $0x2FFFF;
	_ =	strace $0x9FFFFFFF  }
0xc3: {  	(tm) =	ssettm $0x7FFFFFFF  }
tec
execute0_lowered:
.L_overlay_start_1:
0x0: {  	(tag) =	ssettag $0x1  }
0x1: {  	s2 =	rddreg [dreg:$0x0]  }
0x2: {  	s0 =	rddreg [dreg:$0x1];
	s1 =	srdreg.scid  }
0x3: {  	s3 =	rddreg [dreg:$0x2];
	s10 =	stileid.u32;
	s4 =	simm.s32 $0x0  }
0x4: {  	s14 =	simm.s32 $0x32;
	s15 =	simm.s32 $0x5780;
	s16 =	simm.s32 $0x38  }
0x5: {  	s17 =	simm.s32 $0x7080;
	s18 =	simm.s32 $0x70;
	s19 =	simm.s32 $0x8980  }
0x6: {  	s20 =	simm.s32 $0xA8;
	s21 =	simm.s32 $0xA280;
	s22 =	simm.s32 $0x1  }
0x7: {  	s23 =	simm.s32 $0x2;
	s24 =	simm.s32 $0x3;
	s25 =	simm.s32 $0x4  }
0x8: {  	s28 =	simm.s32 $0x56D8;
	s29 =	simm.s32 $0x5710;
	s30 =	simm.s32 $0x5748  }
0x9: {  	s31 =	simm.s32 $0x0;
	s1 =	sand.u32 $0x1, s1;
	s8 =	smul.u32 $0x13880, s10  }
0xa: {  	[smem:$0x7FF] =	sst s4;
	s26 =	sshll.u32 s10, $0x6;
	s5 =	sshll.u32 s1, $0x4  }
0xb: {  	s6 =	smul.u32 $0x138800, s1;
	_ =	strace $0x8000004A;
	s1 =	ssub.s32 $0x2, s1  }
0xc: {  	s12 =	sor.u32 $0x1C05, s26;
	s26 =	simm.s32 $0x56A0;
	s5 =	sor.u32 s10, s5  }
0xd: {  	s9 =	sshrl.u32 s1, $0x1;
	s13 =	sadd.s32 s8, s3;
	s10 =	simm.s32 $0x5  }
0xe: {  	s5 =	smul.u32 $0x578, s5;
	s6 =	sadd.s32 s8, s6;
	s1 =	ssub.s32 s1, s9  }
0xf: {  	s13 =	sshrl.u32 s13, $0x3;
	s6 =	sshrl.u32 s6, $0x3;
	s9 =	smax.u32 s1, $0x1  }
0x10: {  	s7 =	sadd.s32 s5, s0;
	s5 =	sadd.s32 $0x4600, s0;
	s0 =	sadd.s32 s6, s0  }
0x11: {  	s6 =	sadd.s32 $0x1E600, s7;
	s7 =	sadd.s32 $0x13600, s7;
	s8 =	sadd.s32 $0x29600, s0  }
.LBB2_1:
0x12: {  	[tilespmem:s4], [sflag:$0x5] =	stream.linear.gather [hbm4b:s6+s4], $0x2BC0, $0x38;
	[tilespmem:$0x1F400] =	vst v63  }
0x13: {  	_ =	swait.ge [sflag:s10], $0x2BC0  }
0x14: {  	[sflag:s10] =	ssyncset.done $0x0  }
0x15: {  	s0 =	simm.s32 $0x2BC0;
	[sflag:s10] =	ssyncadd.s32 $0xFFFFD440  }
0x16: {  	[tilespmem:s0], [sflag:$0x5] =	stream.linear.gather [hbm4b:s7+s4], $0x2BC0, $0x38;
	[tilespmem:$0x1F400] =	vst v63  }
0x17: {  	_ =	swait.ge [sflag:s10], $0x2BC0  }
0x18: {  	[sflag:s10] =	ssyncset.done $0x0  }
0x19: {  	[sflag:s10] =	ssyncadd.s32 $0xFFFFD440  }
0x1a: {  	[spmem:s13], [sflag:s12] =	dma.local [hbm:s5], $0x2710  }
0x1b: {  	_ =	swait.ge [sflag:s10], $0x2710  }
0x1c: {  	[sflag:s10] =	ssyncset.done $0x0  }
0x1d: {  	[sflag:s10] =	ssyncadd.s32 $0xFFFFD8F0  }
0x1e: {  	[bflag:$0x0] =	sbarrier.arrive $0xFFFF  }
0x1f: {  	[tilespmem:s15], [sflag:$0x1] =	stream.indirect.gather [hbm4b:s2+s14], $0x80, s4, s14, $0xb8;
	[tilespmem:$0x1F400] =	vst v63  }
0x20: {  	_ = 	snop  }
0x21: {  	[tilespmem:s17], [sflag:$0x2] =	stream.indirect.gather [hbm4b:s2+s14], $0x80, s16, s14, $0xb8;
	[tilespmem:$0x1F400] =	vst v63  }
0x22: {  	_ = 	snop  }
0x23: {  	[tilespmem:s19], [sflag:$0x3] =	stream.indirect.gather [hbm4b:s2+s14], $0x80, s18, s14, $0xb8;
	[tilespmem:$0x1F400] =	vst v63  }
0x24: {  	_ = 	snop  }
0x25: {  	[tilespmem:s21], [sflag:$0x4] =	stream.indirect.gather [hbm4b:s2+s14], $0x80, s20, s14, $0xb8;
	[tilespmem:$0x1F400] =	vst v63  }
0x26: {  	_ =	swait.ge [sflag:s22], $0x1900  }
0x27: {  	[sflag:s22] =	ssyncset.done $0x0  }
0x28: {  	s11 =	simm.s32 $0x2BC0;
	[sflag:s22] =	ssyncadd.s32 $0xFFFFE700  }
0x29: {  	[spmem:s3] =	stream.indirect.scatter.add.f32 [tilespmem:s15], [sflag:$0x5], $0x80, s11, s14, $0xb8;
	[tilespmem:$0x1F400] =	vst v63  }
0x2a: {  	_ =	swait.ge [sflag:s10], $0x1900  }
0x2b: {  	[sflag:s10] =	ssyncset.done $0x0  }
0x2c: {  	s1 =	simm.s32 $0xE0;
	[sflag:s10] =	ssyncadd.s32 $0xFFFFE700  }
0x2d: {  	[tilespmem:s15], [sflag:$0x1] =	stream.indirect.gather [hbm4b:s2+s14], $0x80, s1, s14, $0xb8;
	[tilespmem:$0x1F400] =	vst v63  }
0x2e: {  	_ =	swait.ge [sflag:s23], $0x1900  }
0x2f: {  	[sflag:s23] =	ssyncset.done $0x0  }
0x30: {  	s11 =	simm.s32 $0x2BF8;
	[sflag:s23] =	ssyncadd.s32 $0xFFFFE700  }
0x31: {  	[spmem:s3] =	stream.indirect.scatter.add.f32 [tilespmem:s17], [sflag:$0x5], $0x80, s11, s14, $0xb8;
	[tilespmem:$0x1F400] =	vst v63  }
0x32: {  	_ =	swait.ge [sflag:s10], $0x1900  }
0x33: {  	[sflag:s10] =	ssyncset.done $0x0  }
0x34: {  	s1 =	simm.s32 $0x118;
	[sflag:s10] =	ssyncadd.s32 $0xFFFFE700  }
0x35: {  	[tilespmem:s17], [sflag:$0x2] =	stream.indirect.gather [hbm4b:s2+s14], $0x80, s1, s14, $0xb8;
	[tilespmem:$0x1F400] =	vst v63  }
0x36: {  	_ =	swait.ge [sflag:s24], $0x1900  }
0x37: {  	[sflag:s24] =	ssyncset.done $0x0  }
0x38: {  	s11 =	simm.s32 $0x2C30;
	[sflag:s24] =	ssyncadd.s32 $0xFFFFE700  }
0x39: {  	[spmem:s3] =	stream.indirect.scatter.add.f32 [tilespmem:s19], [sflag:$0x5], $0x80, s11, s14, $0xb8;
	[tilespmem:$0x1F400] =	vst v63  }
0x3a: {  	_ =	swait.ge [sflag:s10], $0x1900  }
0x3b: {  	[sflag:s10] =	ssyncset.done $0x0  }
0x3c: {  	s1 =	simm.s32 $0x150;
	[sflag:s10] =	ssyncadd.s32 $0xFFFFE700  }
0x3d: {  	[tilespmem:s19], [sflag:$0x3] =	stream.indirect.gather [hbm4b:s2+s14], $0x80, s1, s14, $0xb8;
	[tilespmem:$0x1F400] =	vst v63  }
0x3e: {  	_ =	swait.ge [sflag:s25], $0x1900  }
0x3f: {  	[sflag:s25] =	ssyncset.done $0x0  }
0x40: {  	s11 =	simm.s32 $0x2C68;
	[sflag:s25] =	ssyncadd.s32 $0xFFFFE700  }
0x41: {  	[spmem:s3] =	stream.indirect.scatter.add.f32 [tilespmem:s21], [sflag:$0x5], $0x80, s11, s14, $0xb8;
	[tilespmem:$0x1F400] =	vst v63  }
0x42: {  	_ =	swait.ge [sflag:s10], $0x1900  }
0x43: {  	[sflag:s10] =	ssyncset.done $0x0  }
0x44: {  	s0 =	simm.s32 $0x380;
	s1 =	simm.s32 $0x188;
	[sflag:s10] =	ssyncadd.s32 $0xFFFFE700  }
.LBB2_2:
0x45: {  	[tilespmem:s21], [sflag:$0x4] =	stream.indirect.gather [hbm4b:s2+s14], $0x80, s1, s14, $0xb8;
	[tilespmem:$0x1F400] =	vst v63  }
0x46: {  	s1 =	smov.u32 s0  }
0x47: {  	p0 =	sne.s32 s0, $0xA800;
	s0 =	sadd.s32 $0x380, s0;
	_ =	swait.ge [sflag:s22], $0x1900  }
0x48: {  	s1 =	sshra.s32 s1, $0x2;
	[sflag:s22] =	ssyncset.done $0x0  }
0x49: {  	s11 =	sadd.s32 $0x2BC0, s1;
	[sflag:s22] =	ssyncadd.s32 $0xFFFFE700  }
0x4a: {  	[spmem:s3] =	stream.indirect.scatter.add.f32 [tilespmem:s15], [sflag:$0x5], $0x80, s11, s14, $0xb8;
	[tilespmem:$0x1F400] =	vst v63  }
0x4b: {  	_ =	swait.ge [sflag:s10], $0x1900  }
0x4c: {  	[sflag:s10] =	ssyncset.done $0x0  }
0x4d: {  	s11 =	sadd.s32 $0xE0, s1;
	[sflag:s10] =	ssyncadd.s32 $0xFFFFE700  }
0x4e: {  	[tilespmem:s15], [sflag:$0x1] =	stream.indirect.gather [hbm4b:s2+s14], $0x80, s11, s14, $0xb8;
	[tilespmem:$0x1F400] =	vst v63  }
0x4f: {  	_ =	swait.ge [sflag:s23], $0x1900  }
0x50: {  	[sflag:s23] =	ssyncset.done $0x0  }
0x51: {  	s11 =	sadd.s32 $0x2BF8, s1;
	[sflag:s23] =	ssyncadd.s32 $0xFFFFE700  }
0x52: {  	[spmem:s3] =	stream.indirect.scatter.add.f32 [tilespmem:s17], [sflag:$0x5], $0x80, s11, s14, $0xb8;
	[tilespmem:$0x1F400] =	vst v63  }
0x53: {  	_ =	swait.ge [sflag:s10], $0x1900  }
0x54: {  	[sflag:s10] =	ssyncset.done $0x0  }
0x55: {  	s11 =	sadd.s32 $0x118, s1;
	[sflag:s10] =	ssyncadd.s32 $0xFFFFE700  }
0x56: {  	[tilespmem:s17], [sflag:$0x2] =	stream.indirect.gather [hbm4b:s2+s14], $0x80, s11, s14, $0xb8;
	[tilespmem:$0x1F400] =	vst v63  }
0x57: {  	_ =	swait.ge [sflag:s24], $0x1900  }
0x58: {  	[sflag:s24] =	ssyncset.done $0x0  }
0x59: {  	s11 =	sadd.s32 $0x2C30, s1;
	[sflag:s24] =	ssyncadd.s32 $0xFFFFE700  }
0x5a: {  	[spmem:s3] =	stream.indirect.scatter.add.f32 [tilespmem:s19], [sflag:$0x5], $0x80, s11, s14, $0xb8;
	[tilespmem:$0x1F400] =	vst v63  }
0x5b: {  	_ =	swait.ge [sflag:s10], $0x1900  }
0x5c: {  	[sflag:s10] =	ssyncset.done $0x0  }
0x5d: {  	s11 =	sadd.s32 $0x150, s1;
	[sflag:s10] =	ssyncadd.s32 $0xFFFFE700  }
0x5e: {  	[tilespmem:s19], [sflag:$0x3] =	stream.indirect.gather [hbm4b:s2+s14], $0x80, s11, s14, $0xb8;
	[tilespmem:$0x1F400] =	vst v63  }
0x5f: {  	_ =	swait.ge [sflag:s25], $0x1900  }
0x60: {  	[sflag:s25] =	ssyncset.done $0x0  }
.Ltmp0:
0x61: {  	s11 =	sadd.s32 $0x2C68, s1;
	[sflag:s25] =	ssyncadd.s32 $0xFFFFE700;
	(pc) =	sbr.rel @p0 .LBB2_2-.Ltmp0, $4  }
0x62: {  	[spmem:s3] =	stream.indirect.scatter.add.f32 [tilespmem:s21], [sflag:$0x5], $0x80, s11, s14, $0xb8;
	[tilespmem:$0x1F400] =	vst v63  }
0x63: {  	_ =	swait.ge [sflag:s10], $0x1900  }
0x64: {  	[sflag:s10] =	ssyncset.done $0x0  }
0x65: {  	s1 =	sadd.s32 $0x188, s1;
	[sflag:s10] =	ssyncadd.s32 $0xFFFFE700  }
0x66: {  	[tilespmem:s21], [sflag:$0x4] =	stream.indirect.gather [hbm4b:s2+s14], $0x80, s1, s14, $0xb8;
	[tilespmem:$0x1F400] =	vst v63  }
0x67: {  	_ =	swait.ge [sflag:s22], $0x1900  }
0x68: {  	[sflag:s22] =	ssyncset.done $0x0  }
0x69: {  	[sflag:s22] =	ssyncadd.s32 $0xFFFFE700  }
0x6a: {  	[spmem:s3] =	stream.indirect.scatter.add.f32 [tilespmem:s15], [sflag:$0x5], $0x80, s26, s14, $0xb8;
	[tilespmem:$0x1F400] =	vst v63  }
0x6b: {  	_ =	swait.ge [sflag:s10], $0x1900  }
0x6c: {  	[sflag:s10] =	ssyncset.done $0x0  }
0x6d: {  	[sflag:s10] =	ssyncadd.s32 $0xFFFFE700  }
0x6e: {  	_ =	swait.ge [sflag:s23], $0x1900  }
0x6f: {  	[sflag:s23] =	ssyncset.done $0x0  }
0x70: {  	[sflag:s23] =	ssyncadd.s32 $0xFFFFE700  }
0x71: {  	[spmem:s3] =	stream.indirect.scatter.add.f32 [tilespmem:s17], [sflag:$0x5], $0x80, s28, s14, $0xb8;
	[tilespmem:$0x1F400] =	vst v63  }
0x72: {  	_ =	swait.ge [sflag:s10], $0x1900  }
0x73: {  	[sflag:s10] =	ssyncset.done $0x0  }
0x74: {  	[sflag:s10] =	ssyncadd.s32 $0xFFFFE700  }
0x75: {  	_ =	swait.ge [sflag:s24], $0x1900  }
0x76: {  	[sflag:s24] =	ssyncset.done $0x0  }
0x77: {  	[sflag:s24] =	ssyncadd.s32 $0xFFFFE700  }
0x78: {  	[spmem:s3] =	stream.indirect.scatter.add.f32 [tilespmem:s19], [sflag:$0x5], $0x80, s29, s14, $0xb8;
	[tilespmem:$0x1F400] =	vst v63  }
0x79: {  	_ =	swait.ge [sflag:s10], $0x1900  }
0x7a: {  	[sflag:s10] =	ssyncset.done $0x0  }
0x7b: {  	[sflag:s10] =	ssyncadd.s32 $0xFFFFE700  }
0x7c: {  	_ =	swait.ge [sflag:s25], $0x1900  }
0x7d: {  	[sflag:s25] =	ssyncset.done $0x0  }
0x7e: {  	[sflag:s25] =	ssyncadd.s32 $0xFFFFE700  }
0x7f: {  	[spmem:s3] =	stream.indirect.scatter.add.f32 [tilespmem:s21], [sflag:$0x5], $0x80, s30, s14, $0xb8;
	[tilespmem:$0x1F400] =	vst v63  }
0x80: {  	_ =	swait.ge [sflag:s10], $0x1900  }
0x81: {  	s31 =	sadd.s32 $0x1, s31;
	[sflag:s10] =	ssyncset.done $0x0  }
0x82: {  	p0 =	sne.s32 s31, s9;
	[sflag:s10] =	ssyncadd.s32 $0xFFFFE700  }
.Ltmp1:
0x83: {  	[bflag:$0x0] =	sbarrier.arrive $0xFFFF;
	(pc) =	sbr.rel @p0 .LBB2_1-.Ltmp1, $4  }
0x84: {  	[hbm:s8], [sflag:s12] =	dma.local [spmem:s13], $0x2710  }
0x85: {  	_ =	swait.ge [sflag:s10], $0x2710  }
0x86: {  	[sflag:s10] =	ssyncset.done $0x0  }
0x87: {  	[sflag:s10] =	ssyncadd.s32 $0xFFFFD8F0  }
0x88: {  	_ =	sfence.sel $0x180000  }
0x89: {  	[bflag:$0x0] =	sbarrier.arrive $0xFFFF  }
0x8a: {  	_ =	strace $0x9000004A  }
0x8b: {  	s0 =	stileid.u32;
	[bflag:$0x2] =	sbarrier.arrive $0xFFFF  }
0x8c: {  	p0 =	sne.s32 s0, $0x0;
	s0 =	rddreg [dreg:$0x3]  }
0x8d: {  	s0 =	sadd.s32 @!p0 $0x100000, s0  }
0x8e: {  	[sflag:s0] =	ssyncadd.tile.s32 @!p0 $0x1;
	_ =	shalt  }
.Lfunc_end2:
_tile_overlayer_lowered:
.L_overlay_start_2:
0x8f: {  	(tag) =	ssettag $0x2  }
0x90: {  	s0 =	rddreg [dreg:$0x0];
	s2 =	stileid.u32  }
0x91: {  	s1 =	rddreg [dreg:$0x1];
	p0 =	sne.s32 s2, $0x0  }
0x92: {  	s3 =	rddreg [dreg:$0x2];
	[bflag:$0x3] =	sbarrier.arrive $0xFFFF;
	s2 =	simm.s32 @!p0 $0x1C05  }
0x93: {  	[timem:s3], [sflag:s2] =	dma.local @!p0 [hbm:s0], s1  }
0x94: {  	s0 =	simm.s32 @!p0 $0x5  }
0x95: {  	_ =	swait.ge @!p0 [sflag:s0], s1  }
0x96: {  	s1 =	ssub.s32 @!p0 $0x0, s1;
	[sflag:s0] =	ssyncset.done @!p0 $0x0  }
0x97: {  	[sflag:s0] =	ssyncadd.s32 @!p0 s1  }
0x98: {  	[bflag:$0x3] =	sbarrier.arrive $0xFFFF  }
0x99: {  	_ =	shalt  }

// kernel: kernel.16.cloned.1.call-start
scs
__scs_entry_jumppad:
0x0: {  	(pc) =	sbr.rel $0x88, $3  }
0x1: {  	(tag) =	ssettag $0x0;
	lr =	simm.s32 $0x1  }
0x2: {  	[smem:$0x3F95] =	sst lr;
	_ =	strace $0xD0000000  }
0x3: {  	_ = 	snop  }
0x4: {  	_ = 	snop  }
0x5: {  	_ = 	snop  }
0x6: {  	_ = 	snop  }
0x7: {  	_ = 	snop  }
__scs_overlays_trampoline_lowered:
0x8: {  	[smem:$0x3FA4] =	sst s0  }
0x9: {  	[smem:$0x3FA5] =	sst s1  }
0xa: {  	[smem:$0x3FA6] =	sst s2  }
0xb: {  	[smem:$0x3FA7] =	sst s3  }
0xc: {  	[smem:$0x3FA8] =	sst s4  }
0xd: {  	[smem:$0x3FA9] =	sst s5  }
0xe: {  	[smem:$0x3FAA] =	sst s6  }
0xf: {  	[smem:$0x3FAB] =	sst s7  }
0x10: {  	[smem:$0x3FAC] =	sst s8  }
0x11: {  	[smem:$0x3FAD] =	sst s9;
	s0 =	simm.s32 @!p0 $0x0  }
0x12: {  	s1 =	sld [smem:$0x3F93];
	s0 =	simm.s32 @p0 $0x1  }
0x13: {  	[smem:$0x3FAE] =	sst s0;
	s0 =	simm.s32 @!p1 $0x0  }
0x14: {  	s2 =	sld [smem:$0x3F92];
	s0 =	simm.s32 @p1 $0x1  }
0x15: {  	[smem:$0x3FAF] =	sst s0;
	s0 =	simm.s32 @!p2 $0x0  }
0x16: {  	s3 =	sld [smem:$0x3FDB];
	s0 =	simm.s32 @p2 $0x1  }
0x17: {  	s4 =	simm.s32 $0x1BF5;
	[smem:$0x3FB1] =	sst s0  }
0x18: {  	s0 =	sld [smem:$0x3F94];
	_ =	swait.ge [sflag:s4], $0x0  }
0x19: {  	s7 =	sld [smem:$0x3F95]  }
0x1a: {  	s8 =	sadd.s32 $0xFFFFE003, lr  }
0x1b: {  	s9 =	sadd.s32 $0xFFFFFEF7, lr;
	s5 =	simm.s32 $0xFFFFFFFF;
	p2 =	slt.u32 s8, $0xFFFFF086  }
0x1c: {  	p1 =	slt.u32 s9, $0xF7A;
	s5 =	simm.s32 @!p2 $0x0  }
0x1d: {  	s5 =	simm.s32 @p1 $0x1;
	p0 =	seq.s32 s7, s2  }
0x1e: {  	s7 =	smul.u32 @!p0 $0xF7A, s2;
	p2 =	seq.s32 @!p0 s5, $0x0  }
0x1f: {  	s9 =	smul.u32 $0xF7A, s1;
	s8 =	simm.s32 @!p0 $0x1BF5;
	p2 =	por !p2, p0  }
0x20: {  	[sflag:s8] =	ssyncset.s32 @!p0 $0xFFFFF086;
	s6 =	sadd.s32 @!p0 s3, s7;
	s7 =	simm.s32 @!p0 $0x108  }
0x21: {  	s3 =	sadd.s32 s3, s9;
	s6 =	sadd.s32 @!p0 $0x88, s6;
	s7 =	simm.s32 @p2 $0x1082  }
0x22: {  	[simem:s7], [sflag:s8] =	dma.local @!p0 [hbm:s6], $0xF7A  }
0x23: {  	s9 =	sor.u32 $0xD0000000, s2;
	s6 =	simm.s32 $0x108;
	_ =	swait.ge @!p0 [sflag:s8], $0x0  }
0x24: {  	s3 =	sadd.s32 $0x88, s3;
	s6 =	simm.s32 @!p1 $0x1082;
	[sflag:s4] =	ssyncset.s32 $0xFFFFF086  }
0x25: {  	[simem:s6], [sflag:s4] =	dma.local [hbm:s3], $0xF7A  }
0x26: {  	[smem:$0x3F95] =	sst s1;
	(tag) =	ssettag s2;
	_ =	strace s9  }
0x27: {  	s1 =	sld [smem:$0x3FA5]  }
0x28: {  	s2 =	sld [smem:$0x3FA6]  }
0x29: {  	s4 =	sld [smem:$0x3FA8]  }
0x2a: {  	p0 =	seq.s32 s5, $0x0;
	s5 =	sld [smem:$0x3FA9]  }
0x2b: {  	s6 =	sld [smem:$0x3FAA]  }
0x2c: {  	s7 =	sld [smem:$0x3FAB]  }
0x2d: {  	s3 =	simm.s32 $0x108;
	s8 =	sld [smem:$0x3FAC]  }
0x2e: {  	s3 =	simm.s32 @!p0 $0x1082;
	s9 =	sld [smem:$0x3FAD]  }
0x2f: {  	lr =	sadd.s32 s0, s3;
	s0 =	sld [smem:$0x3FA4]  }
0x30: {  	s3 =	sld [smem:$0x3FA7]  }
0x31: {  	[smem:$0x3FB0] =	sst s10  }
0x32: {  	s10 =	sld [smem:$0x3FAE];
	_ =	sdelay $0x3  }
0x33: {  	p0 =	seq.s32 s10, $0x1;
	s10 =	sld [smem:$0x3FB0];
	_ =	sdelay $0x3  }
0x34: {  	[smem:$0x3FB0] =	sst s10  }
0x35: {  	s10 =	sld [smem:$0x3FAF];
	_ =	sdelay $0x3  }
0x36: {  	p1 =	seq.s32 s10, $0x1;
	s10 =	sld [smem:$0x3FB0];
	_ =	sdelay $0x3  }
0x37: {  	[smem:$0x3FB0] =	sst s10  }
0x38: {  	s10 =	sld [smem:$0x3FB1]  }
0x39: {  	_ = 	snop;
	(pc) =	sbr.ind lr, $3  }
0x3a: {  	_ = 	snop  }
0x3b: {  	_ = 	snop  }
0x3c: {  	p2 =	seq.s32 s10, $0x1;
	s10 =	sld [smem:$0x3FB0]  }
0x3d: {  	_ =	shalt  }
0x3e: {  	_ =	shalt  }
0x3f: {  	_ =	shalt  }
0x40: {  	_ =	shalt  }
0x41: {  	_ =	shalt  }
0x42: {  	_ =	shalt  }
0x43: {  	_ =	shalt  }
0x44: {  	_ =	shalt  }
0x45: {  	_ =	shalt  }
0x46: {  	_ =	shalt  }
0x47: {  	_ =	shalt  }
0x48: {  	_ =	shalt  }
0x49: {  	_ =	shalt  }
0x4a: {  	_ =	shalt  }
0x4b: {  	_ =	shalt  }
0x4c: {  	_ =	shalt  }
0x4d: {  	_ =	shalt  }
0x4e: {  	_ =	shalt  }
0x4f: {  	_ =	shalt  }
0x50: {  	_ =	shalt  }
0x51: {  	_ =	shalt  }
0x52: {  	_ =	shalt  }
0x53: {  	_ =	shalt  }
0x54: {  	_ =	shalt  }
0x55: {  	_ =	shalt  }
0x56: {  	_ =	shalt  }
0x57: {  	_ =	shalt  }
0x58: {  	_ =	shalt  }
0x59: {  	_ =	shalt  }
0x5a: {  	_ =	shalt  }
0x5b: {  	_ =	shalt  }
0x5c: {  	_ =	shalt  }
0x5d: {  	_ =	shalt  }
0x5e: {  	_ =	shalt  }
0x5f: {  	_ =	shalt  }
0x60: {  	_ =	shalt  }
0x61: {  	_ =	shalt  }
0x62: {  	_ =	shalt  }
0x63: {  	_ =	shalt  }
0x64: {  	_ =	shalt  }
0x65: {  	_ =	shalt  }
0x66: {  	_ =	shalt  }
0x67: {  	_ =	shalt  }
0x68: {  	_ =	shalt  }
0x69: {  	_ =	shalt  }
0x6a: {  	_ =	shalt  }
0x6b: {  	_ =	shalt  }
0x6c: {  	_ =	shalt  }
0x6d: {  	_ =	shalt  }
0x6e: {  	_ =	shalt  }
0x6f: {  	_ =	shalt  }
0x70: {  	_ =	shalt  }
0x71: {  	_ =	shalt  }
0x72: {  	_ =	shalt  }
0x73: {  	_ =	shalt  }
0x74: {  	_ =	shalt  }
0x75: {  	_ =	shalt  }
0x76: {  	_ =	shalt  }
0x77: {  	_ =	shalt  }
0x78: {  	_ =	shalt  }
0x79: {  	_ =	shalt  }
0x7a: {  	_ =	shalt  }
0x7b: {  	_ =	shalt  }
0x7c: {  	_ =	shalt  }
0x7d: {  	_ =	shalt  }
0x7e: {  	_ =	shalt  }
0x7f: {  	_ =	shalt  }
0x80: {  	_ =	shalt  }
0x81: {  	_ =	shalt  }
0x82: {  	_ =	shalt  }
0x83: {  	_ =	shalt  }
0x84: {  	_ =	shalt  }
0x85: {  	_ =	shalt  }
0x86: {  	_ =	shalt  }
0x87: {  	_ =	shalt  }
.Lfunc_end0:
.L_simem_size_0:
called_computation.2_lowered:
.L_overlay_start_0:
0x88: {  	s2 =	sld [smem:$0x3FD9]  }
0x89: {  	s3 =	sld [smem:$0x3FFE];
	_ =	sdelay $0x1  }
0x8a: {  	s1 =	srdreg.scid  }
0x8b: {  	s0 =	sand.u32 $0x1, s1  }
0x8c: {  	s17 =	sshll.u32 s0, $0xA;
	s2 =	sadd.s32 s3, s2  }
0x8d: {  	s2 =	sadd.s32 s2, s17  }
0x8e: {  	[smem:$0x3FBC] =	sst s2  }
0x8f: {  	_ = 	snop  }
0x90: {  	s2 =	sld [smem:$0x3FD0];
	(tm) =	ssettm $0x1  }
0x91: {  	s18 =	sld [smem:$0x3FFB];
	_ =	sdelay $0x3  }
0x92: {  	_ =	strace s18  }
0x93: {  	s3 =	sld [smem:$0x3FFC];
	_ =	sdelay $0x3  }
0x94: {  	_ =	strace s3  }
0x95: {  	s3 =	sld [smem:$0x3FFD];
	_ =	sdelay $0x3  }
0x96: {  	_ =	strace s3  }
0x97: {  	_ =	strace $0x8FFFFFFF  }
0x98: {  	s19 =	sld [smem:$0x3FDB];
	_ =	sdelay $0x1  }
0x99: {  	s4 =	simm.s32 $_scs_section_size  }
0x9a: {  	s5 =	simm.s32 $_size__tile_overlayer_lowered;
	s6 =	simm.s32 $_tile_overlayer_lowered  }
0x9b: {  	s22 =	simm.s32 $0x1BFF;
	s21 =	sshll.u32 s6, $0x1;
	s3 =	sadd.s32 s4, s19  }
0x9c: {  	s7 =	simm.s32 $0x0;
	s20 =	sshll.u32 s5, $0x1;
	s5 =	sadd.s32 s21, s3  }
0x9d: {  	[timem:s7], [sflag:s22] =	dma.local [hbm:s5], s20  }
0x9e: {  	_ =	swait.ge [sflag:s22], s20  }
0x9f: {  	s4 =	ssub.s32 $0x0, s20;
	[sflag:s22] =	ssyncset.done $0x0  }
0xa0: {  	[sflag:s22] =	ssyncadd.s32 s4;
	_ =	sdelay $0x1  }
0xa1: {  	s23 =	simm.s32 $0x1B8B  }
0xa2: {  	_ =	swait.ge [sflag:s23], $0x1  }
0xa3: {  	[sflag:s23] =	ssyncset.done $0x0  }
0xa4: {  	s25 =	simm.s32 $0x1B8E;
	s24 =	sld [smem:$0x3FFE];
	[sflag:s23] =	ssyncadd.s32 $0xFFFFFFFF  }
0xa5: {  	s26 =	simm.s32 $execute0_lowered;
	[smem:$0x3FD2] =	sst s25  }
0xa6: {  	s5 =	sshll.u32 s26, $0x1;
	_ =	strace $0x8000004C;
	[dreg:$0x1] =	wrdreg $0xFFFFFFFF  }
0xa7: {  	s28 =	simm.s32 $_size_execute0_lowered;
	s3 =	sadd.s32 s3, s5;
	[dreg:$0x0] =	wrdreg $0x0  }
0xa8: {  	s5 =	sshll.u32 s28, $0x1;
	[dreg:$0x2] =	wrdreg s3  }
0xa9: {  	[dreg:$0x3] =	wrdreg s5  }
0xaa: {  	[dreg:$0x4] =	wrdreg $0xC0  }
0xab: {  	_ =	task [dreg:s7], $0x5FFFF  }
0xac: {  	[dreg:$0x1] =	wrdreg $0xFFFFFFFF  }
0xad: {  	[dreg:$0x0] =	wrdreg $0x60  }
0xae: {  	[dreg:$0x2] =	wrdreg s2  }
0xaf: {  	[dreg:$0x3] =	wrdreg s24  }
0xb0: {  	[dreg:$0x4] =	wrdreg $0xBB800  }
0xb1: {  	[dreg:$0x5] =	wrdreg $0x9  }
0xb2: {  	_ =	task.clear_ibuf [dreg:s7], $0x6FFFF;
	_ =	strace $0x9000004C  }
0xb3: {  	s29 =	simm.s32 $0x9;
	_ =	strace $0x8000004E  }
0xb4: {  	_ =	swait.ge [sflag:s29], $0x1  }
0xb5: {  	[sflag:s29] =	ssyncadd.s32 $0xFFFFFFFF  }
0xb6: {  	_ =	strace $0x9000004E  }
0xb7: {  	_ =	sfence  }
0xb8: {  	s30 =	sld [smem:$0x0];
	_ =	sdelay $0x2  }
0xb9: {  	s31 =	sshll.u32 s1, $0xD;
	s1 =	sshrl.u32 s1, $0x2  }
0xba: {  	s3 =	sand.u32 $0x4000, s31;
	s1 =	sadd.s32 s1, s30  }
0xbb: {  	s0 =	sor.u32 s3, s0;
	s1 =	sshll.u32 s1, $0x11  }
0xbc: {  	s0 =	sor.u32 s1, s0  }
0xbd: {  	s0 =	sadd.s32 $0x8F2B, s0  }
0xbe: {  	[sflag:s0] =	ssyncadd.remote.s32 $0x1  }
0xbf: {  	_ =	sfence.sel $0xFFFF  }
0xc0: {  	[dreg:$0x0] =	wrdreg $0xFFFFFFFF;
	(pc) =	sbr.abs _section_cstart, $3  }
0xc1: {  	[dreg:$0x1] =	wrdreg $0xFFFFFFFF  }
0xc2: {  	_ =	task.clear_ibuf [dreg:s7], $0x2FFFF;
	_ =	strace $0x9FFFFFFF  }
0xc3: {  	(tm) =	ssettm $0x7FFFFFFF  }
tec
execute0_lowered:
.L_overlay_start_1:
0x0: {  	(tag) =	ssettag $0x1  }
0x1: {  	s2 =	rddreg [dreg:$0x0]  }
0x2: {  	s0 =	rddreg [dreg:$0x1];
	s1 =	srdreg.scid  }
0x3: {  	s3 =	rddreg [dreg:$0x2];
	s10 =	stileid.u32;
	s4 =	simm.s32 $0x0  }
0x4: {  	s14 =	simm.s32 $0x32;
	s15 =	simm.s32 $0x5780;
	s16 =	simm.s32 $0x38  }
0x5: {  	s17 =	simm.s32 $0x7080;
	s18 =	simm.s32 $0x70;
	s19 =	simm.s32 $0x8980  }
0x6: {  	s20 =	simm.s32 $0xA8;
	s21 =	simm.s32 $0xA280;
	s22 =	simm.s32 $0x1  }
0x7: {  	s23 =	simm.s32 $0x2;
	s24 =	simm.s32 $0x3;
	s25 =	simm.s32 $0x4  }
0x8: {  	s28 =	simm.s32 $0x56D8;
	s29 =	simm.s32 $0x5710;
	s30 =	simm.s32 $0x5748  }
0x9: {  	s31 =	simm.s32 $0x0;
	s1 =	sand.u32 $0x1, s1;
	s8 =	smul.u32 $0x13880, s10  }
0xa: {  	[smem:$0x7FF] =	sst s4;
	s26 =	sshll.u32 s10, $0x6;
	s5 =	sshll.u32 s1, $0x4  }
0xb: {  	s6 =	smul.u32 $0x138800, s1;
	_ =	strace $0x8000004D;
	s1 =	ssub.s32 $0x2, s1  }
0xc: {  	s12 =	sor.u32 $0x1C05, s26;
	s26 =	simm.s32 $0x56A0;
	s5 =	sor.u32 s10, s5  }
0xd: {  	s9 =	sshrl.u32 s1, $0x1;
	s13 =	sadd.s32 s8, s3;
	s10 =	simm.s32 $0x5  }
0xe: {  	s5 =	smul.u32 $0x578, s5;
	s6 =	sadd.s32 s8, s6;
	s1 =	ssub.s32 s1, s9  }
0xf: {  	s13 =	sshrl.u32 s13, $0x3;
	s6 =	sshrl.u32 s6, $0x3;
	s9 =	smax.u32 s1, $0x1  }
0x10: {  	s7 =	sadd.s32 s5, s0;
	s5 =	sadd.s32 $0x4600, s0;
	s0 =	sadd.s32 s6, s0  }
0x11: {  	s6 =	sadd.s32 $0x1E600, s7;
	s7 =	sadd.s32 $0x13600, s7;
	s8 =	sadd.s32 $0x29600, s0  }
.LBB2_1:
0x12: {  	[tilespmem:s4], [sflag:$0x5] =	stream.linear.gather [hbm4b:s6+s4], $0x2BC0, $0x38;
	[tilespmem:$0x1F400] =	vst v63  }
0x13: {  	_ =	swait.ge [sflag:s10], $0x2BC0  }
0x14: {  	[sflag:s10] =	ssyncset.done $0x0  }
0x15: {  	s0 =	simm.s32 $0x2BC0;
	[sflag:s10] =	ssyncadd.s32 $0xFFFFD440  }
0x16: {  	[tilespmem:s0], [sflag:$0x5] =	stream.linear.gather [hbm4b:s7+s4], $0x2BC0, $0x38;
	[tilespmem:$0x1F400] =	vst v63  }
0x17: {  	_ =	swait.ge [sflag:s10], $0x2BC0  }
0x18: {  	[sflag:s10] =	ssyncset.done $0x0  }
0x19: {  	[sflag:s10] =	ssyncadd.s32 $0xFFFFD440  }
0x1a: {  	[spmem:s13], [sflag:s12] =	dma.local [hbm:s5], $0x2710  }
0x1b: {  	_ =	swait.ge [sflag:s10], $0x2710  }
0x1c: {  	[sflag:s10] =	ssyncset.done $0x0  }
0x1d: {  	[sflag:s10] =	ssyncadd.s32 $0xFFFFD8F0  }
0x1e: {  	[bflag:$0x0] =	sbarrier.arrive $0xFFFF  }
0x1f: {  	[tilespmem:s15], [sflag:$0x1] =	stream.indirect.gather [hbm4b:s2+s14], $0x80, s4, s14, $0xb8;
	[tilespmem:$0x1F400] =	vst v63  }
0x20: {  	_ = 	snop  }
0x21: {  	[tilespmem:s17], [sflag:$0x2] =	stream.indirect.gather [hbm4b:s2+s14], $0x80, s16, s14, $0xb8;
	[tilespmem:$0x1F400] =	vst v63  }
0x22: {  	_ = 	snop  }
0x23: {  	[tilespmem:s19], [sflag:$0x3] =	stream.indirect.gather [hbm4b:s2+s14], $0x80, s18, s14, $0xb8;
	[tilespmem:$0x1F400] =	vst v63  }
0x24: {  	_ = 	snop  }
0x25: {  	[tilespmem:s21], [sflag:$0x4] =	stream.indirect.gather [hbm4b:s2+s14], $0x80, s20, s14, $0xb8;
	[tilespmem:$0x1F400] =	vst v63  }
0x26: {  	_ =	swait.ge [sflag:s22], $0x1900  }
0x27: {  	[sflag:s22] =	ssyncset.done $0x0  }
0x28: {  	s11 =	simm.s32 $0x2BC0;
	[sflag:s22] =	ssyncadd.s32 $0xFFFFE700  }
0x29: {  	[spmem:s3] =	stream.indirect.scatter.add.f32 [tilespmem:s15], [sflag:$0x5], $0x80, s11, s14, $0xb8;
	[tilespmem:$0x1F400] =	vst v63  }
0x2a: {  	_ =	swait.ge [sflag:s10], $0x1900  }
0x2b: {  	[sflag:s10] =	ssyncset.done $0x0  }
0x2c: {  	s1 =	simm.s32 $0xE0;
	[sflag:s10] =	ssyncadd.s32 $0xFFFFE700  }
0x2d: {  	[tilespmem:s15], [sflag:$0x1] =	stream.indirect.gather [hbm4b:s2+s14], $0x80, s1, s14, $0xb8;
	[tilespmem:$0x1F400] =	vst v63  }
0x2e: {  	_ =	swait.ge [sflag:s23], $0x1900  }
0x2f: {  	[sflag:s23] =	ssyncset.done $0x0  }
0x30: {  	s11 =	simm.s32 $0x2BF8;
	[sflag:s23] =	ssyncadd.s32 $0xFFFFE700  }
0x31: {  	[spmem:s3] =	stream.indirect.scatter.add.f32 [tilespmem:s17], [sflag:$0x5], $0x80, s11, s14, $0xb8;
	[tilespmem:$0x1F400] =	vst v63  }
0x32: {  	_ =	swait.ge [sflag:s10], $0x1900  }
0x33: {  	[sflag:s10] =	ssyncset.done $0x0  }
0x34: {  	s1 =	simm.s32 $0x118;
	[sflag:s10] =	ssyncadd.s32 $0xFFFFE700  }
0x35: {  	[tilespmem:s17], [sflag:$0x2] =	stream.indirect.gather [hbm4b:s2+s14], $0x80, s1, s14, $0xb8;
	[tilespmem:$0x1F400] =	vst v63  }
0x36: {  	_ =	swait.ge [sflag:s24], $0x1900  }
0x37: {  	[sflag:s24] =	ssyncset.done $0x0  }
0x38: {  	s11 =	simm.s32 $0x2C30;
	[sflag:s24] =	ssyncadd.s32 $0xFFFFE700  }
0x39: {  	[spmem:s3] =	stream.indirect.scatter.add.f32 [tilespmem:s19], [sflag:$0x5], $0x80, s11, s14, $0xb8;
	[tilespmem:$0x1F400] =	vst v63  }
0x3a: {  	_ =	swait.ge [sflag:s10], $0x1900  }
0x3b: {  	[sflag:s10] =	ssyncset.done $0x0  }
0x3c: {  	s1 =	simm.s32 $0x150;
	[sflag:s10] =	ssyncadd.s32 $0xFFFFE700  }
0x3d: {  	[tilespmem:s19], [sflag:$0x3] =	stream.indirect.gather [hbm4b:s2+s14], $0x80, s1, s14, $0xb8;
	[tilespmem:$0x1F400] =	vst v63  }
0x3e: {  	_ =	swait.ge [sflag:s25], $0x1900  }
0x3f: {  	[sflag:s25] =	ssyncset.done $0x0  }
0x40: {  	s11 =	simm.s32 $0x2C68;
	[sflag:s25] =	ssyncadd.s32 $0xFFFFE700  }
0x41: {  	[spmem:s3] =	stream.indirect.scatter.add.f32 [tilespmem:s21], [sflag:$0x5], $0x80, s11, s14, $0xb8;
	[tilespmem:$0x1F400] =	vst v63  }
0x42: {  	_ =	swait.ge [sflag:s10], $0x1900  }
0x43: {  	[sflag:s10] =	ssyncset.done $0x0  }
0x44: {  	s0 =	simm.s32 $0x380;
	s1 =	simm.s32 $0x188;
	[sflag:s10] =	ssyncadd.s32 $0xFFFFE700  }
.LBB2_2:
0x45: {  	[tilespmem:s21], [sflag:$0x4] =	stream.indirect.gather [hbm4b:s2+s14], $0x80, s1, s14, $0xb8;
	[tilespmem:$0x1F400] =	vst v63  }
0x46: {  	s1 =	smov.u32 s0  }
0x47: {  	p0 =	sne.s32 s0, $0xA800;
	s0 =	sadd.s32 $0x380, s0;
	_ =	swait.ge [sflag:s22], $0x1900  }
0x48: {  	s1 =	sshra.s32 s1, $0x2;
	[sflag:s22] =	ssyncset.done $0x0  }
0x49: {  	s11 =	sadd.s32 $0x2BC0, s1;
	[sflag:s22] =	ssyncadd.s32 $0xFFFFE700  }
0x4a: {  	[spmem:s3] =	stream.indirect.scatter.add.f32 [tilespmem:s15], [sflag:$0x5], $0x80, s11, s14, $0xb8;
	[tilespmem:$0x1F400] =	vst v63  }
0x4b: {  	_ =	swait.ge [sflag:s10], $0x1900  }
0x4c: {  	[sflag:s10] =	ssyncset.done $0x0  }
0x4d: {  	s11 =	sadd.s32 $0xE0, s1;
	[sflag:s10] =	ssyncadd.s32 $0xFFFFE700  }
0x4e: {  	[tilespmem:s15], [sflag:$0x1] =	stream.indirect.gather [hbm4b:s2+s14], $0x80, s11, s14, $0xb8;
	[tilespmem:$0x1F400] =	vst v63  }
0x4f: {  	_ =	swait.ge [sflag:s23], $0x1900  }
0x50: {  	[sflag:s23] =	ssyncset.done $0x0  }
0x51: {  	s11 =	sadd.s32 $0x2BF8, s1;
	[sflag:s23] =	ssyncadd.s32 $0xFFFFE700  }
0x52: {  	[spmem:s3] =	stream.indirect.scatter.add.f32 [tilespmem:s17], [sflag:$0x5], $0x80, s11, s14, $0xb8;
	[tilespmem:$0x1F400] =	vst v63  }
0x53: {  	_ =	swait.ge [sflag:s10], $0x1900  }
0x54: {  	[sflag:s10] =	ssyncset.done $0x0  }
0x55: {  	s11 =	sadd.s32 $0x118, s1;
	[sflag:s10] =	ssyncadd.s32 $0xFFFFE700  }
0x56: {  	[tilespmem:s17], [sflag:$0x2] =	stream.indirect.gather [hbm4b:s2+s14], $0x80, s11, s14, $0xb8;
	[tilespmem:$0x1F400] =	vst v63  }
0x57: {  	_ =	swait.ge [sflag:s24], $0x1900  }
0x58: {  	[sflag:s24] =	ssyncset.done $0x0  }
0x59: {  	s11 =	sadd.s32 $0x2C30, s1;
	[sflag:s24] =	ssyncadd.s32 $0xFFFFE700  }
0x5a: {  	[spmem:s3] =	stream.indirect.scatter.add.f32 [tilespmem:s19], [sflag:$0x5], $0x80, s11, s14, $0xb8;
	[tilespmem:$0x1F400] =	vst v63  }
0x5b: {  	_ =	swait.ge [sflag:s10], $0x1900  }
0x5c: {  	[sflag:s10] =	ssyncset.done $0x0  }
0x5d: {  	s11 =	sadd.s32 $0x150, s1;
	[sflag:s10] =	ssyncadd.s32 $0xFFFFE700  }
0x5e: {  	[tilespmem:s19], [sflag:$0x3] =	stream.indirect.gather [hbm4b:s2+s14], $0x80, s11, s14, $0xb8;
	[tilespmem:$0x1F400] =	vst v63  }
0x5f: {  	_ =	swait.ge [sflag:s25], $0x1900  }
0x60: {  	[sflag:s25] =	ssyncset.done $0x0  }
.Ltmp0:
0x61: {  	s11 =	sadd.s32 $0x2C68, s1;
	[sflag:s25] =	ssyncadd.s32 $0xFFFFE700;
	(pc) =	sbr.rel @p0 .LBB2_2-.Ltmp0, $4  }
0x62: {  	[spmem:s3] =	stream.indirect.scatter.add.f32 [tilespmem:s21], [sflag:$0x5], $0x80, s11, s14, $0xb8;
	[tilespmem:$0x1F400] =	vst v63  }
0x63: {  	_ =	swait.ge [sflag:s10], $0x1900  }
0x64: {  	[sflag:s10] =	ssyncset.done $0x0  }
0x65: {  	s1 =	sadd.s32 $0x188, s1;
	[sflag:s10] =	ssyncadd.s32 $0xFFFFE700  }
0x66: {  	[tilespmem:s21], [sflag:$0x4] =	stream.indirect.gather [hbm4b:s2+s14], $0x80, s1, s14, $0xb8;
	[tilespmem:$0x1F400] =	vst v63  }
0x67: {  	_ =	swait.ge [sflag:s22], $0x1900  }
0x68: {  	[sflag:s22] =	ssyncset.done $0x0  }
0x69: {  	[sflag:s22] =	ssyncadd.s32 $0xFFFFE700  }
0x6a: {  	[spmem:s3] =	stream.indirect.scatter.add.f32 [tilespmem:s15], [sflag:$0x5], $0x80, s26, s14, $0xb8;
	[tilespmem:$0x1F400] =	vst v63  }
0x6b: {  	_ =	swait.ge [sflag:s10], $0x1900  }
0x6c: {  	[sflag:s10] =	ssyncset.done $0x0  }
0x6d: {  	[sflag:s10] =	ssyncadd.s32 $0xFFFFE700  }
0x6e: {  	_ =	swait.ge [sflag:s23], $0x1900  }
0x6f: {  	[sflag:s23] =	ssyncset.done $0x0  }
0x70: {  	[sflag:s23] =	ssyncadd.s32 $0xFFFFE700  }
0x71: {  	[spmem:s3] =	stream.indirect.scatter.add.f32 [tilespmem:s17], [sflag:$0x5], $0x80, s28, s14, $0xb8;
	[tilespmem:$0x1F400] =	vst v63  }
0x72: {  	_ =	swait.ge [sflag:s10], $0x1900  }
0x73: {  	[sflag:s10] =	ssyncset.done $0x0  }
0x74: {  	[sflag:s10] =	ssyncadd.s32 $0xFFFFE700  }
0x75: {  	_ =	swait.ge [sflag:s24], $0x1900  }
0x76: {  	[sflag:s24] =	ssyncset.done $0x0  }
0x77: {  	[sflag:s24] =	ssyncadd.s32 $0xFFFFE700  }
0x78: {  	[spmem:s3] =	stream.indirect.scatter.add.f32 [tilespmem:s19], [sflag:$0x5], $0x80, s29, s14, $0xb8;
	[tilespmem:$0x1F400] =	vst v63  }
0x79: {  	_ =	swait.ge [sflag:s10], $0x1900  }
0x7a: {  	[sflag:s10] =	ssyncset.done $0x0  }
0x7b: {  	[sflag:s10] =	ssyncadd.s32 $0xFFFFE700  }
0x7c: {  	_ =	swait.ge [sflag:s25], $0x1900  }
0x7d: {  	[sflag:s25] =	ssyncset.done $0x0  }
0x7e: {  	[sflag:s25] =	ssyncadd.s32 $0xFFFFE700  }
0x7f: {  	[spmem:s3] =	stream.indirect.scatter.add.f32 [tilespmem:s21], [sflag:$0x5], $0x80, s30, s14, $0xb8;
	[tilespmem:$0x1F400] =	vst v63  }
0x80: {  	_ =	swait.ge [sflag:s10], $0x1900  }
0x81: {  	s31 =	sadd.s32 $0x1, s31;
	[sflag:s10] =	ssyncset.done $0x0  }
0x82: {  	p0 =	sne.s32 s31, s9;
	[sflag:s10] =	ssyncadd.s32 $0xFFFFE700  }
.Ltmp1:
0x83: {  	[bflag:$0x0] =	sbarrier.arrive $0xFFFF;
	(pc) =	sbr.rel @p0 .LBB2_1-.Ltmp1, $4  }
0x84: {  	[hbm:s8], [sflag:s12] =	dma.local [spmem:s13], $0x2710  }
0x85: {  	_ =	swait.ge [sflag:s10], $0x2710  }
0x86: {  	[sflag:s10] =	ssyncset.done $0x0  }
0x87: {  	[sflag:s10] =	ssyncadd.s32 $0xFFFFD8F0  }
0x88: {  	_ =	sfence.sel $0x180000  }
0x89: {  	[bflag:$0x0] =	sbarrier.arrive $0xFFFF  }
0x8a: {  	_ =	strace $0x9000004D  }
0x8b: {  	s0 =	stileid.u32;
	[bflag:$0x2] =	sbarrier.arrive $0xFFFF  }
0x8c: {  	p0 =	sne.s32 s0, $0x0;
	s0 =	rddreg [dreg:$0x3]  }
0x8d: {  	s0 =	sadd.s32 @!p0 $0x100000, s0  }
0x8e: {  	[sflag:s0] =	ssyncadd.tile.s32 @!p0 $0x1;
	_ =	shalt  }
.Lfunc_end2:
_tile_overlayer_lowered:
.L_overlay_start_2:
0x8f: {  	(tag) =	ssettag $0x2  }
0x90: {  	s0 =	rddreg [dreg:$0x0];
	s2 =	stileid.u32  }
0x91: {  	s1 =	rddreg [dreg:$0x1];
	p0 =	sne.s32 s2, $0x0  }
0x92: {  	s3 =	rddreg [dreg:$0x2];
	[bflag:$0x3] =	sbarrier.arrive $0xFFFF;
	s2 =	simm.s32 @!p0 $0x1C05  }
0x93: {  	[timem:s3], [sflag:s2] =	dma.local @!p0 [hbm:s0], s1  }
0x94: {  	s0 =	simm.s32 @!p0 $0x5  }
0x95: {  	_ =	swait.ge @!p0 [sflag:s0], s1  }
0x96: {  	s1 =	ssub.s32 @!p0 $0x0, s1;
	[sflag:s0] =	ssyncset.done @!p0 $0x0  }
0x97: {  	[sflag:s0] =	ssyncadd.s32 @!p0 s1  }
0x98: {  	[bflag:$0x3] =	sbarrier.arrive $0xFFFF  }
0x99: {  	_ =	shalt  }

// kernel: kernel.19.cloned.1.call-start
scs
__scs_entry_jumppad:
0x0: {  	(pc) =	sbr.rel $0x88, $3  }
0x1: {  	(tag) =	ssettag $0x0;
	lr =	simm.s32 $0x1  }
0x2: {  	[smem:$0x3F95] =	sst lr;
	_ =	strace $0xD0000000  }
0x3: {  	_ = 	snop  }
0x4: {  	_ = 	snop  }
0x5: {  	_ = 	snop  }
0x6: {  	_ = 	snop  }
0x7: {  	_ = 	snop  }
__scs_overlays_trampoline_lowered:
0x8: {  	[smem:$0x3FA4] =	sst s0  }
0x9: {  	[smem:$0x3FA5] =	sst s1  }
0xa: {  	[smem:$0x3FA6] =	sst s2  }
0xb: {  	[smem:$0x3FA7] =	sst s3  }
0xc: {  	[smem:$0x3FA8] =	sst s4  }
0xd: {  	[smem:$0x3FA9] =	sst s5  }
0xe: {  	[smem:$0x3FAA] =	sst s6  }
0xf: {  	[smem:$0x3FAB] =	sst s7  }
0x10: {  	[smem:$0x3FAC] =	sst s8  }
0x11: {  	[smem:$0x3FAD] =	sst s9;
	s0 =	simm.s32 @!p0 $0x0  }
0x12: {  	s1 =	sld [smem:$0x3F93];
	s0 =	simm.s32 @p0 $0x1  }
0x13: {  	[smem:$0x3FAE] =	sst s0;
	s0 =	simm.s32 @!p1 $0x0  }
0x14: {  	s2 =	sld [smem:$0x3F92];
	s0 =	simm.s32 @p1 $0x1  }
0x15: {  	[smem:$0x3FAF] =	sst s0;
	s0 =	simm.s32 @!p2 $0x0  }
0x16: {  	s3 =	sld [smem:$0x3FDB];
	s0 =	simm.s32 @p2 $0x1  }
0x17: {  	s4 =	simm.s32 $0x1BF5;
	[smem:$0x3FB1] =	sst s0  }
0x18: {  	s0 =	sld [smem:$0x3F94];
	_ =	swait.ge [sflag:s4], $0x0  }
0x19: {  	s7 =	sld [smem:$0x3F95]  }
0x1a: {  	s8 =	sadd.s32 $0xFFFFE003, lr  }
0x1b: {  	s9 =	sadd.s32 $0xFFFFFEF7, lr;
	s5 =	simm.s32 $0xFFFFFFFF;
	p2 =	slt.u32 s8, $0xFFFFF086  }
0x1c: {  	p1 =	slt.u32 s9, $0xF7A;
	s5 =	simm.s32 @!p2 $0x0  }
0x1d: {  	s5 =	simm.s32 @p1 $0x1;
	p0 =	seq.s32 s7, s2  }
0x1e: {  	s7 =	smul.u32 @!p0 $0xF7A, s2;
	p2 =	seq.s32 @!p0 s5, $0x0  }
0x1f: {  	s9 =	smul.u32 $0xF7A, s1;
	s8 =	simm.s32 @!p0 $0x1BF5;
	p2 =	por !p2, p0  }
0x20: {  	[sflag:s8] =	ssyncset.s32 @!p0 $0xFFFFF086;
	s6 =	sadd.s32 @!p0 s3, s7;
	s7 =	simm.s32 @!p0 $0x108  }
0x21: {  	s3 =	sadd.s32 s3, s9;
	s6 =	sadd.s32 @!p0 $0x88, s6;
	s7 =	simm.s32 @p2 $0x1082  }
0x22: {  	[simem:s7], [sflag:s8] =	dma.local @!p0 [hbm:s6], $0xF7A  }
0x23: {  	s9 =	sor.u32 $0xD0000000, s2;
	s6 =	simm.s32 $0x108;
	_ =	swait.ge @!p0 [sflag:s8], $0x0  }
0x24: {  	s3 =	sadd.s32 $0x88, s3;
	s6 =	simm.s32 @!p1 $0x1082;
	[sflag:s4] =	ssyncset.s32 $0xFFFFF086  }
0x25: {  	[simem:s6], [sflag:s4] =	dma.local [hbm:s3], $0xF7A  }
0x26: {  	[smem:$0x3F95] =	sst s1;
	(tag) =	ssettag s2;
	_ =	strace s9  }
0x27: {  	s1 =	sld [smem:$0x3FA5]  }
0x28: {  	s2 =	sld [smem:$0x3FA6]  }
0x29: {  	s4 =	sld [smem:$0x3FA8]  }
0x2a: {  	p0 =	seq.s32 s5, $0x0;
	s5 =	sld [smem:$0x3FA9]  }
0x2b: {  	s6 =	sld [smem:$0x3FAA]  }
0x2c: {  	s7 =	sld [smem:$0x3FAB]  }
0x2d: {  	s3 =	simm.s32 $0x108;
	s8 =	sld [smem:$0x3FAC]  }
0x2e: {  	s3 =	simm.s32 @!p0 $0x1082;
	s9 =	sld [smem:$0x3FAD]  }
0x2f: {  	lr =	sadd.s32 s0, s3;
	s0 =	sld [smem:$0x3FA4]  }
0x30: {  	s3 =	sld [smem:$0x3FA7]  }
0x31: {  	[smem:$0x3FB0] =	sst s10  }
0x32: {  	s10 =	sld [smem:$0x3FAE];
	_ =	sdelay $0x3  }
0x33: {  	p0 =	seq.s32 s10, $0x1;
	s10 =	sld [smem:$0x3FB0];
	_ =	sdelay $0x3  }
0x34: {  	[smem:$0x3FB0] =	sst s10  }
0x35: {  	s10 =	sld [smem:$0x3FAF];
	_ =	sdelay $0x3  }
0x36: {  	p1 =	seq.s32 s10, $0x1;
	s10 =	sld [smem:$0x3FB0];
	_ =	sdelay $0x3  }
0x37: {  	[smem:$0x3FB0] =	sst s10  }
0x38: {  	s10 =	sld [smem:$0x3FB1]  }
0x39: {  	_ = 	snop;
	(pc) =	sbr.ind lr, $3  }
0x3a: {  	_ = 	snop  }
0x3b: {  	_ = 	snop  }
0x3c: {  	p2 =	seq.s32 s10, $0x1;
	s10 =	sld [smem:$0x3FB0]  }
0x3d: {  	_ =	shalt  }
0x3e: {  	_ =	shalt  }
0x3f: {  	_ =	shalt  }
0x40: {  	_ =	shalt  }
0x41: {  	_ =	shalt  }
0x42: {  	_ =	shalt  }
0x43: {  	_ =	shalt  }
0x44: {  	_ =	shalt  }
0x45: {  	_ =	shalt  }
0x46: {  	_ =	shalt  }
0x47: {  	_ =	shalt  }
0x48: {  	_ =	shalt  }
0x49: {  	_ =	shalt  }
0x4a: {  	_ =	shalt  }
0x4b: {  	_ =	shalt  }
0x4c: {  	_ =	shalt  }
0x4d: {  	_ =	shalt  }
0x4e: {  	_ =	shalt  }
0x4f: {  	_ =	shalt  }
0x50: {  	_ =	shalt  }
0x51: {  	_ =	shalt  }
0x52: {  	_ =	shalt  }
0x53: {  	_ =	shalt  }
0x54: {  	_ =	shalt  }
0x55: {  	_ =	shalt  }
0x56: {  	_ =	shalt  }
0x57: {  	_ =	shalt  }
0x58: {  	_ =	shalt  }
0x59: {  	_ =	shalt  }
0x5a: {  	_ =	shalt  }
0x5b: {  	_ =	shalt  }
0x5c: {  	_ =	shalt  }
0x5d: {  	_ =	shalt  }
0x5e: {  	_ =	shalt  }
0x5f: {  	_ =	shalt  }
0x60: {  	_ =	shalt  }
0x61: {  	_ =	shalt  }
0x62: {  	_ =	shalt  }
0x63: {  	_ =	shalt  }
0x64: {  	_ =	shalt  }
0x65: {  	_ =	shalt  }
0x66: {  	_ =	shalt  }
0x67: {  	_ =	shalt  }
0x68: {  	_ =	shalt  }
0x69: {  	_ =	shalt  }
0x6a: {  	_ =	shalt  }
0x6b: {  	_ =	shalt  }
0x6c: {  	_ =	shalt  }
0x6d: {  	_ =	shalt  }
0x6e: {  	_ =	shalt  }
0x6f: {  	_ =	shalt  }
0x70: {  	_ =	shalt  }
0x71: {  	_ =	shalt  }
0x72: {  	_ =	shalt  }
0x73: {  	_ =	shalt  }
0x74: {  	_ =	shalt  }
0x75: {  	_ =	shalt  }
0x76: {  	_ =	shalt  }
0x77: {  	_ =	shalt  }
0x78: {  	_ =	shalt  }
0x79: {  	_ =	shalt  }
0x7a: {  	_ =	shalt  }
0x7b: {  	_ =	shalt  }
0x7c: {  	_ =	shalt  }
0x7d: {  	_ =	shalt  }
0x7e: {  	_ =	shalt  }
0x7f: {  	_ =	shalt  }
0x80: {  	_ =	shalt  }
0x81: {  	_ =	shalt  }
0x82: {  	_ =	shalt  }
0x83: {  	_ =	shalt  }
0x84: {  	_ =	shalt  }
0x85: {  	_ =	shalt  }
0x86: {  	_ =	shalt  }
0x87: {  	_ =	shalt  }
.Lfunc_end0:
.L_simem_size_0:
called_computation.3_lowered:
.L_overlay_start_0:
0x88: {  	s2 =	sld [smem:$0x3FD9]  }
0x89: {  	s3 =	sld [smem:$0x3FFE];
	_ =	sdelay $0x1  }
0x8a: {  	s1 =	srdreg.scid  }
0x8b: {  	s0 =	sand.u32 $0x1, s1  }
0x8c: {  	s17 =	sshll.u32 s0, $0xA;
	s2 =	sadd.s32 s3, s2  }
0x8d: {  	s2 =	sadd.s32 s2, s17  }
0x8e: {  	[smem:$0x3FBC] =	sst s2  }
0x8f: {  	_ = 	snop  }
0x90: {  	s2 =	sld [smem:$0x3FD0];
	(tm) =	ssettm $0x1  }
0x91: {  	s18 =	sld [smem:$0x3FFB];
	_ =	sdelay $0x3  }
0x92: {  	_ =	strace s18  }
0x93: {  	s3 =	sld [smem:$0x3FFC];
	_ =	sdelay $0x3  }
0x94: {  	_ =	strace s3  }
0x95: {  	s3 =	sld [smem:$0x3FFD];
	_ =	sdelay $0x3  }
0x96: {  	_ =	strace s3  }
0x97: {  	_ =	strace $0x8FFFFFFF  }
0x98: {  	s19 =	sld [smem:$0x3FDB];
	_ =	sdelay $0x1  }
0x99: {  	s4 =	simm.s32 $_scs_section_size  }
0x9a: {  	s5 =	simm.s32 $_size__tile_overlayer_lowered;
	s6 =	simm.s32 $_tile_overlayer_lowered  }
0x9b: {  	s22 =	simm.s32 $0x1BFF;
	s21 =	sshll.u32 s6, $0x1;
	s3 =	sadd.s32 s4, s19  }
0x9c: {  	s7 =	simm.s32 $0x0;
	s20 =	sshll.u32 s5, $0x1;
	s5 =	sadd.s32 s21, s3  }
0x9d: {  	[timem:s7], [sflag:s22] =	dma.local [hbm:s5], s20  }
0x9e: {  	_ =	swait.ge [sflag:s22], s20  }
0x9f: {  	s4 =	ssub.s32 $0x0, s20;
	[sflag:s22] =	ssyncset.done $0x0  }
0xa0: {  	[sflag:s22] =	ssyncadd.s32 s4;
	_ =	sdelay $0x1  }
0xa1: {  	s23 =	simm.s32 $0x1B8B  }
0xa2: {  	_ =	swait.ge [sflag:s23], $0x1  }
0xa3: {  	[sflag:s23] =	ssyncset.done $0x0  }
0xa4: {  	s25 =	simm.s32 $0x1B8E;
	s24 =	sld [smem:$0x3FFE];
	[sflag:s23] =	ssyncadd.s32 $0xFFFFFFFF  }
0xa5: {  	s26 =	simm.s32 $execute0_lowered;
	[smem:$0x3FD2] =	sst s25  }
0xa6: {  	s5 =	sshll.u32 s26, $0x1;
	_ =	strace $0x8000004F;
	[dreg:$0x1] =	wrdreg $0xFFFFFFFF  }
0xa7: {  	s28 =	simm.s32 $_size_execute0_lowered;
	s3 =	sadd.s32 s3, s5;
	[dreg:$0x0] =	wrdreg $0x0  }
0xa8: {  	s5 =	sshll.u32 s28, $0x1;
	[dreg:$0x2] =	wrdreg s3  }
0xa9: {  	[dreg:$0x3] =	wrdreg s5  }
0xaa: {  	[dreg:$0x4] =	wrdreg $0xC0  }
0xab: {  	_ =	task [dreg:s7], $0x5FFFF  }
0xac: {  	[dreg:$0x1] =	wrdreg $0xFFFFFFFF  }
0xad: {  	[dreg:$0x0] =	wrdreg $0x60  }
0xae: {  	[dreg:$0x2] =	wrdreg s2  }
0xaf: {  	[dreg:$0x3] =	wrdreg s24  }
0xb0: {  	[dreg:$0x4] =	wrdreg $0xBB800  }
0xb1: {  	[dreg:$0x5] =	wrdreg $0x9  }
0xb2: {  	_ =	task.clear_ibuf [dreg:s7], $0x6FFFF;
	_ =	strace $0x9000004F  }
0xb3: {  	s29 =	simm.s32 $0x9;
	_ =	strace $0x80000051  }
0xb4: {  	_ =	swait.ge [sflag:s29], $0x1  }
0xb5: {  	[sflag:s29] =	ssyncadd.s32 $0xFFFFFFFF  }
0xb6: {  	_ =	strace $0x90000051  }
0xb7: {  	_ =	sfence  }
0xb8: {  	s30 =	sld [smem:$0x0];
	_ =	sdelay $0x2  }
0xb9: {  	s31 =	sshll.u32 s1, $0xD;
	s1 =	sshrl.u32 s1, $0x2  }
0xba: {  	s3 =	sand.u32 $0x4000, s31;
	s1 =	sadd.s32 s1, s30  }
0xbb: {  	s0 =	sor.u32 s3, s0;
	s1 =	sshll.u32 s1, $0x11  }
0xbc: {  	s0 =	sor.u32 s1, s0  }
0xbd: {  	s0 =	sadd.s32 $0x8F2B, s0  }
0xbe: {  	[sflag:s0] =	ssyncadd.remote.s32 $0x1  }
0xbf: {  	_ =	sfence.sel $0xFFFF  }
0xc0: {  	[dreg:$0x0] =	wrdreg $0xFFFFFFFF;
	(pc) =	sbr.abs _section_cstart, $3  }
0xc1: {  	[dreg:$0x1] =	wrdreg $0xFFFFFFFF  }
0xc2: {  	_ =	task.clear_ibuf [dreg:s7], $0x2FFFF;
	_ =	strace $0x9FFFFFFF  }
0xc3: {  	(tm) =	ssettm $0x7FFFFFFF  }
tec
execute0_lowered:
.L_overlay_start_1:
0x0: {  	(tag) =	ssettag $0x1  }
0x1: {  	s2 =	rddreg [dreg:$0x0]  }
0x2: {  	s0 =	rddreg [dreg:$0x1];
	s1 =	srdreg.scid  }
0x3: {  	s3 =	rddreg [dreg:$0x2];
	s10 =	stileid.u32;
	s4 =	simm.s32 $0x0  }
0x4: {  	s14 =	simm.s32 $0x32;
	s15 =	simm.s32 $0x5780;
	s16 =	simm.s32 $0x38  }
0x5: {  	s17 =	simm.s32 $0x7080;
	s18 =	simm.s32 $0x70;
	s19 =	simm.s32 $0x8980  }
0x6: {  	s20 =	simm.s32 $0xA8;
	s21 =	simm.s32 $0xA280;
	s22 =	simm.s32 $0x1  }
0x7: {  	s23 =	simm.s32 $0x2;
	s24 =	simm.s32 $0x3;
	s25 =	simm.s32 $0x4  }
0x8: {  	s28 =	simm.s32 $0x56D8;
	s29 =	simm.s32 $0x5710;
	s30 =	simm.s32 $0x5748  }
0x9: {  	s31 =	simm.s32 $0x0;
	s1 =	sand.u32 $0x1, s1;
	s8 =	smul.u32 $0x13880, s10  }
0xa: {  	[smem:$0x7FF] =	sst s4;
	s26 =	sshll.u32 s10, $0x6;
	s5 =	sshll.u32 s1, $0x4  }
0xb: {  	s6 =	smul.u32 $0x138800, s1;
	_ =	strace $0x80000050;
	s1 =	ssub.s32 $0x2, s1  }
0xc: {  	s12 =	sor.u32 $0x1C05, s26;
	s26 =	simm.s32 $0x56A0;
	s5 =	sor.u32 s10, s5  }
0xd: {  	s9 =	sshrl.u32 s1, $0x1;
	s13 =	sadd.s32 s8, s3;
	s10 =	simm.s32 $0x5  }
0xe: {  	s5 =	smul.u32 $0x578, s5;
	s6 =	sadd.s32 s8, s6;
	s1 =	ssub.s32 s1, s9  }
0xf: {  	s13 =	sshrl.u32 s13, $0x3;
	s6 =	sshrl.u32 s6, $0x3;
	s9 =	smax.u32 s1, $0x1  }
0x10: {  	s7 =	sadd.s32 s5, s0;
	s5 =	sadd.s32 $0x4600, s0;
	s0 =	sadd.s32 s6, s0  }
0x11: {  	s6 =	sadd.s32 $0x1E600, s7;
	s7 =	sadd.s32 $0x13600, s7;
	s8 =	sadd.s32 $0x29600, s0  }
.LBB2_1:
0x12: {  	[tilespmem:s4], [sflag:$0x5] =	stream.linear.gather [hbm4b:s6+s4], $0x2BC0, $0x38;
	[tilespmem:$0x1F400] =	vst v63  }
0x13: {  	_ =	swait.ge [sflag:s10], $0x2BC0  }
0x14: {  	[sflag:s10] =	ssyncset.done $0x0  }
0x15: {  	s0 =	simm.s32 $0x2BC0;
	[sflag:s10] =	ssyncadd.s32 $0xFFFFD440  }
0x16: {  	[tilespmem:s0], [sflag:$0x5] =	stream.linear.gather [hbm4b:s7+s4], $0x2BC0, $0x38;
	[tilespmem:$0x1F400] =	vst v63  }
0x17: {  	_ =	swait.ge [sflag:s10], $0x2BC0  }
0x18: {  	[sflag:s10] =	ssyncset.done $0x0  }
0x19: {  	[sflag:s10] =	ssyncadd.s32 $0xFFFFD440  }
0x1a: {  	[spmem:s13], [sflag:s12] =	dma.local [hbm:s5], $0x2710  }
0x1b: {  	_ =	swait.ge [sflag:s10], $0x2710  }
0x1c: {  	[sflag:s10] =	ssyncset.done $0x0  }
0x1d: {  	[sflag:s10] =	ssyncadd.s32 $0xFFFFD8F0  }
0x1e: {  	[bflag:$0x0] =	sbarrier.arrive $0xFFFF  }
0x1f: {  	[tilespmem:s15], [sflag:$0x1] =	stream.indirect.gather [hbm4b:s2+s14], $0x80, s4, s14, $0xb8;
	[tilespmem:$0x1F400] =	vst v63  }
0x20: {  	_ = 	snop  }
0x21: {  	[tilespmem:s17], [sflag:$0x2] =	stream.indirect.gather [hbm4b:s2+s14], $0x80, s16, s14, $0xb8;
	[tilespmem:$0x1F400] =	vst v63  }
0x22: {  	_ = 	snop  }
0x23: {  	[tilespmem:s19], [sflag:$0x3] =	stream.indirect.gather [hbm4b:s2+s14], $0x80, s18, s14, $0xb8;
	[tilespmem:$0x1F400] =	vst v63  }
0x24: {  	_ = 	snop  }
0x25: {  	[tilespmem:s21], [sflag:$0x4] =	stream.indirect.gather [hbm4b:s2+s14], $0x80, s20, s14, $0xb8;
	[tilespmem:$0x1F400] =	vst v63  }
0x26: {  	_ =	swait.ge [sflag:s22], $0x1900  }
0x27: {  	[sflag:s22] =	ssyncset.done $0x0  }
0x28: {  	s11 =	simm.s32 $0x2BC0;
	[sflag:s22] =	ssyncadd.s32 $0xFFFFE700  }
0x29: {  	[spmem:s3] =	stream.indirect.scatter.add.f32 [tilespmem:s15], [sflag:$0x5], $0x80, s11, s14, $0xb8;
	[tilespmem:$0x1F400] =	vst v63  }
0x2a: {  	_ =	swait.ge [sflag:s10], $0x1900  }
0x2b: {  	[sflag:s10] =	ssyncset.done $0x0  }
0x2c: {  	s1 =	simm.s32 $0xE0;
	[sflag:s10] =	ssyncadd.s32 $0xFFFFE700  }
0x2d: {  	[tilespmem:s15], [sflag:$0x1] =	stream.indirect.gather [hbm4b:s2+s14], $0x80, s1, s14, $0xb8;
	[tilespmem:$0x1F400] =	vst v63  }
0x2e: {  	_ =	swait.ge [sflag:s23], $0x1900  }
0x2f: {  	[sflag:s23] =	ssyncset.done $0x0  }
0x30: {  	s11 =	simm.s32 $0x2BF8;
	[sflag:s23] =	ssyncadd.s32 $0xFFFFE700  }
0x31: {  	[spmem:s3] =	stream.indirect.scatter.add.f32 [tilespmem:s17], [sflag:$0x5], $0x80, s11, s14, $0xb8;
	[tilespmem:$0x1F400] =	vst v63  }
0x32: {  	_ =	swait.ge [sflag:s10], $0x1900  }
0x33: {  	[sflag:s10] =	ssyncset.done $0x0  }
0x34: {  	s1 =	simm.s32 $0x118;
	[sflag:s10] =	ssyncadd.s32 $0xFFFFE700  }
0x35: {  	[tilespmem:s17], [sflag:$0x2] =	stream.indirect.gather [hbm4b:s2+s14], $0x80, s1, s14, $0xb8;
	[tilespmem:$0x1F400] =	vst v63  }
0x36: {  	_ =	swait.ge [sflag:s24], $0x1900  }
0x37: {  	[sflag:s24] =	ssyncset.done $0x0  }
0x38: {  	s11 =	simm.s32 $0x2C30;
	[sflag:s24] =	ssyncadd.s32 $0xFFFFE700  }
0x39: {  	[spmem:s3] =	stream.indirect.scatter.add.f32 [tilespmem:s19], [sflag:$0x5], $0x80, s11, s14, $0xb8;
	[tilespmem:$0x1F400] =	vst v63  }
0x3a: {  	_ =	swait.ge [sflag:s10], $0x1900  }
0x3b: {  	[sflag:s10] =	ssyncset.done $0x0  }
0x3c: {  	s1 =	simm.s32 $0x150;
	[sflag:s10] =	ssyncadd.s32 $0xFFFFE700  }
0x3d: {  	[tilespmem:s19], [sflag:$0x3] =	stream.indirect.gather [hbm4b:s2+s14], $0x80, s1, s14, $0xb8;
	[tilespmem:$0x1F400] =	vst v63  }
0x3e: {  	_ =	swait.ge [sflag:s25], $0x1900  }
0x3f: {  	[sflag:s25] =	ssyncset.done $0x0  }
0x40: {  	s11 =	simm.s32 $0x2C68;
	[sflag:s25] =	ssyncadd.s32 $0xFFFFE700  }
0x41: {  	[spmem:s3] =	stream.indirect.scatter.add.f32 [tilespmem:s21], [sflag:$0x5], $0x80, s11, s14, $0xb8;
	[tilespmem:$0x1F400] =	vst v63  }
0x42: {  	_ =	swait.ge [sflag:s10], $0x1900  }
0x43: {  	[sflag:s10] =	ssyncset.done $0x0  }
0x44: {  	s0 =	simm.s32 $0x380;
	s1 =	simm.s32 $0x188;
	[sflag:s10] =	ssyncadd.s32 $0xFFFFE700  }
.LBB2_2:
0x45: {  	[tilespmem:s21], [sflag:$0x4] =	stream.indirect.gather [hbm4b:s2+s14], $0x80, s1, s14, $0xb8;
	[tilespmem:$0x1F400] =	vst v63  }
0x46: {  	s1 =	smov.u32 s0  }
0x47: {  	p0 =	sne.s32 s0, $0xA800;
	s0 =	sadd.s32 $0x380, s0;
	_ =	swait.ge [sflag:s22], $0x1900  }
0x48: {  	s1 =	sshra.s32 s1, $0x2;
	[sflag:s22] =	ssyncset.done $0x0  }
0x49: {  	s11 =	sadd.s32 $0x2BC0, s1;
	[sflag:s22] =	ssyncadd.s32 $0xFFFFE700  }
0x4a: {  	[spmem:s3] =	stream.indirect.scatter.add.f32 [tilespmem:s15], [sflag:$0x5], $0x80, s11, s14, $0xb8;
	[tilespmem:$0x1F400] =	vst v63  }
0x4b: {  	_ =	swait.ge [sflag:s10], $0x1900  }
0x4c: {  	[sflag:s10] =	ssyncset.done $0x0  }
0x4d: {  	s11 =	sadd.s32 $0xE0, s1;
	[sflag:s10] =	ssyncadd.s32 $0xFFFFE700  }
0x4e: {  	[tilespmem:s15], [sflag:$0x1] =	stream.indirect.gather [hbm4b:s2+s14], $0x80, s11, s14, $0xb8;
	[tilespmem:$0x1F400] =	vst v63  }
0x4f: {  	_ =	swait.ge [sflag:s23], $0x1900  }
0x50: {  	[sflag:s23] =	ssyncset.done $0x0  }
0x51: {  	s11 =	sadd.s32 $0x2BF8, s1;
	[sflag:s23] =	ssyncadd.s32 $0xFFFFE700  }
0x52: {  	[spmem:s3] =	stream.indirect.scatter.add.f32 [tilespmem:s17], [sflag:$0x5], $0x80, s11, s14, $0xb8;
	[tilespmem:$0x1F400] =	vst v63  }
0x53: {  	_ =	swait.ge [sflag:s10], $0x1900  }
0x54: {  	[sflag:s10] =	ssyncset.done $0x0  }
0x55: {  	s11 =	sadd.s32 $0x118, s1;
	[sflag:s10] =	ssyncadd.s32 $0xFFFFE700  }
0x56: {  	[tilespmem:s17], [sflag:$0x2] =	stream.indirect.gather [hbm4b:s2+s14], $0x80, s11, s14, $0xb8;
	[tilespmem:$0x1F400] =	vst v63  }
0x57: {  	_ =	swait.ge [sflag:s24], $0x1900  }
0x58: {  	[sflag:s24] =	ssyncset.done $0x0  }
0x59: {  	s11 =	sadd.s32 $0x2C30, s1;
	[sflag:s24] =	ssyncadd.s32 $0xFFFFE700  }
0x5a: {  	[spmem:s3] =	stream.indirect.scatter.add.f32 [tilespmem:s19], [sflag:$0x5], $0x80, s11, s14, $0xb8;
	[tilespmem:$0x1F400] =	vst v63  }
0x5b: {  	_ =	swait.ge [sflag:s10], $0x1900  }
0x5c: {  	[sflag:s10] =	ssyncset.done $0x0  }
0x5d: {  	s11 =	sadd.s32 $0x150, s1;
	[sflag:s10] =	ssyncadd.s32 $0xFFFFE700  }
0x5e: {  	[tilespmem:s19], [sflag:$0x3] =	stream.indirect.gather [hbm4b:s2+s14], $0x80, s11, s14, $0xb8;
	[tilespmem:$0x1F400] =	vst v63  }
0x5f: {  	_ =	swait.ge [sflag:s25], $0x1900  }
0x60: {  	[sflag:s25] =	ssyncset.done $0x0  }
.Ltmp0:
0x61: {  	s11 =	sadd.s32 $0x2C68, s1;
	[sflag:s25] =	ssyncadd.s32 $0xFFFFE700;
	(pc) =	sbr.rel @p0 .LBB2_2-.Ltmp0, $4  }
0x62: {  	[spmem:s3] =	stream.indirect.scatter.add.f32 [tilespmem:s21], [sflag:$0x5], $0x80, s11, s14, $0xb8;
	[tilespmem:$0x1F400] =	vst v63  }
0x63: {  	_ =	swait.ge [sflag:s10], $0x1900  }
0x64: {  	[sflag:s10] =	ssyncset.done $0x0  }
0x65: {  	s1 =	sadd.s32 $0x188, s1;
	[sflag:s10] =	ssyncadd.s32 $0xFFFFE700  }
0x66: {  	[tilespmem:s21], [sflag:$0x4] =	stream.indirect.gather [hbm4b:s2+s14], $0x80, s1, s14, $0xb8;
	[tilespmem:$0x1F400] =	vst v63  }
0x67: {  	_ =	swait.ge [sflag:s22], $0x1900  }
0x68: {  	[sflag:s22] =	ssyncset.done $0x0  }
0x69: {  	[sflag:s22] =	ssyncadd.s32 $0xFFFFE700  }
0x6a: {  	[spmem:s3] =	stream.indirect.scatter.add.f32 [tilespmem:s15], [sflag:$0x5], $0x80, s26, s14, $0xb8;
	[tilespmem:$0x1F400] =	vst v63  }
0x6b: {  	_ =	swait.ge [sflag:s10], $0x1900  }
0x6c: {  	[sflag:s10] =	ssyncset.done $0x0  }
0x6d: {  	[sflag:s10] =	ssyncadd.s32 $0xFFFFE700  }
0x6e: {  	_ =	swait.ge [sflag:s23], $0x1900  }
0x6f: {  	[sflag:s23] =	ssyncset.done $0x0  }
0x70: {  	[sflag:s23] =	ssyncadd.s32 $0xFFFFE700  }
0x71: {  	[spmem:s3] =	stream.indirect.scatter.add.f32 [tilespmem:s17], [sflag:$0x5], $0x80, s28, s14, $0xb8;
	[tilespmem:$0x1F400] =	vst v63  }
0x72: {  	_ =	swait.ge [sflag:s10], $0x1900  }
0x73: {  	[sflag:s10] =	ssyncset.done $0x0  }
0x74: {  	[sflag:s10] =	ssyncadd.s32 $0xFFFFE700  }
0x75: {  	_ =	swait.ge [sflag:s24], $0x1900  }
0x76: {  	[sflag:s24] =	ssyncset.done $0x0  }
0x77: {  	[sflag:s24] =	ssyncadd.s32 $0xFFFFE700  }
0x78: {  	[spmem:s3] =	stream.indirect.scatter.add.f32 [tilespmem:s19], [sflag:$0x5], $0x80, s29, s14, $0xb8;
	[tilespmem:$0x1F400] =	vst v63  }
0x79: {  	_ =	swait.ge [sflag:s10], $0x1900  }
0x7a: {  	[sflag:s10] =	ssyncset.done $0x0  }
0x7b: {  	[sflag:s10] =	ssyncadd.s32 $0xFFFFE700  }
0x7c: {  	_ =	swait.ge [sflag:s25], $0x1900  }
0x7d: {  	[sflag:s25] =	ssyncset.done $0x0  }
0x7e: {  	[sflag:s25] =	ssyncadd.s32 $0xFFFFE700  }
0x7f: {  	[spmem:s3] =	stream.indirect.scatter.add.f32 [tilespmem:s21], [sflag:$0x5], $0x80, s30, s14, $0xb8;
	[tilespmem:$0x1F400] =	vst v63  }
0x80: {  	_ =	swait.ge [sflag:s10], $0x1900  }
0x81: {  	s31 =	sadd.s32 $0x1, s31;
	[sflag:s10] =	ssyncset.done $0x0  }
0x82: {  	p0 =	sne.s32 s31, s9;
	[sflag:s10] =	ssyncadd.s32 $0xFFFFE700  }
.Ltmp1:
0x83: {  	[bflag:$0x0] =	sbarrier.arrive $0xFFFF;
	(pc) =	sbr.rel @p0 .LBB2_1-.Ltmp1, $4  }
0x84: {  	[hbm:s8], [sflag:s12] =	dma.local [spmem:s13], $0x2710  }
0x85: {  	_ =	swait.ge [sflag:s10], $0x2710  }
0x86: {  	[sflag:s10] =	ssyncset.done $0x0  }
0x87: {  	[sflag:s10] =	ssyncadd.s32 $0xFFFFD8F0  }
0x88: {  	_ =	sfence.sel $0x180000  }
0x89: {  	[bflag:$0x0] =	sbarrier.arrive $0xFFFF  }
0x8a: {  	_ =	strace $0x90000050  }
0x8b: {  	s0 =	stileid.u32;
	[bflag:$0x2] =	sbarrier.arrive $0xFFFF  }
0x8c: {  	p0 =	sne.s32 s0, $0x0;
	s0 =	rddreg [dreg:$0x3]  }
0x8d: {  	s0 =	sadd.s32 @!p0 $0x100000, s0  }
0x8e: {  	[sflag:s0] =	ssyncadd.tile.s32 @!p0 $0x1;
	_ =	shalt  }
.Lfunc_end2:
_tile_overlayer_lowered:
.L_overlay_start_2:
0x8f: {  	(tag) =	ssettag $0x2  }
0x90: {  	s0 =	rddreg [dreg:$0x0];
	s2 =	stileid.u32  }
0x91: {  	s1 =	rddreg [dreg:$0x1];
	p0 =	sne.s32 s2, $0x0  }
0x92: {  	s3 =	rddreg [dreg:$0x2];
	[bflag:$0x3] =	sbarrier.arrive $0xFFFF;
	s2 =	simm.s32 @!p0 $0x1C05  }
0x93: {  	[timem:s3], [sflag:s2] =	dma.local @!p0 [hbm:s0], s1  }
0x94: {  	s0 =	simm.s32 @!p0 $0x5  }
0x95: {  	_ =	swait.ge @!p0 [sflag:s0], s1  }
0x96: {  	s1 =	ssub.s32 @!p0 $0x0, s1;
	[sflag:s0] =	ssyncset.done @!p0 $0x0  }
0x97: {  	[sflag:s0] =	ssyncadd.s32 @!p0 s1  }
0x98: {  	[bflag:$0x3] =	sbarrier.arrive $0xFFFF  }
0x99: {  	_ =	shalt  }

</sc_bundles>
